<compile_context>
chip_gen: v7x
topology: tpu7x:2x2x1
jax: 0.10.2.dev20260603
libtpu: 0.0.44.dev20260713+nightly
codegen_flags: <defaults>
</compile_context>

<pallas_src>
import functools

import jax
import jax.numpy as jnp
from jax import lax
from jax.experimental import pallas as pl
from jax.experimental.pallas import tpu as pltpu
from jax.experimental.pallas import tpu_sc as plsc

EMB = 128
TIME = 128
EDGE = 16
KN = 16
H = 8
QD = EMB + TIME
KD = EMB + EDGE + TIME
KDIM = KD * KN
N = 2048
DH = QD // H

NC = 2
NS = 16
NW = NC * NS
NPW = N // NW
NBUF = 12


def _sc_gather(features, idxn2d, idxt3d):
  mesh = plsc.VectorSubcoreMesh(core_axis_name="c", subcore_axis_name="s")

  @functools.partial(
      pl.kernel,
      mesh=mesh,
      out_type=[
          jax.ShapeDtypeStruct((N, KN * EMB), jnp.float32),
          jax.ShapeDtypeStruct((N, EMB), jnp.float32),
      ],
      compiler_params=pltpu.CompilerParams(use_tc_tiling_on_sc=True),
      scratch_types=[
          pltpu.VMEM((KN, NPW), jnp.int32),
          pltpu.VMEM((NPW,), jnp.int32),
          pltpu.VMEM((NPW, EMB), jnp.float32),
      ] + [pltpu.VMEM((NPW, EMB), jnp.float32)] * NBUF
        + [pltpu.SemaphoreType.DMA] * (2 * NBUF + 1),
  )
  def gather_kernel(table_hbm, idxn_hbm, idx_hbm, out_nbr, out_node,
                    idx_v, idxn_v, nbuf, *rest):
    bufs = rest[:NBUF]
    gsems = rest[NBUF:2 * NBUF]
    osems = rest[2 * NBUF:3 * NBUF]
    nsem = rest[3 * NBUF]
    wid = lax.axis_index("s") * NC + lax.axis_index("c")
    pltpu.sync_copy(idx_hbm.at[wid], idx_v)
    pltpu.sync_copy(idxn_hbm.at[wid], idxn_v)
    ncp = pltpu.async_copy(table_hbm.at[idxn_v], nbuf, nsem)
    G = [None] * KN
    O = [None] * KN
    for j in range(min(NBUF, KN)):
      G[j] = pltpu.async_copy(table_hbm.at[idx_v.at[j]], bufs[j], gsems[j])
    for j in range(KN):
      i = j % NBUF
      G[j].wait()
      O[j] = pltpu.async_copy(
          bufs[i],
          out_nbr.at[pl.ds(wid * NPW, NPW), pl.ds(j * EMB, EMB)],
          osems[i])
      nxt = j + NBUF
      if nxt < KN:
        O[j].wait()
        G[nxt] = pltpu.async_copy(table_hbm.at[idx_v.at[nxt]], bufs[i],
                                  gsems[i])
    ncp.wait()
    pltpu.sync_copy(nbuf, out_node.at[pl.ds(wid * NPW, NPW)])
    for j in range(max(KN - NBUF, 0), KN):
      O[j].wait()

  return gather_kernel(features, idxn2d, idxt3d)


def _dot(a, b):
  return lax.dot_general(a, b, (((1,), (0,)), ((), ())),
                         preferred_element_type=jnp.float32)


def _dot_t(a, b):
  return lax.dot_general(a, b, (((1,), (1,)), ((), ())),
                         preferred_element_type=jnp.float32)


def _regroup_body(kw_ref, vw_ref, ak_ref, bk_ref, ck_ref,
                  av_ref, bv_ref, cv_ref):
  kw = kw_ref[...]
  vw = vw_ref[...]
  for w, a_r, b_r, c_r in ((kw, ak_ref, bk_ref, ck_ref),
                           (vw, av_ref, bv_ref, cv_ref)):
    for j in range(KN):
      base = j * KD
      a_r[:, j * EMB:(j + 1) * EMB] = w[:, base:base + EMB]
      b_r[:, j * EDGE:(j + 1) * EDGE] = w[:, base + EMB:base + EMB + EDGE]
      c_r[:, j * TIME:(j + 1) * TIME] = w[:, base + EMB + EDGE:base + KD]


def _regroup(k_w, v_w, interpret=False):
  one = lambda shape: pl.BlockSpec(shape, lambda: (0, 0))
  big = jax.ShapeDtypeStruct((QD, KN * EMB), jnp.float32)
  sml = jax.ShapeDtypeStruct((QD, KN * EDGE), jnp.float32)
  return pl.pallas_call(
      _regroup_body,
      in_specs=[one((QD, KDIM)), one((QD, KDIM))],
      out_specs=[one((QD, KN * EMB)), one((QD, KN * EDGE)),
                 one((QD, KN * TIME))] * 2,
      out_shape=[big, sml, big, big, sml, big],
      interpret=interpret,
  )(k_w, v_w)


def _proj_et_body(edge_ref, time_ref, bk_ref, ck_ref, bv_ref, cv_ref,
                  inb_ref, kp_ref, vp_ref):
  kp_ref[...] = (_dot_t(edge_ref[...], bk_ref[...]) +
                 _dot_t(time_ref[...], ck_ref[...]) + inb_ref[1:2, :])
  vp_ref[...] = (_dot_t(edge_ref[...], bv_ref[...]) +
                 _dot_t(time_ref[...], cv_ref[...]) + inb_ref[2:3, :])


def _proj_nbr_body(node_ref, nbr_ref, qw_ref, ak_ref, av_ref, inb_ref,
                   kp_ref, vp_ref, q_ref, k_ref, v_ref):
  q_ref[...] = _dot_t(node_ref[...], qw_ref[...]) + inb_ref[0:1, :]
  k_ref[...] = _dot_t(nbr_ref[...], ak_ref[...]) + kp_ref[...]
  v_ref[...] = _dot_t(nbr_ref[...], av_ref[...]) + vp_ref[...]


def _attn_body(q_ref, k_ref, v_ref, node_ref, outw_ref, outb_ref,
               w1n_ref, w1a_ref, b1_ref, w2_ref, b2_ref, o_ref, ctx_ref):
  scale2 = float(1.4426950408889634 / (DH ** 0.5))
  q = q_ref[...] * scale2
  k = k_ref[...]
  v = v_ref[...]
  ones = jnp.ones((N, 1), jnp.float32)
  for h in range(H):
    sl = slice(h * DH, (h + 1) * DH)
    s = _dot_t(q[:, sl], k[:, sl])
    e = jnp.exp2(s)
    u = _dot(e, jnp.concatenate([v[:, sl], ones], axis=1))
    ctx_ref[:, sl] = u[:, :DH] * (1.0 / u[:, DH:DH + 1])
  attn = _dot_t(ctx_ref[...], outw_ref[...]) + outb_ref[...]
  h1 = jnp.maximum(
      _dot_t(node_ref[...], w1n_ref[...]) + _dot_t(attn, w1a_ref[...])
      + b1_ref[...], 0.0)
  o_ref[...] = _dot_t(h1, w2_ref[...]) + b2_ref[...]


def _proj_et(edge_flat, time_flat, bk, ck, bv, cv, inb3, interpret=False):
  BN = 256
  full = lambda shape: pl.BlockSpec(shape, lambda i: (0, 0))
  row = lambda shape: pl.BlockSpec(shape, lambda i: (i, 0))
  return pl.pallas_call(
      _proj_et_body,
      grid=(N // BN,),
      in_specs=[
          row((BN, KN * EDGE)), row((BN, KN * TIME)),
          full((QD, KN * EDGE)), full((QD, KN * TIME)),
          full((QD, KN * EDGE)), full((QD, KN * TIME)), full((8, QD)),
      ],
      out_specs=[row((BN, QD)), row((BN, QD))],
      out_shape=[jax.ShapeDtypeStruct((N, QD), jnp.float32)] * 2,
      interpret=interpret,
  )(edge_flat, time_flat, bk, ck, bv, cv, inb3)


def _dense(node_emb, nbr_flat, kpart, vpart, qw_e,
           ak, av, inb3, outw, outb2, w1n, w1a, b12,
           w2, b22, interpret=False):
  BN = 256
  full = lambda shape: pl.BlockSpec(shape, lambda i: (0, 0))
  row = lambda shape: pl.BlockSpec(shape, lambda i: (i, 0))
  q, k, v = pl.pallas_call(
      _proj_nbr_body,
      grid=(N // BN,),
      in_specs=[
          row((BN, EMB)), row((BN, KN * EMB)),
          full((QD, EMB)), full((QD, KN * EMB)), full((QD, KN * EMB)),
          full((8, QD)), row((BN, QD)), row((BN, QD)),
      ],
      out_specs=[row((BN, QD)), row((BN, QD)), row((BN, QD))],
      out_shape=[jax.ShapeDtypeStruct((N, QD), jnp.float32)] * 3,
      interpret=interpret,
  )(node_emb, nbr_flat, qw_e, ak, av, inb3, kpart, vpart)

  BQ = 1024
  out = pl.pallas_call(
      _attn_body,
      grid=(N // BQ,),
      in_specs=[
          pl.BlockSpec((BQ, QD), lambda i: (i, 0)),
          pl.BlockSpec((N, QD), lambda i: (0, 0)),
          pl.BlockSpec((N, QD), lambda i: (0, 0)),
          pl.BlockSpec((BQ, EMB), lambda i: (i, 0)),
          full((QD, QD)), full((1, QD)),
          full((EMB, EMB)), full((EMB, QD)), full((1, EMB)),
          full((EMB, EMB)), full((1, EMB)),
      ],
      out_specs=pl.BlockSpec((BQ, EMB), lambda i: (i, 0)),
      out_shape=jax.ShapeDtypeStruct((N, EMB), jnp.float32),
      scratch_shapes=[pltpu.VMEM((BQ, QD), jnp.float32)],
      interpret=interpret,
  )(q, k, v, node_emb, outw, outb2, w1n, w1a, b12, w2, b22)
  return out


def kernel(features, edge_feats, time_feats, q_w, k_w, v_w, in_b, out_w,
           out_b, w1, b1, w2, b2, neighbor_idx, node_idx):
  n = node_idx.shape[0]
  idxt3d = neighbor_idx.astype(jnp.int32).reshape(NW, NPW, KN).transpose(0, 2, 1)
  idxn2d = node_idx.astype(jnp.int32).reshape(NW, NPW)
  nbr_flat, node_emb = _sc_gather(features, idxn2d, idxt3d)

  ak, bk, ck, av, bv, cv = _regroup(k_w, v_w)
  qw_e = q_w[:, :EMB]
  inb3 = jnp.zeros((8, QD), jnp.float32).at[:3].set(in_b.reshape(3, QD))
  edge_flat = edge_feats.reshape(n, KN * EDGE)
  time_flat = time_feats.reshape(n, KN * TIME)
  kpart, vpart = _proj_et(edge_flat, time_flat, bk, ck, bv, cv, inb3)

  return _dense(node_emb, nbr_flat, kpart, vpart, qw_e,
                ak, av, inb3,
                out_w, out_b.reshape(1, QD), w1[:, :EMB], w1[:, EMB:],
                b1.reshape(1, EMB), w2, b2.reshape(1, EMB))

# --- scband reference (transcript-rebuilt; emitter-appended) ---
"""Pipeline reference for scband-tgnlayer-graph-attention-embedding-48747878810095 (READ-ONLY COPY).

The authoritative reference and input builder live on the scoring server;
editing this copy changes nothing except your own understanding.
"""

import jax, jax.numpy as jnp
import numpy as np

EMB = 128   # embedding_dimension
TIME = 128  # time_encoding_dim
EDGE = 16   # edge_feature_dim
KN = 16     # num_neighbors
H = 8       # num_attention_heads
QD = EMB + TIME          # query_dim = 256
KD = EMB + EDGE + TIME   # key_dim = 272
KDIM = KD * KN           # MHA kdim/vdim = 4352
N_TOTAL = 100000
N = 2048


def setup_inputs(seed: int = 0) -> dict:
    key = jax.random.key(seed)
    ks = jax.random.split(key, 12)
    s = 0.05
    features = jax.random.normal(ks[0], (N_TOTAL, EMB), dtype=jnp.float32)
    neighbor_idx = jax.random.randint(ks[1], (N, KN), 0, N_TOTAL, dtype=jnp.int64)
    node_idx = jax.random.randint(ks[2], (N,), 0, N_TOTAL, dtype=jnp.int64)
    edge_feats = jax.random.normal(ks[3], (N, KN, EDGE), dtype=jnp.float32)
    time_feats = jax.random.normal(ks[4], (N, KN, TIME), dtype=jnp.float32)
    # MultiheadAttention params (separate q/k/v projections since kdim != embed_dim)
    q_w = jax.random.normal(ks[5], (QD, QD), dtype=jnp.float32) * s
    k_w = jax.random.normal(ks[6], (QD, KDIM), dtype=jnp.float32) * s
    v_w = jax.random.normal(ks[7], (QD, KDIM), dtype=jnp.float32) * s
    in_b = jnp.zeros((3 * QD,), dtype=jnp.float32)
    out_w = jax.random.normal(ks[8], (QD, QD), dtype=jnp.float32) * s
    out_b = jnp.zeros((QD,), dtype=jnp.float32)
    # MLP([QD + EMB, EMB, EMB])
    w1 = jax.random.normal(ks[9], (EMB, QD + EMB), dtype=jnp.float32) * s
    b1 = jnp.zeros((EMB,), dtype=jnp.float32)
    w2 = jax.random.normal(ks[10], (EMB, EMB), dtype=jnp.float32) * s
    b2 = jnp.zeros((EMB,), dtype=jnp.float32)
    return {
        'features': features, 'edge_feats': edge_feats, 'time_feats': time_feats,
        'q_w': q_w, 'k_w': k_w, 'v_w': v_w, 'in_b': in_b, 'out_w': out_w, 'out_b': out_b,
        'w1': w1, 'b1': b1, 'w2': w2, 'b2': b2,
        'neighbor_idx': neighbor_idx, 'node_idx': node_idx,
    }


def reference(features, edge_feats, time_feats, q_w, k_w, v_w, in_b, out_w, out_b, w1, b1, w2, b2, neighbor_idx, node_idx):
    n = node_idx.shape[0]
    # _aggregate: gather neighbor features, concat edge + time features, flatten per node
    nbr = features[neighbor_idx]                                   # [N, KN, EMB]
    agg = jnp.concatenate([nbr, edge_feats, time_feats], axis=-1)  # [N, KN, KD]
    agg = agg.reshape(n, KN * KD)                                  # [N, KDIM]
    # query: node embedding concat zero time encoding
    q_in = jnp.concatenate([features[node_idx], jnp.zeros((n, TIME), dtype=features.dtype)], axis=1)  # [N, QD]
    # MultiheadAttention (batch of 1, sequence length N)
    q = q_in @ q_w.T + in_b[:QD]
    k = agg @ k_w.T + in_b[QD:2 * QD]
    v = agg @ v_w.T + in_b[2 * QD:]
    dh = QD // H
    qh = q.reshape(n, H, dh).transpose(1, 0, 2)  # [H, N, dh]
    kh = k.reshape(n, H, dh).transpose(1, 0, 2)
    vh = v.reshape(n, H, dh).transpose(1, 0, 2)
    scale = 1.0 / np.sqrt(dh).astype(np.float32)
    scores = (qh @ kh.transpose(0, 2, 1)) * scale  # [H, N, N]
    attn = jax.nn.softmax(scores, axis=-1)
    ctx = (attn @ vh).transpose(1, 0, 2).reshape(n, QD)
    attn_out = ctx @ out_w.T + out_b
    # concat with node embedding, MLP
    cat = jnp.concatenate([features[node_idx], attn_out], axis=1)  # [N, QD + EMB]
    h = jax.nn.relu(cat @ w1.T + b1)
    out = h @ w2.T + b2
    return out

if __name__ == "__main__":
    import jax
    _d = setup_inputs()
    print(jax.jit(kernel)(*tuple(_d.values())))

</pallas_src>

<mosaic_0001>
#map = affine_map<(d0, d1) -> (0, 0)>
#map1 = affine_map<(d0, d1) -> (0, 0, 0)>
module attributes {stable_mosaic.version = 14 : i64} {
  func.func @gather_kernel(%arg0: i32, %arg1: i32, %arg2: memref<100000x128xf32, #tpu.memory_space<hbm>>, %arg3: memref<32x64xi32, #tpu.memory_space<hbm>>, %arg4: memref<32x16x64xi32, #tpu.memory_space<hbm>>, %arg5: memref<2048x2048xf32, #tpu.memory_space<hbm>>, %arg6: memref<2048x128xf32, #tpu.memory_space<hbm>>, %arg7: memref<16x64xi32, #tpu.memory_space<vmem>>, %arg8: memref<64xi32, #tpu.memory_space<vmem>>, %arg9: memref<64x128xf32, #tpu.memory_space<vmem>>, %arg10: memref<64x128xf32, #tpu.memory_space<vmem>>, %arg11: memref<64x128xf32, #tpu.memory_space<vmem>>, %arg12: memref<64x128xf32, #tpu.memory_space<vmem>>, %arg13: memref<64x128xf32, #tpu.memory_space<vmem>>, %arg14: memref<64x128xf32, #tpu.memory_space<vmem>>, %arg15: memref<64x128xf32, #tpu.memory_space<vmem>>, %arg16: memref<64x128xf32, #tpu.memory_space<vmem>>, %arg17: memref<64x128xf32, #tpu.memory_space<vmem>>, %arg18: memref<64x128xf32, #tpu.memory_space<vmem>>, %arg19: memref<64x128xf32, #tpu.memory_space<vmem>>, %arg20: memref<64x128xf32, #tpu.memory_space<vmem>>, %arg21: memref<64x128xf32, #tpu.memory_space<vmem>>, %arg22: memref<!tpu.dma_semaphore, #tpu.memory_space<semaphore_mem>>, %arg23: memref<!tpu.dma_semaphore, #tpu.memory_space<semaphore_mem>>, %arg24: memref<!tpu.dma_semaphore, #tpu.memory_space<semaphore_mem>>, %arg25: memref<!tpu.dma_semaphore, #tpu.memory_space<semaphore_mem>>, %arg26: memref<!tpu.dma_semaphore, #tpu.memory_space<semaphore_mem>>, %arg27: memref<!tpu.dma_semaphore, #tpu.memory_space<semaphore_mem>>, %arg28: memref<!tpu.dma_semaphore, #tpu.memory_space<semaphore_mem>>, %arg29: memref<!tpu.dma_semaphore, #tpu.memory_space<semaphore_mem>>, %arg30: memref<!tpu.dma_semaphore, #tpu.memory_space<semaphore_mem>>, %arg31: memref<!tpu.dma_semaphore, #tpu.memory_space<semaphore_mem>>, %arg32: memref<!tpu.dma_semaphore, #tpu.memory_space<semaphore_mem>>, %arg33: memref<!tpu.dma_semaphore, #tpu.memory_space<semaphore_mem>>, %arg34: memref<!tpu.dma_semaphore, #tpu.memory_space<semaphore_mem>>, %arg35: memref<!tpu.dma_semaphore, #tpu.memory_space<semaphore_mem>>, %arg36: memref<!tpu.dma_semaphore, #tpu.memory_space<semaphore_mem>>, %arg37: memref<!tpu.dma_semaphore, #tpu.memory_space<semaphore_mem>>, %arg38: memref<!tpu.dma_semaphore, #tpu.memory_space<semaphore_mem>>, %arg39: memref<!tpu.dma_semaphore, #tpu.memory_space<semaphore_mem>>, %arg40: memref<!tpu.dma_semaphore, #tpu.memory_space<semaphore_mem>>, %arg41: memref<!tpu.dma_semaphore, #tpu.memory_space<semaphore_mem>>, %arg42: memref<!tpu.dma_semaphore, #tpu.memory_space<semaphore_mem>>, %arg43: memref<!tpu.dma_semaphore, #tpu.memory_space<semaphore_mem>>, %arg44: memref<!tpu.dma_semaphore, #tpu.memory_space<semaphore_mem>>, %arg45: memref<!tpu.dma_semaphore, #tpu.memory_space<semaphore_mem>>, %arg46: memref<!tpu.dma_semaphore, #tpu.memory_space<semaphore_mem>>) attributes {dimension_semantics = [#tpu.dimension_semantics<core_parallel>, #tpu.dimension_semantics<subcore_parallel>], iteration_bounds = array<i64: 2, 16>, scalar_prefetch = 0 : i64, scratch_operands = 40 : i64, tpu.core_type = #tpu.core_type<sc_vector_subcore>, window_params = [{transform_indices = #map}, {transform_indices = #map}, {transform_indices = #map1}, {transform_indices = #map}, {transform_indices = #map}]} {
    %mul3A = arith.constant 2 : i32
    %mul3A_0 = arith.muli %arg1, %mul3A : i32
    %add3A = arith.addi %mul3A_0, %arg0 : i32
    "tpu.region"() ({
      %run_scoped3A = tpu.sem_alloc : memref<!tpu.dma_semaphore, #tpu.memory_space<semaphore_mem>>
      %dma_start3A_391 = arith.constant 0 : i32
      %dma_start3A_392 = arith.constant 0 : i32
      %dma_start3A_393 = tpu.memref_slice %arg4[%add3A, %dma_start3A_391, %dma_start3A_392] : memref<32x16x64xi32, #tpu.memory_space<hbm>> -> memref<1x16x64xi32, #tpu.memory_space<hbm>>
      %dma_start3A_394 = tpu.memref_squeeze %dma_start3A_393 : memref<1x16x64xi32, #tpu.memory_space<hbm>> -> memref<16x64xi32, #tpu.memory_space<hbm>>
      %dma_start3A_395 = arith.constant 0 : i32
      %dma_start3A_396 = arith.constant 0 : i32
      %dma_start3A_397 = tpu.memref_slice %arg4[%add3A, %dma_start3A_395, %dma_start3A_396] : memref<32x16x64xi32, #tpu.memory_space<hbm>> -> memref<1x16x64xi32, #tpu.memory_space<hbm>>
      %dma_start3A_398 = tpu.memref_squeeze %dma_start3A_397 : memref<1x16x64xi32, #tpu.memory_space<hbm>> -> memref<16x64xi32, #tpu.memory_space<hbm>>
      tpu.enqueue_dma source(%dma_start3A_398 : memref<16x64xi32, #tpu.memory_space<hbm>>) target(%arg7 : memref<16x64xi32, #tpu.memory_space<vmem>>) target_semaphore(%run_scoped3A : memref<!tpu.dma_semaphore, #tpu.memory_space<semaphore_mem>>)
      %dma_wait3A_399 = arith.constant 0 : i32
      %dma_wait3A_400 = arith.constant 0 : i32
      %dma_wait3A_401 = tpu.memref_slice %arg4[%add3A, %dma_wait3A_399, %dma_wait3A_400] : memref<32x16x64xi32, #tpu.memory_space<hbm>> -> memref<1x16x64xi32, #tpu.memory_space<hbm>>
      %dma_wait3A_402 = tpu.memref_squeeze %dma_wait3A_401 : memref<1x16x64xi32, #tpu.memory_space<hbm>> -> memref<16x64xi32, #tpu.memory_space<hbm>>
      %dma_wait3A_403 = arith.constant 0 : i32
      %dma_wait3A_404 = arith.constant 0 : i32
      %dma_wait3A_405 = tpu.memref_slice %arg4[%add3A, %dma_wait3A_403, %dma_wait3A_404] : memref<32x16x64xi32, #tpu.memory_space<hbm>> -> memref<1x16x64xi32, #tpu.memory_space<hbm>>
      %dma_wait3A_406 = tpu.memref_squeeze %dma_wait3A_405 : memref<1x16x64xi32, #tpu.memory_space<hbm>> -> memref<16x64xi32, #tpu.memory_space<hbm>>
      tpu.wait_dma2 semaphore(%run_scoped3A : memref<!tpu.dma_semaphore, #tpu.memory_space<semaphore_mem>>) src(%dma_wait3A_406 : memref<16x64xi32, #tpu.memory_space<hbm>>) dst(%arg7 : memref<16x64xi32, #tpu.memory_space<vmem>>)
      tpu.yield
    }) : () -> ()
    "tpu.region"() ({
      %run_scoped3A = tpu.sem_alloc : memref<!tpu.dma_semaphore, #tpu.memory_space<semaphore_mem>>
      %dma_start3A_391 = arith.constant 0 : i32
      %dma_start3A_392 = tpu.memref_slice %arg3[%add3A, %dma_start3A_391] : memref<32x64xi32, #tpu.memory_space<hbm>> -> memref<1x64xi32, #tpu.memory_space<hbm>>
      %dma_start3A_393 = tpu.memref_squeeze %dma_start3A_392 : memref<1x64xi32, #tpu.memory_space<hbm>> -> memref<64xi32, #tpu.memory_space<hbm>>
      %dma_start3A_394 = arith.constant 0 : i32
      %dma_start3A_395 = tpu.memref_slice %arg3[%add3A, %dma_start3A_394] : memref<32x64xi32, #tpu.memory_space<hbm>> -> memref<1x64xi32, #tpu.memory_space<hbm>>
      %dma_start3A_396 = tpu.memref_squeeze %dma_start3A_395 : memref<1x64xi32, #tpu.memory_space<hbm>> -> memref<64xi32, #tpu.memory_space<hbm>>
      tpu.enqueue_dma source(%dma_start3A_396 : memref<64xi32, #tpu.memory_space<hbm>>) target(%arg8 : memref<64xi32, #tpu.memory_space<vmem>>) target_semaphore(%run_scoped3A : memref<!tpu.dma_semaphore, #tpu.memory_space<semaphore_mem>>)
      %dma_wait3A_397 = arith.constant 0 : i32
      %dma_wait3A_398 = tpu.memref_slice %arg3[%add3A, %dma_wait3A_397] : memref<32x64xi32, #tpu.memory_space<hbm>> -> memref<1x64xi32, #tpu.memory_space<hbm>>
      %dma_wait3A_399 = tpu.memref_squeeze %dma_wait3A_398 : memref<1x64xi32, #tpu.memory_space<hbm>> -> memref<64xi32, #tpu.memory_space<hbm>>
      %dma_wait3A_400 = arith.constant 0 : i32
      %dma_wait3A_401 = tpu.memref_slice %arg3[%add3A, %dma_wait3A_400] : memref<32x64xi32, #tpu.memory_space<hbm>> -> memref<1x64xi32, #tpu.memory_space<hbm>>
      %dma_wait3A_402 = tpu.memref_squeeze %dma_wait3A_401 : memref<1x64xi32, #tpu.memory_space<hbm>> -> memref<64xi32, #tpu.memory_space<hbm>>
      tpu.wait_dma2 semaphore(%run_scoped3A : memref<!tpu.dma_semaphore, #tpu.memory_space<semaphore_mem>>) src(%dma_wait3A_402 : memref<64xi32, #tpu.memory_space<hbm>>) dst(%arg8 : memref<64xi32, #tpu.memory_space<vmem>>)
      tpu.yield
    }) : () -> ()
    %dma_start3A = arith.constant 0 : i32
    %dma_start3A_1 = arith.constant 0 : i32
    %dma_start3A_2 = tpu.memref_slice %arg2[%dma_start3A, %dma_start3A_1] : memref<100000x128xf32, #tpu.memory_space<hbm>> -> memref<100000x128xf32, #tpu.memory_space<hbm>>
    tpu.enqueue_indirect_dma source(%dma_start3A_2 : memref<100000x128xf32, #tpu.memory_space<hbm>>) target(%arg9 : memref<64x128xf32, #tpu.memory_space<vmem>>) offsets(%arg8 : memref<64xi32, #tpu.memory_space<vmem>>) semaphore(%arg46 : memref<!tpu.dma_semaphore, #tpu.memory_space<semaphore_mem>>)
    %dma_start3A_3 = arith.constant 0 : i32
    %dma_start3A_4 = arith.constant 0 : i32
    %dma_start3A_5 = tpu.memref_slice %arg7[%dma_start3A_3, %dma_start3A_4] : memref<16x64xi32, #tpu.memory_space<vmem>> -> memref<1x64xi32, #tpu.memory_space<vmem>>
    %dma_start3A_6 = tpu.memref_squeeze %dma_start3A_5 : memref<1x64xi32, #tpu.memory_space<vmem>> -> memref<64xi32, #tpu.memory_space<vmem>>
    %dma_start3A_7 = arith.constant 0 : i32
    %dma_start3A_8 = arith.constant 0 : i32
    %dma_start3A_9 = tpu.memref_slice %arg2[%dma_start3A_7, %dma_start3A_8] : memref<100000x128xf32, #tpu.memory_space<hbm>> -> memref<100000x128xf32, #tpu.memory_space<hbm>>
    tpu.enqueue_indirect_dma source(%dma_start3A_9 : memref<100000x128xf32, #tpu.memory_space<hbm>>) target(%arg10 : memref<64x128xf32, #tpu.memory_space<vmem>>) offsets(%dma_start3A_6 : memref<64xi32, #tpu.memory_space<vmem>>) semaphore(%arg22 : memref<!tpu.dma_semaphore, #tpu.memory_space<semaphore_mem>>)
    %dma_start3A_10 = arith.constant 1 : i32
    %dma_start3A_11 = arith.constant 0 : i32
    %dma_start3A_12 = tpu.memref_slice %arg7[%dma_start3A_10, %dma_start3A_11] : memref<16x64xi32, #tpu.memory_space<vmem>> -> memref<1x64xi32, #tpu.memory_space<vmem>>
    %dma_start3A_13 = tpu.memref_squeeze %dma_start3A_12 : memref<1x64xi32, #tpu.memory_space<vmem>> -> memref<64xi32, #tpu.memory_space<vmem>>
    %dma_start3A_14 = arith.constant 0 : i32
    %dma_start3A_15 = arith.constant 0 : i32
    %dma_start3A_16 = tpu.memref_slice %arg2[%dma_start3A_14, %dma_start3A_15] : memref<100000x128xf32, #tpu.memory_space<hbm>> -> memref<100000x128xf32, #tpu.memory_space<hbm>>
    tpu.enqueue_indirect_dma source(%dma_start3A_16 : memref<100000x128xf32, #tpu.memory_space<hbm>>) target(%arg11 : memref<64x128xf32, #tpu.memory_space<vmem>>) offsets(%dma_start3A_13 : memref<64xi32, #tpu.memory_space<vmem>>) semaphore(%arg23 : memref<!tpu.dma_semaphore, #tpu.memory_space<semaphore_mem>>)
    %dma_start3A_17 = arith.constant 2 : i32
    %dma_start3A_18 = arith.constant 0 : i32
    %dma_start3A_19 = tpu.memref_slice %arg7[%dma_start3A_17, %dma_start3A_18] : memref<16x64xi32, #tpu.memory_space<vmem>> -> memref<1x64xi32, #tpu.memory_space<vmem>>
    %dma_start3A_20 = tpu.memref_squeeze %dma_start3A_19 : memref<1x64xi32, #tpu.memory_space<vmem>> -> memref<64xi32, #tpu.memory_space<vmem>>
    %dma_start3A_21 = arith.constant 0 : i32
    %dma_start3A_22 = arith.constant 0 : i32
    %dma_start3A_23 = tpu.memref_slice %arg2[%dma_start3A_21, %dma_start3A_22] : memref<100000x128xf32, #tpu.memory_space<hbm>> -> memref<100000x128xf32, #tpu.memory_space<hbm>>
    tpu.enqueue_indirect_dma source(%dma_start3A_23 : memref<100000x128xf32, #tpu.memory_space<hbm>>) target(%arg12 : memref<64x128xf32, #tpu.memory_space<vmem>>) offsets(%dma_start3A_20 : memref<64xi32, #tpu.memory_space<vmem>>) semaphore(%arg24 : memref<!tpu.dma_semaphore, #tpu.memory_space<semaphore_mem>>)
    %dma_start3A_24 = arith.constant 3 : i32
    %dma_start3A_25 = arith.constant 0 : i32
    %dma_start3A_26 = tpu.memref_slice %arg7[%dma_start3A_24, %dma_start3A_25] : memref<16x64xi32, #tpu.memory_space<vmem>> -> memref<1x64xi32, #tpu.memory_space<vmem>>
    %dma_start3A_27 = tpu.memref_squeeze %dma_start3A_26 : memref<1x64xi32, #tpu.memory_space<vmem>> -> memref<64xi32, #tpu.memory_space<vmem>>
    %dma_start3A_28 = arith.constant 0 : i32
    %dma_start3A_29 = arith.constant 0 : i32
    %dma_start3A_30 = tpu.memref_slice %arg2[%dma_start3A_28, %dma_start3A_29] : memref<100000x128xf32, #tpu.memory_space<hbm>> -> memref<100000x128xf32, #tpu.memory_space<hbm>>
    tpu.enqueue_indirect_dma source(%dma_start3A_30 : memref<100000x128xf32, #tpu.memory_space<hbm>>) target(%arg13 : memref<64x128xf32, #tpu.memory_space<vmem>>) offsets(%dma_start3A_27 : memref<64xi32, #tpu.memory_space<vmem>>) semaphore(%arg25 : memref<!tpu.dma_semaphore, #tpu.memory_space<semaphore_mem>>)
    %dma_start3A_31 = arith.constant 4 : i32
    %dma_start3A_32 = arith.constant 0 : i32
    %dma_start3A_33 = tpu.memref_slice %arg7[%dma_start3A_31, %dma_start3A_32] : memref<16x64xi32, #tpu.memory_space<vmem>> -> memref<1x64xi32, #tpu.memory_space<vmem>>
    %dma_start3A_34 = tpu.memref_squeeze %dma_start3A_33 : memref<1x64xi32, #tpu.memory_space<vmem>> -> memref<64xi32, #tpu.memory_space<vmem>>
    %dma_start3A_35 = arith.constant 0 : i32
    %dma_start3A_36 = arith.constant 0 : i32
    %dma_start3A_37 = tpu.memref_slice %arg2[%dma_start3A_35, %dma_start3A_36] : memref<100000x128xf32, #tpu.memory_space<hbm>> -> memref<100000x128xf32, #tpu.memory_space<hbm>>
    tpu.enqueue_indirect_dma source(%dma_start3A_37 : memref<100000x128xf32, #tpu.memory_space<hbm>>) target(%arg14 : memref<64x128xf32, #tpu.memory_space<vmem>>) offsets(%dma_start3A_34 : memref<64xi32, #tpu.memory_space<vmem>>) semaphore(%arg26 : memref<!tpu.dma_semaphore, #tpu.memory_space<semaphore_mem>>)
    %dma_start3A_38 = arith.constant 5 : i32
    %dma_start3A_39 = arith.constant 0 : i32
    %dma_start3A_40 = tpu.memref_slice %arg7[%dma_start3A_38, %dma_start3A_39] : memref<16x64xi32, #tpu.memory_space<vmem>> -> memref<1x64xi32, #tpu.memory_space<vmem>>
    %dma_start3A_41 = tpu.memref_squeeze %dma_start3A_40 : memref<1x64xi32, #tpu.memory_space<vmem>> -> memref<64xi32, #tpu.memory_space<vmem>>
    %dma_start3A_42 = arith.constant 0 : i32
    %dma_start3A_43 = arith.constant 0 : i32
    %dma_start3A_44 = tpu.memref_slice %arg2[%dma_start3A_42, %dma_start3A_43] : memref<100000x128xf32, #tpu.memory_space<hbm>> -> memref<100000x128xf32, #tpu.memory_space<hbm>>
    tpu.enqueue_indirect_dma source(%dma_start3A_44 : memref<100000x128xf32, #tpu.memory_space<hbm>>) target(%arg15 : memref<64x128xf32, #tpu.memory_space<vmem>>) offsets(%dma_start3A_41 : memref<64xi32, #tpu.memory_space<vmem>>) semaphore(%arg27 : memref<!tpu.dma_semaphore, #tpu.memory_space<semaphore_mem>>)
    %dma_start3A_45 = arith.constant 6 : i32
    %dma_start3A_46 = arith.constant 0 : i32
    %dma_start3A_47 = tpu.memref_slice %arg7[%dma_start3A_45, %dma_start3A_46] : memref<16x64xi32, #tpu.memory_space<vmem>> -> memref<1x64xi32, #tpu.memory_space<vmem>>
    %dma_start3A_48 = tpu.memref_squeeze %dma_start3A_47 : memref<1x64xi32, #tpu.memory_space<vmem>> -> memref<64xi32, #tpu.memory_space<vmem>>
    %dma_start3A_49 = arith.constant 0 : i32
    %dma_start3A_50 = arith.constant 0 : i32
    %dma_start3A_51 = tpu.memref_slice %arg2[%dma_start3A_49, %dma_start3A_50] : memref<100000x128xf32, #tpu.memory_space<hbm>> -> memref<100000x128xf32, #tpu.memory_space<hbm>>
    tpu.enqueue_indirect_dma source(%dma_start3A_51 : memref<100000x128xf32, #tpu.memory_space<hbm>>) target(%arg16 : memref<64x128xf32, #tpu.memory_space<vmem>>) offsets(%dma_start3A_48 : memref<64xi32, #tpu.memory_space<vmem>>) semaphore(%arg28 : memref<!tpu.dma_semaphore, #tpu.memory_space<semaphore_mem>>)
    %dma_start3A_52 = arith.constant 7 : i32
    %dma_start3A_53 = arith.constant 0 : i32
    %dma_start3A_54 = tpu.memref_slice %arg7[%dma_start3A_52, %dma_start3A_53] : memref<16x64xi32, #tpu.memory_space<vmem>> -> memref<1x64xi32, #tpu.memory_space<vmem>>
    %dma_start3A_55 = tpu.memref_squeeze %dma_start3A_54 : memref<1x64xi32, #tpu.memory_space<vmem>> -> memref<64xi32, #tpu.memory_space<vmem>>
    %dma_start3A_56 = arith.constant 0 : i32
    %dma_start3A_57 = arith.constant 0 : i32
    %dma_start3A_58 = tpu.memref_slice %arg2[%dma_start3A_56, %dma_start3A_57] : memref<100000x128xf32, #tpu.memory_space<hbm>> -> memref<100000x128xf32, #tpu.memory_space<hbm>>
    tpu.enqueue_indirect_dma source(%dma_start3A_58 : memref<100000x128xf32, #tpu.memory_space<hbm>>) target(%arg17 : memref<64x128xf32, #tpu.memory_space<vmem>>) offsets(%dma_start3A_55 : memref<64xi32, #tpu.memory_space<vmem>>) semaphore(%arg29 : memref<!tpu.dma_semaphore, #tpu.memory_space<semaphore_mem>>)
    %dma_start3A_59 = arith.constant 8 : i32
    %dma_start3A_60 = arith.constant 0 : i32
    %dma_start3A_61 = tpu.memref_slice %arg7[%dma_start3A_59, %dma_start3A_60] : memref<16x64xi32, #tpu.memory_space<vmem>> -> memref<1x64xi32, #tpu.memory_space<vmem>>
    %dma_start3A_62 = tpu.memref_squeeze %dma_start3A_61 : memref<1x64xi32, #tpu.memory_space<vmem>> -> memref<64xi32, #tpu.memory_space<vmem>>
    %dma_start3A_63 = arith.constant 0 : i32
    %dma_start3A_64 = arith.constant 0 : i32
    %dma_start3A_65 = tpu.memref_slice %arg2[%dma_start3A_63, %dma_start3A_64] : memref<100000x128xf32, #tpu.memory_space<hbm>> -> memref<100000x128xf32, #tpu.memory_space<hbm>>
    tpu.enqueue_indirect_dma source(%dma_start3A_65 : memref<100000x128xf32, #tpu.memory_space<hbm>>) target(%arg18 : memref<64x128xf32, #tpu.memory_space<vmem>>) offsets(%dma_start3A_62 : memref<64xi32, #tpu.memory_space<vmem>>) semaphore(%arg30 : memref<!tpu.dma_semaphore, #tpu.memory_space<semaphore_mem>>)
    %dma_start3A_66 = arith.constant 9 : i32
    %dma_start3A_67 = arith.constant 0 : i32
    %dma_start3A_68 = tpu.memref_slice %arg7[%dma_start3A_66, %dma_start3A_67] : memref<16x64xi32, #tpu.memory_space<vmem>> -> memref<1x64xi32, #tpu.memory_space<vmem>>
    %dma_start3A_69 = tpu.memref_squeeze %dma_start3A_68 : memref<1x64xi32, #tpu.memory_space<vmem>> -> memref<64xi32, #tpu.memory_space<vmem>>
    %dma_start3A_70 = arith.constant 0 : i32
    %dma_start3A_71 = arith.constant 0 : i32
    %dma_start3A_72 = tpu.memref_slice %arg2[%dma_start3A_70, %dma_start3A_71] : memref<100000x128xf32, #tpu.memory_space<hbm>> -> memref<100000x128xf32, #tpu.memory_space<hbm>>
    tpu.enqueue_indirect_dma source(%dma_start3A_72 : memref<100000x128xf32, #tpu.memory_space<hbm>>) target(%arg19 : memref<64x128xf32, #tpu.memory_space<vmem>>) offsets(%dma_start3A_69 : memref<64xi32, #tpu.memory_space<vmem>>) semaphore(%arg31 : memref<!tpu.dma_semaphore, #tpu.memory_space<semaphore_mem>>)
    %dma_start3A_73 = arith.constant 10 : i32
    %dma_start3A_74 = arith.constant 0 : i32
    %dma_start3A_75 = tpu.memref_slice %arg7[%dma_start3A_73, %dma_start3A_74] : memref<16x64xi32, #tpu.memory_space<vmem>> -> memref<1x64xi32, #tpu.memory_space<vmem>>
    %dma_start3A_76 = tpu.memref_squeeze %dma_start3A_75 : memref<1x64xi32, #tpu.memory_space<vmem>> -> memref<64xi32, #tpu.memory_space<vmem>>
    %dma_start3A_77 = arith.constant 0 : i32
    %dma_start3A_78 = arith.constant 0 : i32
    %dma_start3A_79 = tpu.memref_slice %arg2[%dma_start3A_77, %dma_start3A_78] : memref<100000x128xf32, #tpu.memory_space<hbm>> -> memref<100000x128xf32, #tpu.memory_space<hbm>>
    tpu.enqueue_indirect_dma source(%dma_start3A_79 : memref<100000x128xf32, #tpu.memory_space<hbm>>) target(%arg20 : memref<64x128xf32, #tpu.memory_space<vmem>>) offsets(%dma_start3A_76 : memref<64xi32, #tpu.memory_space<vmem>>) semaphore(%arg32 : memref<!tpu.dma_semaphore, #tpu.memory_space<semaphore_mem>>)
    %dma_start3A_80 = arith.constant 11 : i32
    %dma_start3A_81 = arith.constant 0 : i32
    %dma_start3A_82 = tpu.memref_slice %arg7[%dma_start3A_80, %dma_start3A_81] : memref<16x64xi32, #tpu.memory_space<vmem>> -> memref<1x64xi32, #tpu.memory_space<vmem>>
    %dma_start3A_83 = tpu.memref_squeeze %dma_start3A_82 : memref<1x64xi32, #tpu.memory_space<vmem>> -> memref<64xi32, #tpu.memory_space<vmem>>
    %dma_start3A_84 = arith.constant 0 : i32
    %dma_start3A_85 = arith.constant 0 : i32
    %dma_start3A_86 = tpu.memref_slice %arg2[%dma_start3A_84, %dma_start3A_85] : memref<100000x128xf32, #tpu.memory_space<hbm>> -> memref<100000x128xf32, #tpu.memory_space<hbm>>
    tpu.enqueue_indirect_dma source(%dma_start3A_86 : memref<100000x128xf32, #tpu.memory_space<hbm>>) target(%arg21 : memref<64x128xf32, #tpu.memory_space<vmem>>) offsets(%dma_start3A_83 : memref<64xi32, #tpu.memory_space<vmem>>) semaphore(%arg33 : memref<!tpu.dma_semaphore, #tpu.memory_space<semaphore_mem>>)
    %dma_wait3A = arith.constant 0 : i32
    %dma_wait3A_87 = arith.constant 0 : i32
    %dma_wait3A_88 = tpu.memref_slice %arg7[%dma_wait3A, %dma_wait3A_87] : memref<16x64xi32, #tpu.memory_space<vmem>> -> memref<1x64xi32, #tpu.memory_space<vmem>>
    %dma_wait3A_89 = tpu.memref_squeeze %dma_wait3A_88 : memref<1x64xi32, #tpu.memory_space<vmem>> -> memref<64xi32, #tpu.memory_space<vmem>>
    %dma_wait3A_90 = arith.constant 0 : i32
    %dma_wait3A_91 = arith.constant 0 : i32
    %dma_wait3A_92 = tpu.memref_slice %arg2[%dma_wait3A_90, %dma_wait3A_91] : memref<100000x128xf32, #tpu.memory_space<hbm>> -> memref<100000x128xf32, #tpu.memory_space<hbm>>
    tpu.wait_indirect_dma semaphore(%arg22 : memref<!tpu.dma_semaphore, #tpu.memory_space<semaphore_mem>>) src(%dma_wait3A_92 : memref<100000x128xf32, #tpu.memory_space<hbm>>) dst(%arg10 : memref<64x128xf32, #tpu.memory_space<vmem>>)
    %mul3A_93 = arith.constant 64 : i32
    %mul3A_94 = arith.muli %add3A, %mul3A_93 : i32
    %dma_start3A_95 = arith.constant 0 : i32
    %dma_start3A_96 = tpu.memref_slice %arg5[%mul3A_94, %dma_start3A_95] : memref<2048x2048xf32, #tpu.memory_space<hbm>> -> memref<64x128xf32, #tpu.memory_space<hbm>>
    %dma_start3A_97 = arith.constant 0 : i32
    %dma_start3A_98 = tpu.memref_slice %arg5[%mul3A_94, %dma_start3A_97] : memref<2048x2048xf32, #tpu.memory_space<hbm>> -> memref<64x128xf32, #tpu.memory_space<hbm>>
    tpu.enqueue_dma source(%arg10 : memref<64x128xf32, #tpu.memory_space<vmem>>) target(%dma_start3A_98 : memref<64x128xf32, #tpu.memory_space<hbm>>) target_semaphore(%arg34 : memref<!tpu.dma_semaphore, #tpu.memory_space<semaphore_mem>>)
    %dma_wait3A_99 = arith.constant 0 : i32
    %dma_wait3A_100 = tpu.memref_slice %arg5[%mul3A_94, %dma_wait3A_99] : memref<2048x2048xf32, #tpu.memory_space<hbm>> -> memref<64x128xf32, #tpu.memory_space<hbm>>
    %dma_wait3A_101 = arith.constant 0 : i32
    %dma_wait3A_102 = tpu.memref_slice %arg5[%mul3A_94, %dma_wait3A_101] : memref<2048x2048xf32, #tpu.memory_space<hbm>> -> memref<64x128xf32, #tpu.memory_space<hbm>>
    tpu.wait_dma2 semaphore(%arg34 : memref<!tpu.dma_semaphore, #tpu.memory_space<semaphore_mem>>) src(%arg10 : memref<64x128xf32, #tpu.memory_space<vmem>>) dst(%dma_wait3A_102 : memref<64x128xf32, #tpu.memory_space<hbm>>)
    %dma_start3A_103 = arith.constant 12 : i32
    %dma_start3A_104 = arith.constant 0 : i32
    %dma_start3A_105 = tpu.memref_slice %arg7[%dma_start3A_103, %dma_start3A_104] : memref<16x64xi32, #tpu.memory_space<vmem>> -> memref<1x64xi32, #tpu.memory_space<vmem>>
    %dma_start3A_106 = tpu.memref_squeeze %dma_start3A_105 : memref<1x64xi32, #tpu.memory_space<vmem>> -> memref<64xi32, #tpu.memory_space<vmem>>
    %dma_start3A_107 = arith.constant 0 : i32
    %dma_start3A_108 = arith.constant 0 : i32
    %dma_start3A_109 = tpu.memref_slice %arg2[%dma_start3A_107, %dma_start3A_108] : memref<100000x128xf32, #tpu.memory_space<hbm>> -> memref<100000x128xf32, #tpu.memory_space<hbm>>
    tpu.enqueue_indirect_dma source(%dma_start3A_109 : memref<100000x128xf32, #tpu.memory_space<hbm>>) target(%arg10 : memref<64x128xf32, #tpu.memory_space<vmem>>) offsets(%dma_start3A_106 : memref<64xi32, #tpu.memory_space<vmem>>) semaphore(%arg22 : memref<!tpu.dma_semaphore, #tpu.memory_space<semaphore_mem>>)
    %dma_wait3A_110 = arith.constant 1 : i32
    %dma_wait3A_111 = arith.constant 0 : i32
    %dma_wait3A_112 = tpu.memref_slice %arg7[%dma_wait3A_110, %dma_wait3A_111] : memref<16x64xi32, #tpu.memory_space<vmem>> -> memref<1x64xi32, #tpu.memory_space<vmem>>
    %dma_wait3A_113 = tpu.memref_squeeze %dma_wait3A_112 : memref<1x64xi32, #tpu.memory_space<vmem>> -> memref<64xi32, #tpu.memory_space<vmem>>
    %dma_wait3A_114 = arith.constant 0 : i32
    %dma_wait3A_115 = arith.constant 0 : i32
    %dma_wait3A_116 = tpu.memref_slice %arg2[%dma_wait3A_114, %dma_wait3A_115] : memref<100000x128xf32, #tpu.memory_space<hbm>> -> memref<100000x128xf32, #tpu.memory_space<hbm>>
    tpu.wait_indirect_dma semaphore(%arg23 : memref<!tpu.dma_semaphore, #tpu.memory_space<semaphore_mem>>) src(%dma_wait3A_116 : memref<100000x128xf32, #tpu.memory_space<hbm>>) dst(%arg11 : memref<64x128xf32, #tpu.memory_space<vmem>>)
    %mul3A_117 = arith.constant 64 : i32
    %mul3A_118 = arith.muli %add3A, %mul3A_117 : i32
    %dma_start3A_119 = arith.constant 128 : i32
    %dma_start3A_120 = tpu.memref_slice %arg5[%mul3A_118, %dma_start3A_119] : memref<2048x2048xf32, #tpu.memory_space<hbm>> -> memref<64x128xf32, #tpu.memory_space<hbm>>
    %dma_start3A_121 = arith.constant 128 : i32
    %dma_start3A_122 = tpu.memref_slice %arg5[%mul3A_118, %dma_start3A_121] : memref<2048x2048xf32, #tpu.memory_space<hbm>> -> memref<64x128xf32, #tpu.memory_space<hbm>>
    tpu.enqueue_dma source(%arg11 : memref<64x128xf32, #tpu.memory_space<vmem>>) target(%dma_start3A_122 : memref<64x128xf32, #tpu.memory_space<hbm>>) target_semaphore(%arg35 : memref<!tpu.dma_semaphore, #tpu.memory_space<semaphore_mem>>)
    %dma_wait3A_123 = arith.constant 128 : i32
    %dma_wait3A_124 = tpu.memref_slice %arg5[%mul3A_118, %dma_wait3A_123] : memref<2048x2048xf32, #tpu.memory_space<hbm>> -> memref<64x128xf32, #tpu.memory_space<hbm>>
    %dma_wait3A_125 = arith.constant 128 : i32
    %dma_wait3A_126 = tpu.memref_slice %arg5[%mul3A_118, %dma_wait3A_125] : memref<2048x2048xf32, #tpu.memory_space<hbm>> -> memref<64x128xf32, #tpu.memory_space<hbm>>
    tpu.wait_dma2 semaphore(%arg35 : memref<!tpu.dma_semaphore, #tpu.memory_space<semaphore_mem>>) src(%arg11 : memref<64x128xf32, #tpu.memory_space<vmem>>) dst(%dma_wait3A_126 : memref<64x128xf32, #tpu.memory_space<hbm>>)
    %dma_start3A_127 = arith.constant 13 : i32
    %dma_start3A_128 = arith.constant 0 : i32
    %dma_start3A_129 = tpu.memref_slice %arg7[%dma_start3A_127, %dma_start3A_128] : memref<16x64xi32, #tpu.memory_space<vmem>> -> memref<1x64xi32, #tpu.memory_space<vmem>>
    %dma_start3A_130 = tpu.memref_squeeze %dma_start3A_129 : memref<1x64xi32, #tpu.memory_space<vmem>> -> memref<64xi32, #tpu.memory_space<vmem>>
    %dma_start3A_131 = arith.constant 0 : i32
    %dma_start3A_132 = arith.constant 0 : i32
    %dma_start3A_133 = tpu.memref_slice %arg2[%dma_start3A_131, %dma_start3A_132] : memref<100000x128xf32, #tpu.memory_space<hbm>> -> memref<100000x128xf32, #tpu.memory_space<hbm>>
    tpu.enqueue_indirect_dma source(%dma_start3A_133 : memref<100000x128xf32, #tpu.memory_space<hbm>>) target(%arg11 : memref<64x128xf32, #tpu.memory_space<vmem>>) offsets(%dma_start3A_130 : memref<64xi32, #tpu.memory_space<vmem>>) semaphore(%arg23 : memref<!tpu.dma_semaphore, #tpu.memory_space<semaphore_mem>>)
    %dma_wait3A_134 = arith.constant 2 : i32
    %dma_wait3A_135 = arith.constant 0 : i32
    %dma_wait3A_136 = tpu.memref_slice %arg7[%dma_wait3A_134, %dma_wait3A_135] : memref<16x64xi32, #tpu.memory_space<vmem>> -> memref<1x64xi32, #tpu.memory_space<vmem>>
    %dma_wait3A_137 = tpu.memref_squeeze %dma_wait3A_136 : memref<1x64xi32, #tpu.memory_space<vmem>> -> memref<64xi32, #tpu.memory_space<vmem>>
    %dma_wait3A_138 = arith.constant 0 : i32
    %dma_wait3A_139 = arith.constant 0 : i32
    %dma_wait3A_140 = tpu.memref_slice %arg2[%dma_wait3A_138, %dma_wait3A_139] : memref<100000x128xf32, #tpu.memory_space<hbm>> -> memref<100000x128xf32, #tpu.memory_space<hbm>>
    tpu.wait_indirect_dma semaphore(%arg24 : memref<!tpu.dma_semaphore, #tpu.memory_space<semaphore_mem>>) src(%dma_wait3A_140 : memref<100000x128xf32, #tpu.memory_space<hbm>>) dst(%arg12 : memref<64x128xf32, #tpu.memory_space<vmem>>)
    %mul3A_141 = arith.constant 64 : i32
    %mul3A_142 = arith.muli %add3A, %mul3A_141 : i32
    %dma_start3A_143 = arith.constant 256 : i32
    %dma_start3A_144 = tpu.memref_slice %arg5[%mul3A_142, %dma_start3A_143] : memref<2048x2048xf32, #tpu.memory_space<hbm>> -> memref<64x128xf32, #tpu.memory_space<hbm>>
    %dma_start3A_145 = arith.constant 256 : i32
    %dma_start3A_146 = tpu.memref_slice %arg5[%mul3A_142, %dma_start3A_145] : memref<2048x2048xf32, #tpu.memory_space<hbm>> -> memref<64x128xf32, #tpu.memory_space<hbm>>
    tpu.enqueue_dma source(%arg12 : memref<64x128xf32, #tpu.memory_space<vmem>>) target(%dma_start3A_146 : memref<64x128xf32, #tpu.memory_space<hbm>>) target_semaphore(%arg36 : memref<!tpu.dma_semaphore, #tpu.memory_space<semaphore_mem>>)
    %dma_wait3A_147 = arith.constant 256 : i32
    %dma_wait3A_148 = tpu.memref_slice %arg5[%mul3A_142, %dma_wait3A_147] : memref<2048x2048xf32, #tpu.memory_space<hbm>> -> memref<64x128xf32, #tpu.memory_space<hbm>>
    %dma_wait3A_149 = arith.constant 256 : i32
    %dma_wait3A_150 = tpu.memref_slice %arg5[%mul3A_142, %dma_wait3A_149] : memref<2048x2048xf32, #tpu.memory_space<hbm>> -> memref<64x128xf32, #tpu.memory_space<hbm>>
    tpu.wait_dma2 semaphore(%arg36 : memref<!tpu.dma_semaphore, #tpu.memory_space<semaphore_mem>>) src(%arg12 : memref<64x128xf32, #tpu.memory_space<vmem>>) dst(%dma_wait3A_150 : memref<64x128xf32, #tpu.memory_space<hbm>>)
    %dma_start3A_151 = arith.constant 14 : i32
    %dma_start3A_152 = arith.constant 0 : i32
    %dma_start3A_153 = tpu.memref_slice %arg7[%dma_start3A_151, %dma_start3A_152] : memref<16x64xi32, #tpu.memory_space<vmem>> -> memref<1x64xi32, #tpu.memory_space<vmem>>
    %dma_start3A_154 = tpu.memref_squeeze %dma_start3A_153 : memref<1x64xi32, #tpu.memory_space<vmem>> -> memref<64xi32, #tpu.memory_space<vmem>>
    %dma_start3A_155 = arith.constant 0 : i32
    %dma_start3A_156 = arith.constant 0 : i32
    %dma_start3A_157 = tpu.memref_slice %arg2[%dma_start3A_155, %dma_start3A_156] : memref<100000x128xf32, #tpu.memory_space<hbm>> -> memref<100000x128xf32, #tpu.memory_space<hbm>>
    tpu.enqueue_indirect_dma source(%dma_start3A_157 : memref<100000x128xf32, #tpu.memory_space<hbm>>) target(%arg12 : memref<64x128xf32, #tpu.memory_space<vmem>>) offsets(%dma_start3A_154 : memref<64xi32, #tpu.memory_space<vmem>>) semaphore(%arg24 : memref<!tpu.dma_semaphore, #tpu.memory_space<semaphore_mem>>)
    %dma_wait3A_158 = arith.constant 3 : i32
    %dma_wait3A_159 = arith.constant 0 : i32
    %dma_wait3A_160 = tpu.memref_slice %arg7[%dma_wait3A_158, %dma_wait3A_159] : memref<16x64xi32, #tpu.memory_space<vmem>> -> memref<1x64xi32, #tpu.memory_space<vmem>>
    %dma_wait3A_161 = tpu.memref_squeeze %dma_wait3A_160 : memref<1x64xi32, #tpu.memory_space<vmem>> -> memref<64xi32, #tpu.memory_space<vmem>>
    %dma_wait3A_162 = arith.constant 0 : i32
    %dma_wait3A_163 = arith.constant 0 : i32
    %dma_wait3A_164 = tpu.memref_slice %arg2[%dma_wait3A_162, %dma_wait3A_163] : memref<100000x128xf32, #tpu.memory_space<hbm>> -> memref<100000x128xf32, #tpu.memory_space<hbm>>
    tpu.wait_indirect_dma semaphore(%arg25 : memref<!tpu.dma_semaphore, #tpu.memory_space<semaphore_mem>>) src(%dma_wait3A_164 : memref<100000x128xf32, #tpu.memory_space<hbm>>) dst(%arg13 : memref<64x128xf32, #tpu.memory_space<vmem>>)
    %mul3A_165 = arith.constant 64 : i32
    %mul3A_166 = arith.muli %add3A, %mul3A_165 : i32
    %dma_start3A_167 = arith.constant 384 : i32
    %dma_start3A_168 = tpu.memref_slice %arg5[%mul3A_166, %dma_start3A_167] : memref<2048x2048xf32, #tpu.memory_space<hbm>> -> memref<64x128xf32, #tpu.memory_space<hbm>>
    %dma_start3A_169 = arith.constant 384 : i32
    %dma_start3A_170 = tpu.memref_slice %arg5[%mul3A_166, %dma_start3A_169] : memref<2048x2048xf32, #tpu.memory_space<hbm>> -> memref<64x128xf32, #tpu.memory_space<hbm>>
    tpu.enqueue_dma source(%arg13 : memref<64x128xf32, #tpu.memory_space<vmem>>) target(%dma_start3A_170 : memref<64x128xf32, #tpu.memory_space<hbm>>) target_semaphore(%arg37 : memref<!tpu.dma_semaphore, #tpu.memory_space<semaphore_mem>>)
    %dma_wait3A_171 = arith.constant 384 : i32
    %dma_wait3A_172 = tpu.memref_slice %arg5[%mul3A_166, %dma_wait3A_171] : memref<2048x2048xf32, #tpu.memory_space<hbm>> -> memref<64x128xf32, #tpu.memory_space<hbm>>
    %dma_wait3A_173 = arith.constant 384 : i32
    %dma_wait3A_174 = tpu.memref_slice %arg5[%mul3A_166, %dma_wait3A_173] : memref<2048x2048xf32, #tpu.memory_space<hbm>> -> memref<64x128xf32, #tpu.memory_space<hbm>>
    tpu.wait_dma2 semaphore(%arg37 : memref<!tpu.dma_semaphore, #tpu.memory_space<semaphore_mem>>) src(%arg13 : memref<64x128xf32, #tpu.memory_space<vmem>>) dst(%dma_wait3A_174 : memref<64x128xf32, #tpu.memory_space<hbm>>)
    %dma_start3A_175 = arith.constant 15 : i32
    %dma_start3A_176 = arith.constant 0 : i32
    %dma_start3A_177 = tpu.memref_slice %arg7[%dma_start3A_175, %dma_start3A_176] : memref<16x64xi32, #tpu.memory_space<vmem>> -> memref<1x64xi32, #tpu.memory_space<vmem>>
    %dma_start3A_178 = tpu.memref_squeeze %dma_start3A_177 : memref<1x64xi32, #tpu.memory_space<vmem>> -> memref<64xi32, #tpu.memory_space<vmem>>
    %dma_start3A_179 = arith.constant 0 : i32
    %dma_start3A_180 = arith.constant 0 : i32
    %dma_start3A_181 = tpu.memref_slice %arg2[%dma_start3A_179, %dma_start3A_180] : memref<100000x128xf32, #tpu.memory_space<hbm>> -> memref<100000x128xf32, #tpu.memory_space<hbm>>
    tpu.enqueue_indirect_dma source(%dma_start3A_181 : memref<100000x128xf32, #tpu.memory_space<hbm>>) target(%arg13 : memref<64x128xf32, #tpu.memory_space<vmem>>) offsets(%dma_start3A_178 : memref<64xi32, #tpu.memory_space<vmem>>) semaphore(%arg25 : memref<!tpu.dma_semaphore, #tpu.memory_space<semaphore_mem>>)
    %dma_wait3A_182 = arith.constant 4 : i32
    %dma_wait3A_183 = arith.constant 0 : i32
    %dma_wait3A_184 = tpu.memref_slice %arg7[%dma_wait3A_182, %dma_wait3A_183] : memref<16x64xi32, #tpu.memory_space<vmem>> -> memref<1x64xi32, #tpu.memory_space<vmem>>
    %dma_wait3A_185 = tpu.memref_squeeze %dma_wait3A_184 : memref<1x64xi32, #tpu.memory_space<vmem>> -> memref<64xi32, #tpu.memory_space<vmem>>
    %dma_wait3A_186 = arith.constant 0 : i32
    %dma_wait3A_187 = arith.constant 0 : i32
    %dma_wait3A_188 = tpu.memref_slice %arg2[%dma_wait3A_186, %dma_wait3A_187] : memref<100000x128xf32, #tpu.memory_space<hbm>> -> memref<100000x128xf32, #tpu.memory_space<hbm>>
    tpu.wait_indirect_dma semaphore(%arg26 : memref<!tpu.dma_semaphore, #tpu.memory_space<semaphore_mem>>) src(%dma_wait3A_188 : memref<100000x128xf32, #tpu.memory_space<hbm>>) dst(%arg14 : memref<64x128xf32, #tpu.memory_space<vmem>>)
    %mul3A_189 = arith.constant 64 : i32
    %mul3A_190 = arith.muli %add3A, %mul3A_189 : i32
    %dma_start3A_191 = arith.constant 512 : i32
    %dma_start3A_192 = tpu.memref_slice %arg5[%mul3A_190, %dma_start3A_191] : memref<2048x2048xf32, #tpu.memory_space<hbm>> -> memref<64x128xf32, #tpu.memory_space<hbm>>
    %dma_start3A_193 = arith.constant 512 : i32
    %dma_start3A_194 = tpu.memref_slice %arg5[%mul3A_190, %dma_start3A_193] : memref<2048x2048xf32, #tpu.memory_space<hbm>> -> memref<64x128xf32, #tpu.memory_space<hbm>>
    tpu.enqueue_dma source(%arg14 : memref<64x128xf32, #tpu.memory_space<vmem>>) target(%dma_start3A_194 : memref<64x128xf32, #tpu.memory_space<hbm>>) target_semaphore(%arg38 : memref<!tpu.dma_semaphore, #tpu.memory_space<semaphore_mem>>)
    %dma_wait3A_195 = arith.constant 5 : i32
    %dma_wait3A_196 = arith.constant 0 : i32
    %dma_wait3A_197 = tpu.memref_slice %arg7[%dma_wait3A_195, %dma_wait3A_196] : memref<16x64xi32, #tpu.memory_space<vmem>> -> memref<1x64xi32, #tpu.memory_space<vmem>>
    %dma_wait3A_198 = tpu.memref_squeeze %dma_wait3A_197 : memref<1x64xi32, #tpu.memory_space<vmem>> -> memref<64xi32, #tpu.memory_space<vmem>>
    %dma_wait3A_199 = arith.constant 0 : i32
    %dma_wait3A_200 = arith.constant 0 : i32
    %dma_wait3A_201 = tpu.memref_slice %arg2[%dma_wait3A_199, %dma_wait3A_200] : memref<100000x128xf32, #tpu.memory_space<hbm>> -> memref<100000x128xf32, #tpu.memory_space<hbm>>
    tpu.wait_indirect_dma semaphore(%arg27 : memref<!tpu.dma_semaphore, #tpu.memory_space<semaphore_mem>>) src(%dma_wait3A_201 : memref<100000x128xf32, #tpu.memory_space<hbm>>) dst(%arg15 : memref<64x128xf32, #tpu.memory_space<vmem>>)
    %mul3A_202 = arith.constant 64 : i32
    %mul3A_203 = arith.muli %add3A, %mul3A_202 : i32
    %dma_start3A_204 = arith.constant 640 : i32
    %dma_start3A_205 = tpu.memref_slice %arg5[%mul3A_203, %dma_start3A_204] : memref<2048x2048xf32, #tpu.memory_space<hbm>> -> memref<64x128xf32, #tpu.memory_space<hbm>>
    %dma_start3A_206 = arith.constant 640 : i32
    %dma_start3A_207 = tpu.memref_slice %arg5[%mul3A_203, %dma_start3A_206] : memref<2048x2048xf32, #tpu.memory_space<hbm>> -> memref<64x128xf32, #tpu.memory_space<hbm>>
    tpu.enqueue_dma source(%arg15 : memref<64x128xf32, #tpu.memory_space<vmem>>) target(%dma_start3A_207 : memref<64x128xf32, #tpu.memory_space<hbm>>) target_semaphore(%arg39 : memref<!tpu.dma_semaphore, #tpu.memory_space<semaphore_mem>>)
    %dma_wait3A_208 = arith.constant 6 : i32
    %dma_wait3A_209 = arith.constant 0 : i32
    %dma_wait3A_210 = tpu.memref_slice %arg7[%dma_wait3A_208, %dma_wait3A_209] : memref<16x64xi32, #tpu.memory_space<vmem>> -> memref<1x64xi32, #tpu.memory_space<vmem>>
    %dma_wait3A_211 = tpu.memref_squeeze %dma_wait3A_210 : memref<1x64xi32, #tpu.memory_space<vmem>> -> memref<64xi32, #tpu.memory_space<vmem>>
    %dma_wait3A_212 = arith.constant 0 : i32
    %dma_wait3A_213 = arith.constant 0 : i32
    %dma_wait3A_214 = tpu.memref_slice %arg2[%dma_wait3A_212, %dma_wait3A_213] : memref<100000x128xf32, #tpu.memory_space<hbm>> -> memref<100000x128xf32, #tpu.memory_space<hbm>>
    tpu.wait_indirect_dma semaphore(%arg28 : memref<!tpu.dma_semaphore, #tpu.memory_space<semaphore_mem>>) src(%dma_wait3A_214 : memref<100000x128xf32, #tpu.memory_space<hbm>>) dst(%arg16 : memref<64x128xf32, #tpu.memory_space<vmem>>)
    %mul3A_215 = arith.constant 64 : i32
    %mul3A_216 = arith.muli %add3A, %mul3A_215 : i32
    %dma_start3A_217 = arith.constant 768 : i32
    %dma_start3A_218 = tpu.memref_slice %arg5[%mul3A_216, %dma_start3A_217] : memref<2048x2048xf32, #tpu.memory_space<hbm>> -> memref<64x128xf32, #tpu.memory_space<hbm>>
    %dma_start3A_219 = arith.constant 768 : i32
    %dma_start3A_220 = tpu.memref_slice %arg5[%mul3A_216, %dma_start3A_219] : memref<2048x2048xf32, #tpu.memory_space<hbm>> -> memref<64x128xf32, #tpu.memory_space<hbm>>
    tpu.enqueue_dma source(%arg16 : memref<64x128xf32, #tpu.memory_space<vmem>>) target(%dma_start3A_220 : memref<64x128xf32, #tpu.memory_space<hbm>>) target_semaphore(%arg40 : memref<!tpu.dma_semaphore, #tpu.memory_space<semaphore_mem>>)
    %dma_wait3A_221 = arith.constant 7 : i32
    %dma_wait3A_222 = arith.constant 0 : i32
    %dma_wait3A_223 = tpu.memref_slice %arg7[%dma_wait3A_221, %dma_wait3A_222] : memref<16x64xi32, #tpu.memory_space<vmem>> -> memref<1x64xi32, #tpu.memory_space<vmem>>
    %dma_wait3A_224 = tpu.memref_squeeze %dma_wait3A_223 : memref<1x64xi32, #tpu.memory_space<vmem>> -> memref<64xi32, #tpu.memory_space<vmem>>
    %dma_wait3A_225 = arith.constant 0 : i32
    %dma_wait3A_226 = arith.constant 0 : i32
    %dma_wait3A_227 = tpu.memref_slice %arg2[%dma_wait3A_225, %dma_wait3A_226] : memref<100000x128xf32, #tpu.memory_space<hbm>> -> memref<100000x128xf32, #tpu.memory_space<hbm>>
    tpu.wait_indirect_dma semaphore(%arg29 : memref<!tpu.dma_semaphore, #tpu.memory_space<semaphore_mem>>) src(%dma_wait3A_227 : memref<100000x128xf32, #tpu.memory_space<hbm>>) dst(%arg17 : memref<64x128xf32, #tpu.memory_space<vmem>>)
    %mul3A_228 = arith.constant 64 : i32
    %mul3A_229 = arith.muli %add3A, %mul3A_228 : i32
    %dma_start3A_230 = arith.constant 896 : i32
    %dma_start3A_231 = tpu.memref_slice %arg5[%mul3A_229, %dma_start3A_230] : memref<2048x2048xf32, #tpu.memory_space<hbm>> -> memref<64x128xf32, #tpu.memory_space<hbm>>
    %dma_start3A_232 = arith.constant 896 : i32
    %dma_start3A_233 = tpu.memref_slice %arg5[%mul3A_229, %dma_start3A_232] : memref<2048x2048xf32, #tpu.memory_space<hbm>> -> memref<64x128xf32, #tpu.memory_space<hbm>>
    tpu.enqueue_dma source(%arg17 : memref<64x128xf32, #tpu.memory_space<vmem>>) target(%dma_start3A_233 : memref<64x128xf32, #tpu.memory_space<hbm>>) target_semaphore(%arg41 : memref<!tpu.dma_semaphore, #tpu.memory_space<semaphore_mem>>)
    %dma_wait3A_234 = arith.constant 8 : i32
    %dma_wait3A_235 = arith.constant 0 : i32
    %dma_wait3A_236 = tpu.memref_slice %arg7[%dma_wait3A_234, %dma_wait3A_235] : memref<16x64xi32, #tpu.memory_space<vmem>> -> memref<1x64xi32, #tpu.memory_space<vmem>>
    %dma_wait3A_237 = tpu.memref_squeeze %dma_wait3A_236 : memref<1x64xi32, #tpu.memory_space<vmem>> -> memref<64xi32, #tpu.memory_space<vmem>>
    %dma_wait3A_238 = arith.constant 0 : i32
    %dma_wait3A_239 = arith.constant 0 : i32
    %dma_wait3A_240 = tpu.memref_slice %arg2[%dma_wait3A_238, %dma_wait3A_239] : memref<100000x128xf32, #tpu.memory_space<hbm>> -> memref<100000x128xf32, #tpu.memory_space<hbm>>
    tpu.wait_indirect_dma semaphore(%arg30 : memref<!tpu.dma_semaphore, #tpu.memory_space<semaphore_mem>>) src(%dma_wait3A_240 : memref<100000x128xf32, #tpu.memory_space<hbm>>) dst(%arg18 : memref<64x128xf32, #tpu.memory_space<vmem>>)
    %mul3A_241 = arith.constant 64 : i32
    %mul3A_242 = arith.muli %add3A, %mul3A_241 : i32
    %dma_start3A_243 = arith.constant 1024 : i32
    %dma_start3A_244 = tpu.memref_slice %arg5[%mul3A_242, %dma_start3A_243] : memref<2048x2048xf32, #tpu.memory_space<hbm>> -> memref<64x128xf32, #tpu.memory_space<hbm>>
    %dma_start3A_245 = arith.constant 1024 : i32
    %dma_start3A_246 = tpu.memref_slice %arg5[%mul3A_242, %dma_start3A_245] : memref<2048x2048xf32, #tpu.memory_space<hbm>> -> memref<64x128xf32, #tpu.memory_space<hbm>>
    tpu.enqueue_dma source(%arg18 : memref<64x128xf32, #tpu.memory_space<vmem>>) target(%dma_start3A_246 : memref<64x128xf32, #tpu.memory_space<hbm>>) target_semaphore(%arg42 : memref<!tpu.dma_semaphore, #tpu.memory_space<semaphore_mem>>)
    %dma_wait3A_247 = arith.constant 9 : i32
    %dma_wait3A_248 = arith.constant 0 : i32
    %dma_wait3A_249 = tpu.memref_slice %arg7[%dma_wait3A_247, %dma_wait3A_248] : memref<16x64xi32, #tpu.memory_space<vmem>> -> memref<1x64xi32, #tpu.memory_space<vmem>>
    %dma_wait3A_250 = tpu.memref_squeeze %dma_wait3A_249 : memref<1x64xi32, #tpu.memory_space<vmem>> -> memref<64xi32, #tpu.memory_space<vmem>>
    %dma_wait3A_251 = arith.constant 0 : i32
    %dma_wait3A_252 = arith.constant 0 : i32
    %dma_wait3A_253 = tpu.memref_slice %arg2[%dma_wait3A_251, %dma_wait3A_252] : memref<100000x128xf32, #tpu.memory_space<hbm>> -> memref<100000x128xf32, #tpu.memory_space<hbm>>
    tpu.wait_indirect_dma semaphore(%arg31 : memref<!tpu.dma_semaphore, #tpu.memory_space<semaphore_mem>>) src(%dma_wait3A_253 : memref<100000x128xf32, #tpu.memory_space<hbm>>) dst(%arg19 : memref<64x128xf32, #tpu.memory_space<vmem>>)
    %mul3A_254 = arith.constant 64 : i32
    %mul3A_255 = arith.muli %add3A, %mul3A_254 : i32
    %dma_start3A_256 = arith.constant 1152 : i32
    %dma_start3A_257 = tpu.memref_slice %arg5[%mul3A_255, %dma_start3A_256] : memref<2048x2048xf32, #tpu.memory_space<hbm>> -> memref<64x128xf32, #tpu.memory_space<hbm>>
    %dma_start3A_258 = arith.constant 1152 : i32
    %dma_start3A_259 = tpu.memref_slice %arg5[%mul3A_255, %dma_start3A_258] : memref<2048x2048xf32, #tpu.memory_space<hbm>> -> memref<64x128xf32, #tpu.memory_space<hbm>>
    tpu.enqueue_dma source(%arg19 : memref<64x128xf32, #tpu.memory_space<vmem>>) target(%dma_start3A_259 : memref<64x128xf32, #tpu.memory_space<hbm>>) target_semaphore(%arg43 : memref<!tpu.dma_semaphore, #tpu.memory_space<semaphore_mem>>)
    %dma_wait3A_260 = arith.constant 10 : i32
    %dma_wait3A_261 = arith.constant 0 : i32
    %dma_wait3A_262 = tpu.memref_slice %arg7[%dma_wait3A_260, %dma_wait3A_261] : memref<16x64xi32, #tpu.memory_space<vmem>> -> memref<1x64xi32, #tpu.memory_space<vmem>>
    %dma_wait3A_263 = tpu.memref_squeeze %dma_wait3A_262 : memref<1x64xi32, #tpu.memory_space<vmem>> -> memref<64xi32, #tpu.memory_space<vmem>>
    %dma_wait3A_264 = arith.constant 0 : i32
    %dma_wait3A_265 = arith.constant 0 : i32
    %dma_wait3A_266 = tpu.memref_slice %arg2[%dma_wait3A_264, %dma_wait3A_265] : memref<100000x128xf32, #tpu.memory_space<hbm>> -> memref<100000x128xf32, #tpu.memory_space<hbm>>
    tpu.wait_indirect_dma semaphore(%arg32 : memref<!tpu.dma_semaphore, #tpu.memory_space<semaphore_mem>>) src(%dma_wait3A_266 : memref<100000x128xf32, #tpu.memory_space<hbm>>) dst(%arg20 : memref<64x128xf32, #tpu.memory_space<vmem>>)
    %mul3A_267 = arith.constant 64 : i32
    %mul3A_268 = arith.muli %add3A, %mul3A_267 : i32
    %dma_start3A_269 = arith.constant 1280 : i32
    %dma_start3A_270 = tpu.memref_slice %arg5[%mul3A_268, %dma_start3A_269] : memref<2048x2048xf32, #tpu.memory_space<hbm>> -> memref<64x128xf32, #tpu.memory_space<hbm>>
    %dma_start3A_271 = arith.constant 1280 : i32
    %dma_start3A_272 = tpu.memref_slice %arg5[%mul3A_268, %dma_start3A_271] : memref<2048x2048xf32, #tpu.memory_space<hbm>> -> memref<64x128xf32, #tpu.memory_space<hbm>>
    tpu.enqueue_dma source(%arg20 : memref<64x128xf32, #tpu.memory_space<vmem>>) target(%dma_start3A_272 : memref<64x128xf32, #tpu.memory_space<hbm>>) target_semaphore(%arg44 : memref<!tpu.dma_semaphore, #tpu.memory_space<semaphore_mem>>)
    %dma_wait3A_273 = arith.constant 11 : i32
    %dma_wait3A_274 = arith.constant 0 : i32
    %dma_wait3A_275 = tpu.memref_slice %arg7[%dma_wait3A_273, %dma_wait3A_274] : memref<16x64xi32, #tpu.memory_space<vmem>> -> memref<1x64xi32, #tpu.memory_space<vmem>>
    %dma_wait3A_276 = tpu.memref_squeeze %dma_wait3A_275 : memref<1x64xi32, #tpu.memory_space<vmem>> -> memref<64xi32, #tpu.memory_space<vmem>>
    %dma_wait3A_277 = arith.constant 0 : i32
    %dma_wait3A_278 = arith.constant 0 : i32
    %dma_wait3A_279 = tpu.memref_slice %arg2[%dma_wait3A_277, %dma_wait3A_278] : memref<100000x128xf32, #tpu.memory_space<hbm>> -> memref<100000x128xf32, #tpu.memory_space<hbm>>
    tpu.wait_indirect_dma semaphore(%arg33 : memref<!tpu.dma_semaphore, #tpu.memory_space<semaphore_mem>>) src(%dma_wait3A_279 : memref<100000x128xf32, #tpu.memory_space<hbm>>) dst(%arg21 : memref<64x128xf32, #tpu.memory_space<vmem>>)
    %mul3A_280 = arith.constant 64 : i32
    %mul3A_281 = arith.muli %add3A, %mul3A_280 : i32
    %dma_start3A_282 = arith.constant 1408 : i32
    %dma_start3A_283 = tpu.memref_slice %arg5[%mul3A_281, %dma_start3A_282] : memref<2048x2048xf32, #tpu.memory_space<hbm>> -> memref<64x128xf32, #tpu.memory_space<hbm>>
    %dma_start3A_284 = arith.constant 1408 : i32
    %dma_start3A_285 = tpu.memref_slice %arg5[%mul3A_281, %dma_start3A_284] : memref<2048x2048xf32, #tpu.memory_space<hbm>> -> memref<64x128xf32, #tpu.memory_space<hbm>>
    tpu.enqueue_dma source(%arg21 : memref<64x128xf32, #tpu.memory_space<vmem>>) target(%dma_start3A_285 : memref<64x128xf32, #tpu.memory_space<hbm>>) target_semaphore(%arg45 : memref<!tpu.dma_semaphore, #tpu.memory_space<semaphore_mem>>)
    %dma_wait3A_286 = arith.constant 12 : i32
    %dma_wait3A_287 = arith.constant 0 : i32
    %dma_wait3A_288 = tpu.memref_slice %arg7[%dma_wait3A_286, %dma_wait3A_287] : memref<16x64xi32, #tpu.memory_space<vmem>> -> memref<1x64xi32, #tpu.memory_space<vmem>>
    %dma_wait3A_289 = tpu.memref_squeeze %dma_wait3A_288 : memref<1x64xi32, #tpu.memory_space<vmem>> -> memref<64xi32, #tpu.memory_space<vmem>>
    %dma_wait3A_290 = arith.constant 0 : i32
    %dma_wait3A_291 = arith.constant 0 : i32
    %dma_wait3A_292 = tpu.memref_slice %arg2[%dma_wait3A_290, %dma_wait3A_291] : memref<100000x128xf32, #tpu.memory_space<hbm>> -> memref<100000x128xf32, #tpu.memory_space<hbm>>
    tpu.wait_indirect_dma semaphore(%arg22 : memref<!tpu.dma_semaphore, #tpu.memory_space<semaphore_mem>>) src(%dma_wait3A_292 : memref<100000x128xf32, #tpu.memory_space<hbm>>) dst(%arg10 : memref<64x128xf32, #tpu.memory_space<vmem>>)
    %mul3A_293 = arith.constant 64 : i32
    %mul3A_294 = arith.muli %add3A, %mul3A_293 : i32
    %dma_start3A_295 = arith.constant 1536 : i32
    %dma_start3A_296 = tpu.memref_slice %arg5[%mul3A_294, %dma_start3A_295] : memref<2048x2048xf32, #tpu.memory_space<hbm>> -> memref<64x128xf32, #tpu.memory_space<hbm>>
    %dma_start3A_297 = arith.constant 1536 : i32
    %dma_start3A_298 = tpu.memref_slice %arg5[%mul3A_294, %dma_start3A_297] : memref<2048x2048xf32, #tpu.memory_space<hbm>> -> memref<64x128xf32, #tpu.memory_space<hbm>>
    tpu.enqueue_dma source(%arg10 : memref<64x128xf32, #tpu.memory_space<vmem>>) target(%dma_start3A_298 : memref<64x128xf32, #tpu.memory_space<hbm>>) target_semaphore(%arg34 : memref<!tpu.dma_semaphore, #tpu.memory_space<semaphore_mem>>)
    %dma_wait3A_299 = arith.constant 13 : i32
    %dma_wait3A_300 = arith.constant 0 : i32
    %dma_wait3A_301 = tpu.memref_slice %arg7[%dma_wait3A_299, %dma_wait3A_300] : memref<16x64xi32, #tpu.memory_space<vmem>> -> memref<1x64xi32, #tpu.memory_space<vmem>>
    %dma_wait3A_302 = tpu.memref_squeeze %dma_wait3A_301 : memref<1x64xi32, #tpu.memory_space<vmem>> -> memref<64xi32, #tpu.memory_space<vmem>>
    %dma_wait3A_303 = arith.constant 0 : i32
    %dma_wait3A_304 = arith.constant 0 : i32
    %dma_wait3A_305 = tpu.memref_slice %arg2[%dma_wait3A_303, %dma_wait3A_304] : memref<100000x128xf32, #tpu.memory_space<hbm>> -> memref<100000x128xf32, #tpu.memory_space<hbm>>
    tpu.wait_indirect_dma semaphore(%arg23 : memref<!tpu.dma_semaphore, #tpu.memory_space<semaphore_mem>>) src(%dma_wait3A_305 : memref<100000x128xf32, #tpu.memory_space<hbm>>) dst(%arg11 : memref<64x128xf32, #tpu.memory_space<vmem>>)
    %mul3A_306 = arith.constant 64 : i32
    %mul3A_307 = arith.muli %add3A, %mul3A_306 : i32
    %dma_start3A_308 = arith.constant 1664 : i32
    %dma_start3A_309 = tpu.memref_slice %arg5[%mul3A_307, %dma_start3A_308] : memref<2048x2048xf32, #tpu.memory_space<hbm>> -> memref<64x128xf32, #tpu.memory_space<hbm>>
    %dma_start3A_310 = arith.constant 1664 : i32
    %dma_start3A_311 = tpu.memref_slice %arg5[%mul3A_307, %dma_start3A_310] : memref<2048x2048xf32, #tpu.memory_space<hbm>> -> memref<64x128xf32, #tpu.memory_space<hbm>>
    tpu.enqueue_dma source(%arg11 : memref<64x128xf32, #tpu.memory_space<vmem>>) target(%dma_start3A_311 : memref<64x128xf32, #tpu.memory_space<hbm>>) target_semaphore(%arg35 : memref<!tpu.dma_semaphore, #tpu.memory_space<semaphore_mem>>)
    %dma_wait3A_312 = arith.constant 14 : i32
    %dma_wait3A_313 = arith.constant 0 : i32
    %dma_wait3A_314 = tpu.memref_slice %arg7[%dma_wait3A_312, %dma_wait3A_313] : memref<16x64xi32, #tpu.memory_space<vmem>> -> memref<1x64xi32, #tpu.memory_space<vmem>>
    %dma_wait3A_315 = tpu.memref_squeeze %dma_wait3A_314 : memref<1x64xi32, #tpu.memory_space<vmem>> -> memref<64xi32, #tpu.memory_space<vmem>>
    %dma_wait3A_316 = arith.constant 0 : i32
    %dma_wait3A_317 = arith.constant 0 : i32
    %dma_wait3A_318 = tpu.memref_slice %arg2[%dma_wait3A_316, %dma_wait3A_317] : memref<100000x128xf32, #tpu.memory_space<hbm>> -> memref<100000x128xf32, #tpu.memory_space<hbm>>
    tpu.wait_indirect_dma semaphore(%arg24 : memref<!tpu.dma_semaphore, #tpu.memory_space<semaphore_mem>>) src(%dma_wait3A_318 : memref<100000x128xf32, #tpu.memory_space<hbm>>) dst(%arg12 : memref<64x128xf32, #tpu.memory_space<vmem>>)
    %mul3A_319 = arith.constant 64 : i32
    %mul3A_320 = arith.muli %add3A, %mul3A_319 : i32
    %dma_start3A_321 = arith.constant 1792 : i32
    %dma_start3A_322 = tpu.memref_slice %arg5[%mul3A_320, %dma_start3A_321] : memref<2048x2048xf32, #tpu.memory_space<hbm>> -> memref<64x128xf32, #tpu.memory_space<hbm>>
    %dma_start3A_323 = arith.constant 1792 : i32
    %dma_start3A_324 = tpu.memref_slice %arg5[%mul3A_320, %dma_start3A_323] : memref<2048x2048xf32, #tpu.memory_space<hbm>> -> memref<64x128xf32, #tpu.memory_space<hbm>>
    tpu.enqueue_dma source(%arg12 : memref<64x128xf32, #tpu.memory_space<vmem>>) target(%dma_start3A_324 : memref<64x128xf32, #tpu.memory_space<hbm>>) target_semaphore(%arg36 : memref<!tpu.dma_semaphore, #tpu.memory_space<semaphore_mem>>)
    %dma_wait3A_325 = arith.constant 15 : i32
    %dma_wait3A_326 = arith.constant 0 : i32
    %dma_wait3A_327 = tpu.memref_slice %arg7[%dma_wait3A_325, %dma_wait3A_326] : memref<16x64xi32, #tpu.memory_space<vmem>> -> memref<1x64xi32, #tpu.memory_space<vmem>>
    %dma_wait3A_328 = tpu.memref_squeeze %dma_wait3A_327 : memref<1x64xi32, #tpu.memory_space<vmem>> -> memref<64xi32, #tpu.memory_space<vmem>>
    %dma_wait3A_329 = arith.constant 0 : i32
    %dma_wait3A_330 = arith.constant 0 : i32
    %dma_wait3A_331 = tpu.memref_slice %arg2[%dma_wait3A_329, %dma_wait3A_330] : memref<100000x128xf32, #tpu.memory_space<hbm>> -> memref<100000x128xf32, #tpu.memory_space<hbm>>
    tpu.wait_indirect_dma semaphore(%arg25 : memref<!tpu.dma_semaphore, #tpu.memory_space<semaphore_mem>>) src(%dma_wait3A_331 : memref<100000x128xf32, #tpu.memory_space<hbm>>) dst(%arg13 : memref<64x128xf32, #tpu.memory_space<vmem>>)
    %mul3A_332 = arith.constant 64 : i32
    %mul3A_333 = arith.muli %add3A, %mul3A_332 : i32
    %dma_start3A_334 = arith.constant 1920 : i32
    %dma_start3A_335 = tpu.memref_slice %arg5[%mul3A_333, %dma_start3A_334] : memref<2048x2048xf32, #tpu.memory_space<hbm>> -> memref<64x128xf32, #tpu.memory_space<hbm>>
    %dma_start3A_336 = arith.constant 1920 : i32
    %dma_start3A_337 = tpu.memref_slice %arg5[%mul3A_333, %dma_start3A_336] : memref<2048x2048xf32, #tpu.memory_space<hbm>> -> memref<64x128xf32, #tpu.memory_space<hbm>>
    tpu.enqueue_dma source(%arg13 : memref<64x128xf32, #tpu.memory_space<vmem>>) target(%dma_start3A_337 : memref<64x128xf32, #tpu.memory_space<hbm>>) target_semaphore(%arg37 : memref<!tpu.dma_semaphore, #tpu.memory_space<semaphore_mem>>)
    %dma_wait3A_338 = arith.constant 0 : i32
    %dma_wait3A_339 = arith.constant 0 : i32
    %dma_wait3A_340 = tpu.memref_slice %arg2[%dma_wait3A_338, %dma_wait3A_339] : memref<100000x128xf32, #tpu.memory_space<hbm>> -> memref<100000x128xf32, #tpu.memory_space<hbm>>
    tpu.wait_indirect_dma semaphore(%arg46 : memref<!tpu.dma_semaphore, #tpu.memory_space<semaphore_mem>>) src(%dma_wait3A_340 : memref<100000x128xf32, #tpu.memory_space<hbm>>) dst(%arg9 : memref<64x128xf32, #tpu.memory_space<vmem>>)
    %mul3A_341 = arith.constant 64 : i32
    %mul3A_342 = arith.muli %add3A, %mul3A_341 : i32
    "tpu.region"() ({
      %run_scoped3A = tpu.sem_alloc : memref<!tpu.dma_semaphore, #tpu.memory_space<semaphore_mem>>
      %dma_start3A_391 = arith.constant 0 : i32
      %dma_start3A_392 = tpu.memref_slice %arg6[%mul3A_342, %dma_start3A_391] : memref<2048x128xf32, #tpu.memory_space<hbm>> -> memref<64x128xf32, #tpu.memory_space<hbm>>
      %dma_start3A_393 = arith.constant 0 : i32
      %dma_start3A_394 = tpu.memref_slice %arg6[%mul3A_342, %dma_start3A_393] : memref<2048x128xf32, #tpu.memory_space<hbm>> -> memref<64x128xf32, #tpu.memory_space<hbm>>
      tpu.enqueue_dma source(%arg9 : memref<64x128xf32, #tpu.memory_space<vmem>>) target(%dma_start3A_394 : memref<64x128xf32, #tpu.memory_space<hbm>>) target_semaphore(%run_scoped3A : memref<!tpu.dma_semaphore, #tpu.memory_space<semaphore_mem>>)
      %dma_wait3A_395 = arith.constant 0 : i32
      %dma_wait3A_396 = tpu.memref_slice %arg6[%mul3A_342, %dma_wait3A_395] : memref<2048x128xf32, #tpu.memory_space<hbm>> -> memref<64x128xf32, #tpu.memory_space<hbm>>
      %dma_wait3A_397 = arith.constant 0 : i32
      %dma_wait3A_398 = tpu.memref_slice %arg6[%mul3A_342, %dma_wait3A_397] : memref<2048x128xf32, #tpu.memory_space<hbm>> -> memref<64x128xf32, #tpu.memory_space<hbm>>
      tpu.wait_dma2 semaphore(%run_scoped3A : memref<!tpu.dma_semaphore, #tpu.memory_space<semaphore_mem>>) src(%arg9 : memref<64x128xf32, #tpu.memory_space<vmem>>) dst(%dma_wait3A_398 : memref<64x128xf32, #tpu.memory_space<hbm>>)
      tpu.yield
    }) : () -> ()
    %dma_wait3A_343 = arith.constant 512 : i32
    %dma_wait3A_344 = tpu.memref_slice %arg5[%mul3A_190, %dma_wait3A_343] : memref<2048x2048xf32, #tpu.memory_space<hbm>> -> memref<64x128xf32, #tpu.memory_space<hbm>>
    %dma_wait3A_345 = arith.constant 512 : i32
    %dma_wait3A_346 = tpu.memref_slice %arg5[%mul3A_190, %dma_wait3A_345] : memref<2048x2048xf32, #tpu.memory_space<hbm>> -> memref<64x128xf32, #tpu.memory_space<hbm>>
    tpu.wait_dma2 semaphore(%arg38 : memref<!tpu.dma_semaphore, #tpu.memory_space<semaphore_mem>>) src(%arg14 : memref<64x128xf32, #tpu.memory_space<vmem>>) dst(%dma_wait3A_346 : memref<64x128xf32, #tpu.memory_space<hbm>>)
    %dma_wait3A_347 = arith.constant 640 : i32
    %dma_wait3A_348 = tpu.memref_slice %arg5[%mul3A_203, %dma_wait3A_347] : memref<2048x2048xf32, #tpu.memory_space<hbm>> -> memref<64x128xf32, #tpu.memory_space<hbm>>
    %dma_wait3A_349 = arith.constant 640 : i32
    %dma_wait3A_350 = tpu.memref_slice %arg5[%mul3A_203, %dma_wait3A_349] : memref<2048x2048xf32, #tpu.memory_space<hbm>> -> memref<64x128xf32, #tpu.memory_space<hbm>>
    tpu.wait_dma2 semaphore(%arg39 : memref<!tpu.dma_semaphore, #tpu.memory_space<semaphore_mem>>) src(%arg15 : memref<64x128xf32, #tpu.memory_space<vmem>>) dst(%dma_wait3A_350 : memref<64x128xf32, #tpu.memory_space<hbm>>)
    %dma_wait3A_351 = arith.constant 768 : i32
    %dma_wait3A_352 = tpu.memref_slice %arg5[%mul3A_216, %dma_wait3A_351] : memref<2048x2048xf32, #tpu.memory_space<hbm>> -> memref<64x128xf32, #tpu.memory_space<hbm>>
    %dma_wait3A_353 = arith.constant 768 : i32
    %dma_wait3A_354 = tpu.memref_slice %arg5[%mul3A_216, %dma_wait3A_353] : memref<2048x2048xf32, #tpu.memory_space<hbm>> -> memref<64x128xf32, #tpu.memory_space<hbm>>
    tpu.wait_dma2 semaphore(%arg40 : memref<!tpu.dma_semaphore, #tpu.memory_space<semaphore_mem>>) src(%arg16 : memref<64x128xf32, #tpu.memory_space<vmem>>) dst(%dma_wait3A_354 : memref<64x128xf32, #tpu.memory_space<hbm>>)
    %dma_wait3A_355 = arith.constant 896 : i32
    %dma_wait3A_356 = tpu.memref_slice %arg5[%mul3A_229, %dma_wait3A_355] : memref<2048x2048xf32, #tpu.memory_space<hbm>> -> memref<64x128xf32, #tpu.memory_space<hbm>>
    %dma_wait3A_357 = arith.constant 896 : i32
    %dma_wait3A_358 = tpu.memref_slice %arg5[%mul3A_229, %dma_wait3A_357] : memref<2048x2048xf32, #tpu.memory_space<hbm>> -> memref<64x128xf32, #tpu.memory_space<hbm>>
    tpu.wait_dma2 semaphore(%arg41 : memref<!tpu.dma_semaphore, #tpu.memory_space<semaphore_mem>>) src(%arg17 : memref<64x128xf32, #tpu.memory_space<vmem>>) dst(%dma_wait3A_358 : memref<64x128xf32, #tpu.memory_space<hbm>>)
    %dma_wait3A_359 = arith.constant 1024 : i32
    %dma_wait3A_360 = tpu.memref_slice %arg5[%mul3A_242, %dma_wait3A_359] : memref<2048x2048xf32, #tpu.memory_space<hbm>> -> memref<64x128xf32, #tpu.memory_space<hbm>>
    %dma_wait3A_361 = arith.constant 1024 : i32
    %dma_wait3A_362 = tpu.memref_slice %arg5[%mul3A_242, %dma_wait3A_361] : memref<2048x2048xf32, #tpu.memory_space<hbm>> -> memref<64x128xf32, #tpu.memory_space<hbm>>
    tpu.wait_dma2 semaphore(%arg42 : memref<!tpu.dma_semaphore, #tpu.memory_space<semaphore_mem>>) src(%arg18 : memref<64x128xf32, #tpu.memory_space<vmem>>) dst(%dma_wait3A_362 : memref<64x128xf32, #tpu.memory_space<hbm>>)
    %dma_wait3A_363 = arith.constant 1152 : i32
    %dma_wait3A_364 = tpu.memref_slice %arg5[%mul3A_255, %dma_wait3A_363] : memref<2048x2048xf32, #tpu.memory_space<hbm>> -> memref<64x128xf32, #tpu.memory_space<hbm>>
    %dma_wait3A_365 = arith.constant 1152 : i32
    %dma_wait3A_366 = tpu.memref_slice %arg5[%mul3A_255, %dma_wait3A_365] : memref<2048x2048xf32, #tpu.memory_space<hbm>> -> memref<64x128xf32, #tpu.memory_space<hbm>>
    tpu.wait_dma2 semaphore(%arg43 : memref<!tpu.dma_semaphore, #tpu.memory_space<semaphore_mem>>) src(%arg19 : memref<64x128xf32, #tpu.memory_space<vmem>>) dst(%dma_wait3A_366 : memref<64x128xf32, #tpu.memory_space<hbm>>)
    %dma_wait3A_367 = arith.constant 1280 : i32
    %dma_wait3A_368 = tpu.memref_slice %arg5[%mul3A_268, %dma_wait3A_367] : memref<2048x2048xf32, #tpu.memory_space<hbm>> -> memref<64x128xf32, #tpu.memory_space<hbm>>
    %dma_wait3A_369 = arith.constant 1280 : i32
    %dma_wait3A_370 = tpu.memref_slice %arg5[%mul3A_268, %dma_wait3A_369] : memref<2048x2048xf32, #tpu.memory_space<hbm>> -> memref<64x128xf32, #tpu.memory_space<hbm>>
    tpu.wait_dma2 semaphore(%arg44 : memref<!tpu.dma_semaphore, #tpu.memory_space<semaphore_mem>>) src(%arg20 : memref<64x128xf32, #tpu.memory_space<vmem>>) dst(%dma_wait3A_370 : memref<64x128xf32, #tpu.memory_space<hbm>>)
    %dma_wait3A_371 = arith.constant 1408 : i32
    %dma_wait3A_372 = tpu.memref_slice %arg5[%mul3A_281, %dma_wait3A_371] : memref<2048x2048xf32, #tpu.memory_space<hbm>> -> memref<64x128xf32, #tpu.memory_space<hbm>>
    %dma_wait3A_373 = arith.constant 1408 : i32
    %dma_wait3A_374 = tpu.memref_slice %arg5[%mul3A_281, %dma_wait3A_373] : memref<2048x2048xf32, #tpu.memory_space<hbm>> -> memref<64x128xf32, #tpu.memory_space<hbm>>
    tpu.wait_dma2 semaphore(%arg45 : memref<!tpu.dma_semaphore, #tpu.memory_space<semaphore_mem>>) src(%arg21 : memref<64x128xf32, #tpu.memory_space<vmem>>) dst(%dma_wait3A_374 : memref<64x128xf32, #tpu.memory_space<hbm>>)
    %dma_wait3A_375 = arith.constant 1536 : i32
    %dma_wait3A_376 = tpu.memref_slice %arg5[%mul3A_294, %dma_wait3A_375] : memref<2048x2048xf32, #tpu.memory_space<hbm>> -> memref<64x128xf32, #tpu.memory_space<hbm>>
    %dma_wait3A_377 = arith.constant 1536 : i32
    %dma_wait3A_378 = tpu.memref_slice %arg5[%mul3A_294, %dma_wait3A_377] : memref<2048x2048xf32, #tpu.memory_space<hbm>> -> memref<64x128xf32, #tpu.memory_space<hbm>>
    tpu.wait_dma2 semaphore(%arg34 : memref<!tpu.dma_semaphore, #tpu.memory_space<semaphore_mem>>) src(%arg10 : memref<64x128xf32, #tpu.memory_space<vmem>>) dst(%dma_wait3A_378 : memref<64x128xf32, #tpu.memory_space<hbm>>)
    %dma_wait3A_379 = arith.constant 1664 : i32
    %dma_wait3A_380 = tpu.memref_slice %arg5[%mul3A_307, %dma_wait3A_379] : memref<2048x2048xf32, #tpu.memory_space<hbm>> -> memref<64x128xf32, #tpu.memory_space<hbm>>
    %dma_wait3A_381 = arith.constant 1664 : i32
    %dma_wait3A_382 = tpu.memref_slice %arg5[%mul3A_307, %dma_wait3A_381] : memref<2048x2048xf32, #tpu.memory_space<hbm>> -> memref<64x128xf32, #tpu.memory_space<hbm>>
    tpu.wait_dma2 semaphore(%arg35 : memref<!tpu.dma_semaphore, #tpu.memory_space<semaphore_mem>>) src(%arg11 : memref<64x128xf32, #tpu.memory_space<vmem>>) dst(%dma_wait3A_382 : memref<64x128xf32, #tpu.memory_space<hbm>>)
    %dma_wait3A_383 = arith.constant 1792 : i32
    %dma_wait3A_384 = tpu.memref_slice %arg5[%mul3A_320, %dma_wait3A_383] : memref<2048x2048xf32, #tpu.memory_space<hbm>> -> memref<64x128xf32, #tpu.memory_space<hbm>>
    %dma_wait3A_385 = arith.constant 1792 : i32
    %dma_wait3A_386 = tpu.memref_slice %arg5[%mul3A_320, %dma_wait3A_385] : memref<2048x2048xf32, #tpu.memory_space<hbm>> -> memref<64x128xf32, #tpu.memory_space<hbm>>
    tpu.wait_dma2 semaphore(%arg36 : memref<!tpu.dma_semaphore, #tpu.memory_space<semaphore_mem>>) src(%arg12 : memref<64x128xf32, #tpu.memory_space<vmem>>) dst(%dma_wait3A_386 : memref<64x128xf32, #tpu.memory_space<hbm>>)
    %dma_wait3A_387 = arith.constant 1920 : i32
    %dma_wait3A_388 = tpu.memref_slice %arg5[%mul3A_333, %dma_wait3A_387] : memref<2048x2048xf32, #tpu.memory_space<hbm>> -> memref<64x128xf32, #tpu.memory_space<hbm>>
    %dma_wait3A_389 = arith.constant 1920 : i32
    %dma_wait3A_390 = tpu.memref_slice %arg5[%mul3A_333, %dma_wait3A_389] : memref<2048x2048xf32, #tpu.memory_space<hbm>> -> memref<64x128xf32, #tpu.memory_space<hbm>>
    tpu.wait_dma2 semaphore(%arg37 : memref<!tpu.dma_semaphore, #tpu.memory_space<semaphore_mem>>) src(%arg13 : memref<64x128xf32, #tpu.memory_space<vmem>>) dst(%dma_wait3A_390 : memref<64x128xf32, #tpu.memory_space<hbm>>)
    return
  }
}

module attributes {stable_mosaic.version = 14 : i64} {
  func.func @_proj_et_body(%arg0: i32, %arg1: memref<256x256xf32, #tpu.memory_space<vmem>>, %arg2: memref<256x2048xf32, #tpu.memory_space<vmem>>, %arg3: memref<256x256xf32, #tpu.memory_space<vmem>>, %arg4: memref<256x2048xf32, #tpu.memory_space<vmem>>, %arg5: memref<256x256xf32, #tpu.memory_space<vmem>>, %arg6: memref<256x2048xf32, #tpu.memory_space<vmem>>, %arg7: memref<8x256xf32, #tpu.memory_space<vmem>>, %arg8: memref<256x256xf32, #tpu.memory_space<vmem>>, %arg9: memref<256x256xf32, #tpu.memory_space<vmem>>) attributes {dimension_semantics = [#tpu.dimension_semantics<arbitrary>], iteration_bounds = array<i64: 8>, scalar_prefetch = 0 : i64, scratch_operands = 0 : i64, tpu.core_type = #tpu.core_type<tc>, window_params = [{transform_indices = @transform_0, window_bounds = array<i64: 256, 256>}, {transform_indices = @transform_1, window_bounds = array<i64: 256, 2048>}, {pipeline_mode = #tpu.pipeline_mode<synchronous>, transform_indices = @transform_2, window_bounds = array<i64: 256, 256>}, {pipeline_mode = #tpu.pipeline_mode<synchronous>, transform_indices = @transform_3, window_bounds = array<i64: 256, 2048>}, {pipeline_mode = #tpu.pipeline_mode<synchronous>, transform_indices = @transform_4, window_bounds = array<i64: 256, 256>}, {pipeline_mode = #tpu.pipeline_mode<synchronous>, transform_indices = @transform_5, window_bounds = array<i64: 256, 2048>}, {pipeline_mode = #tpu.pipeline_mode<synchronous>, transform_indices = @transform_6, window_bounds = array<i64: 8, 256>}, {transform_indices = @transform_7, window_bounds = array<i64: 256, 256>}, {transform_indices = @transform_8, window_bounds = array<i64: 256, 256>}]} {
    %get3A = arith.constant 0 : index
    %get3A_0 = arith.constant 0 : index
    %get3A_1 = vector.load %arg1[%get3A, %get3A_0] : memref<256x256xf32, #tpu.memory_space<vmem>>, vector<256x256xf32>
    %get3A_2 = arith.constant 0 : index
    %get3A_3 = arith.constant 0 : index
    %get3A_4 = vector.load %arg3[%get3A_2, %get3A_3] : memref<256x256xf32, #tpu.memory_space<vmem>>, vector<256x256xf32>
    %dot_general3A = arith.constant dense<0.000000e+00> : vector<256x256xf32>
    %dot_general3A_5 = tpu.matmul %get3A_1, %get3A_4, %dot_general3A {dimension_numbers = #tpu.dot_dimension_numbers<[1], [1], [0], [0], [0, 0, 1, 0], [], []>, transpose_lhs_hint = false} : vector<256x256xf32>, vector<256x256xf32>, vector<256x256xf32> -> vector<256x256xf32>
    %get3A_6 = arith.constant 0 : index
    %get3A_7 = arith.constant 0 : index
    %get3A_8 = vector.load %arg2[%get3A_6, %get3A_7] : memref<256x2048xf32, #tpu.memory_space<vmem>>, vector<256x2048xf32>
    %get3A_9 = arith.constant 0 : index
    %get3A_10 = arith.constant 0 : index
    %get3A_11 = vector.load %arg4[%get3A_9, %get3A_10] : memref<256x2048xf32, #tpu.memory_space<vmem>>, vector<256x2048xf32>
    %dot_general3A_12 = arith.constant dense<0.000000e+00> : vector<256x256xf32>
    %dot_general3A_13 = tpu.matmul %get3A_8, %get3A_11, %dot_general3A_12 {dimension_numbers = #tpu.dot_dimension_numbers<[1], [1], [0], [0], [0, 0, 1, 0], [], []>, transpose_lhs_hint = false} : vector<256x2048xf32>, vector<256x2048xf32>, vector<256x256xf32> -> vector<256x256xf32>
    %add3A = arith.addf %dot_general3A_5, %dot_general3A_13 : vector<256x256xf32>
    %get3A_14 = arith.constant 1 : index
    %get3A_15 = arith.constant 0 : index
    %get3A_16 = vector.load %arg7[%get3A_14, %get3A_15] : memref<8x256xf32, #tpu.memory_space<vmem>>, vector<1x256xf32>
    %add3A_17 = vector.broadcast %get3A_16 : vector<1x256xf32> to vector<256x256xf32>
    %add3A_18 = arith.addf %add3A, %add3A_17 : vector<256x256xf32>
    %swap3A = arith.constant 0 : index
    %swap3A_19 = arith.constant 0 : index
    %swap3A_20 = vector.load %arg8[%swap3A, %swap3A_19] : memref<256x256xf32, #tpu.memory_space<vmem>>, vector<256x256xf32>
    tpu.vector_store %arg8[%swap3A, %swap3A_19], %add3A_18 {strides = array<i32>} : memref<256x256xf32, #tpu.memory_space<vmem>>, vector<256x256xf32>,
    %get3A_21 = arith.constant 0 : index
    %get3A_22 = arith.constant 0 : index
    %get3A_23 = vector.load %arg1[%get3A_21, %get3A_22] : memref<256x256xf32, #tpu.memory_space<vmem>>, vector<256x256xf32>
    %get3A_24 = arith.constant 0 : index
    %get3A_25 = arith.constant 0 : index
    %get3A_26 = vector.load %arg5[%get3A_24, %get3A_25] : memref<256x256xf32, #tpu.memory_space<vmem>>, vector<256x256xf32>
    %dot_general3A_27 = arith.constant dense<0.000000e+00> : vector<256x256xf32>
    %dot_general3A_28 = tpu.matmul %get3A_23, %get3A_26, %dot_general3A_27 {dimension_numbers = #tpu.dot_dimension_numbers<[1], [1], [0], [0], [0, 0, 1, 0], [], []>, transpose_lhs_hint = false} : vector<256x256xf32>, vector<256x256xf32>, vector<256x256xf32> -> vector<256x256xf32>
    %get3A_29 = arith.constant 0 : index
    %get3A_30 = arith.constant 0 : index
    %get3A_31 = vector.load %arg2[%get3A_29, %get3A_30] : memref<256x2048xf32, #tpu.memory_space<vmem>>, vector<256x2048xf32>
    %get3A_32 = arith.constant 0 : index
    %get3A_33 = arith.constant 0 : index
    %get3A_34 = vector.load %arg6[%get3A_32, %get3A_33] : memref<256x2048xf32, #tpu.memory_space<vmem>>, vector<256x2048xf32>
    %dot_general3A_35 = arith.constant dense<0.000000e+00> : vector<256x256xf32>
    %dot_general3A_36 = tpu.matmul %get3A_31, %get3A_34, %dot_general3A_35 {dimension_numbers = #tpu.dot_dimension_numbers<[1], [1], [0], [0], [0, 0, 1, 0], [], []>, transpose_lhs_hint = false} : vector<256x2048xf32>, vector<256x2048xf32>, vector<256x256xf32> -> vector<256x256xf32>
    %add3A_37 = arith.addf %dot_general3A_28, %dot_general3A_36 : vector<256x256xf32>
    %get3A_38 = arith.constant 2 : index
    %get3A_39 = arith.constant 0 : index
    %get3A_40 = vector.load %arg7[%get3A_38, %get3A_39] : memref<8x256xf32, #tpu.memory_space<vmem>>, vector<1x256xf32>
    %add3A_41 = vector.broadcast %get3A_40 : vector<1x256xf32> to vector<256x256xf32>
    %add3A_42 = arith.addf %add3A_37, %add3A_41 : vector<256x256xf32>
    %swap3A_43 = arith.constant 0 : index
    %swap3A_44 = arith.constant 0 : index
    %swap3A_45 = vector.load %arg9[%swap3A_43, %swap3A_44] : memref<256x256xf32, #tpu.memory_space<vmem>>, vector<256x256xf32>
    tpu.vector_store %arg9[%swap3A_43, %swap3A_44], %add3A_42 {strides = array<i32>} : memref<256x256xf32, #tpu.memory_space<vmem>>, vector<256x256xf32>,
    return
  }
  func.func @transform_0(%arg0: i32) -> (i32, i32) {
    %c0_i32 = arith.constant 0 : i32
    %c0_i32_0 = arith.constant 0 : i32
    return %arg0, %c0_i32 : i32, i32
  }
  func.func @transform_1(%arg0: i32) -> (i32, i32) {
    %c0_i32 = arith.constant 0 : i32
    %c0_i32_0 = arith.constant 0 : i32
    return %arg0, %c0_i32 : i32, i32
  }
  func.func @transform_2(%arg0: i32) -> (i32, i32) {
    %c0_i32 = arith.constant 0 : i32
    %c0_i32_0 = arith.constant 0 : i32
    %c0_i32_1 = arith.constant 0 : i32
    return %c0_i32, %c0_i32_0 : i32, i32
  }
  func.func @transform_3(%arg0: i32) -> (i32, i32) {
    %c0_i32 = arith.constant 0 : i32
    %c0_i32_0 = arith.constant 0 : i32
    %c0_i32_1 = arith.constant 0 : i32
    return %c0_i32, %c0_i32_0 : i32, i32
  }
  func.func @transform_4(%arg0: i32) -> (i32, i32) {
    %c0_i32 = arith.constant 0 : i32
    %c0_i32_0 = arith.constant 0 : i32
    %c0_i32_1 = arith.constant 0 : i32
    return %c0_i32, %c0_i32_0 : i32, i32
  }
  func.func @transform_5(%arg0: i32) -> (i32, i32) {
    %c0_i32 = arith.constant 0 : i32
    %c0_i32_0 = arith.constant 0 : i32
    %c0_i32_1 = arith.constant 0 : i32
    return %c0_i32, %c0_i32_0 : i32, i32
  }
  func.func @transform_6(%arg0: i32) -> (i32, i32) {
    %c0_i32 = arith.constant 0 : i32
    %c0_i32_0 = arith.constant 0 : i32
    %c0_i32_1 = arith.constant 0 : i32
    return %c0_i32, %c0_i32_0 : i32, i32
  }
  func.func @transform_7(%arg0: i32) -> (i32, i32) {
    %c0_i32 = arith.constant 0 : i32
    %c0_i32_0 = arith.constant 0 : i32
    return %arg0, %c0_i32 : i32, i32
  }
  func.func @transform_8(%arg0: i32) -> (i32, i32) {
    %c0_i32 = arith.constant 0 : i32
    %c0_i32_0 = arith.constant 0 : i32
    return %arg0, %c0_i32 : i32, i32
  }
}

module attributes {stable_mosaic.version = 14 : i64} {
  func.func @_proj_nbr_body(%arg0: i32, %arg1: memref<256x128xf32, #tpu.memory_space<vmem>>, %arg2: memref<256x2048xf32, #tpu.memory_space<vmem>>, %arg3: memref<256x128xf32, #tpu.memory_space<vmem>>, %arg4: memref<256x2048xf32, #tpu.memory_space<vmem>>, %arg5: memref<256x2048xf32, #tpu.memory_space<vmem>>, %arg6: memref<8x256xf32, #tpu.memory_space<vmem>>, %arg7: memref<256x256xf32, #tpu.memory_space<vmem>>, %arg8: memref<256x256xf32, #tpu.memory_space<vmem>>, %arg9: memref<256x256xf32, #tpu.memory_space<vmem>>, %arg10: memref<256x256xf32, #tpu.memory_space<vmem>>, %arg11: memref<256x256xf32, #tpu.memory_space<vmem>>) attributes {dimension_semantics = [#tpu.dimension_semantics<arbitrary>], iteration_bounds = array<i64: 8>, scalar_prefetch = 0 : i64, scratch_operands = 0 : i64, tpu.core_type = #tpu.core_type<tc>, window_params = [{transform_indices = @transform_0, window_bounds = array<i64: 256, 128>}, {transform_indices = @transform_1, window_bounds = array<i64: 256, 2048>}, {pipeline_mode = #tpu.pipeline_mode<synchronous>, transform_indices = @transform_2, window_bounds = array<i64: 256, 128>}, {pipeline_mode = #tpu.pipeline_mode<synchronous>, transform_indices = @transform_3, window_bounds = array<i64: 256, 2048>}, {pipeline_mode = #tpu.pipeline_mode<synchronous>, transform_indices = @transform_4, window_bounds = array<i64: 256, 2048>}, {pipeline_mode = #tpu.pipeline_mode<synchronous>, transform_indices = @transform_5, window_bounds = array<i64: 8, 256>}, {transform_indices = @transform_6, window_bounds = array<i64: 256, 256>}, {transform_indices = @transform_7, window_bounds = array<i64: 256, 256>}, {transform_indices = @transform_8, window_bounds = array<i64: 256, 256>}, {transform_indices = @transform_9, window_bounds = array<i64: 256, 256>}, {transform_indices = @transform_10, window_bounds = array<i64: 256, 256>}]} {
    %get3A = arith.constant 0 : index
    %get3A_0 = arith.constant 0 : index
    %get3A_1 = vector.load %arg1[%get3A, %get3A_0] : memref<256x128xf32, #tpu.memory_space<vmem>>, vector<256x128xf32>
    %get3A_2 = arith.constant 0 : index
    %get3A_3 = arith.constant 0 : index
    %get3A_4 = vector.load %arg3[%get3A_2, %get3A_3] : memref<256x128xf32, #tpu.memory_space<vmem>>, vector<256x128xf32>
    %dot_general3A = arith.constant dense<0.000000e+00> : vector<256x256xf32>
    %dot_general3A_5 = tpu.matmul %get3A_1, %get3A_4, %dot_general3A {dimension_numbers = #tpu.dot_dimension_numbers<[1], [1], [0], [0], [0, 0, 1, 0], [], []>, transpose_lhs_hint = false} : vector<256x128xf32>, vector<256x128xf32>, vector<256x256xf32> -> vector<256x256xf32>
    %get3A_6 = arith.constant 0 : index
    %get3A_7 = arith.constant 0 : index
    %get3A_8 = vector.load %arg6[%get3A_6, %get3A_7] : memref<8x256xf32, #tpu.memory_space<vmem>>, vector<1x256xf32>
    %add3A = vector.broadcast %get3A_8 : vector<1x256xf32> to vector<256x256xf32>
    %add3A_9 = arith.addf %dot_general3A_5, %add3A : vector<256x256xf32>
    %swap3A = arith.constant 0 : index
    %swap3A_10 = arith.constant 0 : index
    %swap3A_11 = vector.load %arg9[%swap3A, %swap3A_10] : memref<256x256xf32, #tpu.memory_space<vmem>>, vector<256x256xf32>
    tpu.vector_store %arg9[%swap3A, %swap3A_10], %add3A_9 {strides = array<i32>} : memref<256x256xf32, #tpu.memory_space<vmem>>, vector<256x256xf32>,
    %get3A_12 = arith.constant 0 : index
    %get3A_13 = arith.constant 0 : index
    %get3A_14 = vector.load %arg2[%get3A_12, %get3A_13] : memref<256x2048xf32, #tpu.memory_space<vmem>>, vector<256x2048xf32>
    %get3A_15 = arith.constant 0 : index
    %get3A_16 = arith.constant 0 : index
    %get3A_17 = vector.load %arg4[%get3A_15, %get3A_16] : memref<256x2048xf32, #tpu.memory_space<vmem>>, vector<256x2048xf32>
    %dot_general3A_18 = arith.constant dense<0.000000e+00> : vector<256x256xf32>
    %dot_general3A_19 = tpu.matmul %get3A_14, %get3A_17, %dot_general3A_18 {dimension_numbers = #tpu.dot_dimension_numbers<[1], [1], [0], [0], [0, 0, 1, 0], [], []>, transpose_lhs_hint = false} : vector<256x2048xf32>, vector<256x2048xf32>, vector<256x256xf32> -> vector<256x256xf32>
    %get3A_20 = arith.constant 0 : index
    %get3A_21 = arith.constant 0 : index
    %get3A_22 = vector.load %arg7[%get3A_20, %get3A_21] : memref<256x256xf32, #tpu.memory_space<vmem>>, vector<256x256xf32>
    %add3A_23 = arith.addf %dot_general3A_19, %get3A_22 : vector<256x256xf32>
    %swap3A_24 = arith.constant 0 : index
    %swap3A_25 = arith.constant 0 : index
    %swap3A_26 = vector.load %arg10[%swap3A_24, %swap3A_25] : memref<256x256xf32, #tpu.memory_space<vmem>>, vector<256x256xf32>
    tpu.vector_store %arg10[%swap3A_24, %swap3A_25], %add3A_23 {strides = array<i32>} : memref<256x256xf32, #tpu.memory_space<vmem>>, vector<256x256xf32>,
    %get3A_27 = arith.constant 0 : index
    %get3A_28 = arith.constant 0 : index
    %get3A_29 = vector.load %arg2[%get3A_27, %get3A_28] : memref<256x2048xf32, #tpu.memory_space<vmem>>, vector<256x2048xf32>
    %get3A_30 = arith.constant 0 : index
    %get3A_31 = arith.constant 0 : index
    %get3A_32 = vector.load %arg5[%get3A_30, %get3A_31] : memref<256x2048xf32, #tpu.memory_space<vmem>>, vector<256x2048xf32>
    %dot_general3A_33 = arith.constant dense<0.000000e+00> : vector<256x256xf32>
    %dot_general3A_34 = tpu.matmul %get3A_29, %get3A_32, %dot_general3A_33 {dimension_numbers = #tpu.dot_dimension_numbers<[1], [1], [0], [0], [0, 0, 1, 0], [], []>, transpose_lhs_hint = false} : vector<256x2048xf32>, vector<256x2048xf32>, vector<256x256xf32> -> vector<256x256xf32>
    %get3A_35 = arith.constant 0 : index
    %get3A_36 = arith.constant 0 : index
    %get3A_37 = vector.load %arg8[%get3A_35, %get3A_36] : memref<256x256xf32, #tpu.memory_space<vmem>>, vector<256x256xf32>
    %add3A_38 = arith.addf %dot_general3A_34, %get3A_37 : vector<256x256xf32>
    %swap3A_39 = arith.constant 0 : index
    %swap3A_40 = arith.constant 0 : index
    %swap3A_41 = vector.load %arg11[%swap3A_39, %swap3A_40] : memref<256x256xf32, #tpu.memory_space<vmem>>, vector<256x256xf32>
    tpu.vector_store %arg11[%swap3A_39, %swap3A_40], %add3A_38 {strides = array<i32>} : memref<256x256xf32, #tpu.memory_space<vmem>>, vector<256x256xf32>,
    return
  }
  func.func @transform_0(%arg0: i32) -> (i32, i32) {
    %c0_i32 = arith.constant 0 : i32
    %c0_i32_0 = arith.constant 0 : i32
    return %arg0, %c0_i32 : i32, i32
  }
  func.func @transform_1(%arg0: i32) -> (i32, i32) {
    %c0_i32 = arith.constant 0 : i32
    %c0_i32_0 = arith.constant 0 : i32
    return %arg0, %c0_i32 : i32, i32
  }
  func.func @transform_2(%arg0: i32) -> (i32, i32) {
    %c0_i32 = arith.constant 0 : i32
    %c0_i32_0 = arith.constant 0 : i32
    %c0_i32_1 = arith.constant 0 : i32
    return %c0_i32, %c0_i32_0 : i32, i32
  }
  func.func @transform_3(%arg0: i32) -> (i32, i32) {
    %c0_i32 = arith.constant 0 : i32
    %c0_i32_0 = arith.constant 0 : i32
    %c0_i32_1 = arith.constant 0 : i32
    return %c0_i32, %c0_i32_0 : i32, i32
  }
  func.func @transform_4(%arg0: i32) -> (i32, i32) {
    %c0_i32 = arith.constant 0 : i32
    %c0_i32_0 = arith.constant 0 : i32
    %c0_i32_1 = arith.constant 0 : i32
    return %c0_i32, %c0_i32_0 : i32, i32
  }
  func.func @transform_5(%arg0: i32) -> (i32, i32) {
    %c0_i32 = arith.constant 0 : i32
    %c0_i32_0 = arith.constant 0 : i32
    %c0_i32_1 = arith.constant 0 : i32
    return %c0_i32, %c0_i32_0 : i32, i32
  }
  func.func @transform_6(%arg0: i32) -> (i32, i32) {
    %c0_i32 = arith.constant 0 : i32
    %c0_i32_0 = arith.constant 0 : i32
    return %arg0, %c0_i32 : i32, i32
  }
  func.func @transform_7(%arg0: i32) -> (i32, i32) {
    %c0_i32 = arith.constant 0 : i32
    %c0_i32_0 = arith.constant 0 : i32
    return %arg0, %c0_i32 : i32, i32
  }
  func.func @transform_8(%arg0: i32) -> (i32, i32) {
    %c0_i32 = arith.constant 0 : i32
    %c0_i32_0 = arith.constant 0 : i32
    return %arg0, %c0_i32 : i32, i32
  }
  func.func @transform_9(%arg0: i32) -> (i32, i32) {
    %c0_i32 = arith.constant 0 : i32
    %c0_i32_0 = arith.constant 0 : i32
    return %arg0, %c0_i32 : i32, i32
  }
  func.func @transform_10(%arg0: i32) -> (i32, i32) {
    %c0_i32 = arith.constant 0 : i32
    %c0_i32_0 = arith.constant 0 : i32
    return %arg0, %c0_i32 : i32, i32
  }
}

module attributes {stable_mosaic.version = 14 : i64} {
  func.func @_regroup_body(%arg0: memref<256x4352xf32, #tpu.memory_space<vmem>>, %arg1: memref<256x4352xf32, #tpu.memory_space<vmem>>, %arg2: memref<256x2048xf32, #tpu.memory_space<vmem>>, %arg3: memref<256x256xf32, #tpu.memory_space<vmem>>, %arg4: memref<256x2048xf32, #tpu.memory_space<vmem>>, %arg5: memref<256x2048xf32, #tpu.memory_space<vmem>>, %arg6: memref<256x256xf32, #tpu.memory_space<vmem>>, %arg7: memref<256x2048xf32, #tpu.memory_space<vmem>>) attributes {dimension_semantics = [], scalar_prefetch = 0 : i64, scratch_operands = 0 : i64, tpu.core_type = #tpu.core_type<tc>} {
    %get3A = arith.constant 0 : index
    %get3A_0 = arith.constant 0 : index
    %get3A_1 = vector.load %arg0[%get3A, %get3A_0] : memref<256x4352xf32, #tpu.memory_space<vmem>>, vector<256x4352xf32>
    %get3A_2 = arith.constant 0 : index
    %get3A_3 = arith.constant 0 : index
    %get3A_4 = vector.load %arg1[%get3A_2, %get3A_3] : memref<256x4352xf32, #tpu.memory_space<vmem>>, vector<256x4352xf32>
    %slice3A = vector.extract_strided_slice %get3A_1 {offsets = [0, 0], sizes = [256, 128], strides = [1, 1]} : vector<256x4352xf32> to vector<256x128xf32>
    %swap3A = arith.constant 0 : index
    %swap3A_5 = arith.constant 0 : index
    %swap3A_6 = vector.load %arg2[%swap3A, %swap3A_5] : memref<256x2048xf32, #tpu.memory_space<vmem>>, vector<256x128xf32>
    tpu.vector_store %arg2[%swap3A, %swap3A_5], %slice3A {strides = array<i32>} : memref<256x2048xf32, #tpu.memory_space<vmem>>, vector<256x128xf32>,
    %slice3A_7 = vector.extract_strided_slice %get3A_1 {offsets = [0, 128], sizes = [256, 16], strides = [1, 1]} : vector<256x4352xf32> to vector<256x16xf32>
    %swap3A_8 = arith.constant 0 : index
    %swap3A_9 = arith.constant 0 : index
    %swap3A_10 = vector.load %arg3[%swap3A_8, %swap3A_9] : memref<256x256xf32, #tpu.memory_space<vmem>>, vector<256x16xf32>
    tpu.vector_store %arg3[%swap3A_8, %swap3A_9], %slice3A_7 {strides = array<i32>} : memref<256x256xf32, #tpu.memory_space<vmem>>, vector<256x16xf32>,
    %slice3A_11 = vector.extract_strided_slice %get3A_1 {offsets = [0, 144], sizes = [256, 128], strides = [1, 1]} : vector<256x4352xf32> to vector<256x128xf32>
    %swap3A_12 = arith.constant 0 : index
    %swap3A_13 = arith.constant 0 : index
    %swap3A_14 = vector.load %arg4[%swap3A_12, %swap3A_13] : memref<256x2048xf32, #tpu.memory_space<vmem>>, vector<256x128xf32>
    tpu.vector_store %arg4[%swap3A_12, %swap3A_13], %slice3A_11 {strides = array<i32>} : memref<256x2048xf32, #tpu.memory_space<vmem>>, vector<256x128xf32>,
    %slice3A_15 = vector.extract_strided_slice %get3A_1 {offsets = [0, 272], sizes = [256, 128], strides = [1, 1]} : vector<256x4352xf32> to vector<256x128xf32>
    %swap3A_16 = arith.constant 0 : index
    %swap3A_17 = arith.constant 128 : index
    %swap3A_18 = vector.load %arg2[%swap3A_16, %swap3A_17] : memref<256x2048xf32, #tpu.memory_space<vmem>>, vector<256x128xf32>
    tpu.vector_store %arg2[%swap3A_16, %swap3A_17], %slice3A_15 {strides = array<i32>} : memref<256x2048xf32, #tpu.memory_space<vmem>>, vector<256x128xf32>,
    %slice3A_19 = vector.extract_strided_slice %get3A_1 {offsets = [0, 400], sizes = [256, 16], strides = [1, 1]} : vector<256x4352xf32> to vector<256x16xf32>
    %swap3A_20 = arith.constant 0 : index
    %swap3A_21 = arith.constant 16 : index
    %swap3A_22 = vector.load %arg3[%swap3A_20, %swap3A_21] : memref<256x256xf32, #tpu.memory_space<vmem>>, vector<256x16xf32>
    tpu.vector_store %arg3[%swap3A_20, %swap3A_21], %slice3A_19 {strides = array<i32>} : memref<256x256xf32, #tpu.memory_space<vmem>>, vector<256x16xf32>,
    %slice3A_23 = vector.extract_strided_slice %get3A_1 {offsets = [0, 416], sizes = [256, 128], strides = [1, 1]} : vector<256x4352xf32> to vector<256x128xf32>
    %swap3A_24 = arith.constant 0 : index
    %swap3A_25 = arith.constant 128 : index
    %swap3A_26 = vector.load %arg4[%swap3A_24, %swap3A_25] : memref<256x2048xf32, #tpu.memory_space<vmem>>, vector<256x128xf32>
    tpu.vector_store %arg4[%swap3A_24, %swap3A_25], %slice3A_23 {strides = array<i32>} : memref<256x2048xf32, #tpu.memory_space<vmem>>, vector<256x128xf32>,
    %slice3A_27 = vector.extract_strided_slice %get3A_1 {offsets = [0, 544], sizes = [256, 128], strides = [1, 1]} : vector<256x4352xf32> to vector<256x128xf32>
    %swap3A_28 = arith.constant 0 : index
    %swap3A_29 = arith.constant 256 : index
    %swap3A_30 = vector.load %arg2[%swap3A_28, %swap3A_29] : memref<256x2048xf32, #tpu.memory_space<vmem>>, vector<256x128xf32>
    tpu.vector_store %arg2[%swap3A_28, %swap3A_29], %slice3A_27 {strides = array<i32>} : memref<256x2048xf32, #tpu.memory_space<vmem>>, vector<256x128xf32>,
    %slice3A_31 = vector.extract_strided_slice %get3A_1 {offsets = [0, 672], sizes = [256, 16], strides = [1, 1]} : vector<256x4352xf32> to vector<256x16xf32>
    %swap3A_32 = arith.constant 0 : index
    %swap3A_33 = arith.constant 32 : index
    %swap3A_34 = vector.load %arg3[%swap3A_32, %swap3A_33] : memref<256x256xf32, #tpu.memory_space<vmem>>, vector<256x16xf32>
    tpu.vector_store %arg3[%swap3A_32, %swap3A_33], %slice3A_31 {strides = array<i32>} : memref<256x256xf32, #tpu.memory_space<vmem>>, vector<256x16xf32>,
    %slice3A_35 = vector.extract_strided_slice %get3A_1 {offsets = [0, 688], sizes = [256, 128], strides = [1, 1]} : vector<256x4352xf32> to vector<256x128xf32>
    %swap3A_36 = arith.constant 0 : index
    %swap3A_37 = arith.constant 256 : index
    %swap3A_38 = vector.load %arg4[%swap3A_36, %swap3A_37] : memref<256x2048xf32, #tpu.memory_space<vmem>>, vector<256x128xf32>
    tpu.vector_store %arg4[%swap3A_36, %swap3A_37], %slice3A_35 {strides = array<i32>} : memref<256x2048xf32, #tpu.memory_space<vmem>>, vector<256x128xf32>,
    %slice3A_39 = vector.extract_strided_slice %get3A_1 {offsets = [0, 816], sizes = [256, 128], strides = [1, 1]} : vector<256x4352xf32> to vector<256x128xf32>
    %swap3A_40 = arith.constant 0 : index
    %swap3A_41 = arith.constant 384 : index
    %swap3A_42 = vector.load %arg2[%swap3A_40, %swap3A_41] : memref<256x2048xf32, #tpu.memory_space<vmem>>, vector<256x128xf32>
    tpu.vector_store %arg2[%swap3A_40, %swap3A_41], %slice3A_39 {strides = array<i32>} : memref<256x2048xf32, #tpu.memory_space<vmem>>, vector<256x128xf32>,
    %slice3A_43 = vector.extract_strided_slice %get3A_1 {offsets = [0, 944], sizes = [256, 16], strides = [1, 1]} : vector<256x4352xf32> to vector<256x16xf32>
    %swap3A_44 = arith.constant 0 : index
    %swap3A_45 = arith.constant 48 : index
    %swap3A_46 = vector.load %arg3[%swap3A_44, %swap3A_45] : memref<256x256xf32, #tpu.memory_space<vmem>>, vector<256x16xf32>
    tpu.vector_store %arg3[%swap3A_44, %swap3A_45], %slice3A_43 {strides = array<i32>} : memref<256x256xf32, #tpu.memory_space<vmem>>, vector<256x16xf32>,
    %slice3A_47 = vector.extract_strided_slice %get3A_1 {offsets = [0, 960], sizes = [256, 128], strides = [1, 1]} : vector<256x4352xf32> to vector<256x128xf32>
    %swap3A_48 = arith.constant 0 : index
    %swap3A_49 = arith.constant 384 : index
    %swap3A_50 = vector.load %arg4[%swap3A_48, %swap3A_49] : memref<256x2048xf32, #tpu.memory_space<vmem>>, vector<256x128xf32>
    tpu.vector_store %arg4[%swap3A_48, %swap3A_49], %slice3A_47 {strides = array<i32>} : memref<256x2048xf32, #tpu.memory_space<vmem>>, vector<256x128xf32>,
    %slice3A_51 = vector.extract_strided_slice %get3A_1 {offsets = [0, 1088], sizes = [256, 128], strides = [1, 1]} : vector<256x4352xf32> to vector<256x128xf32>
    %swap3A_52 = arith.constant 0 : index
    %swap3A_53 = arith.constant 512 : index
    %swap3A_54 = vector.load %arg2[%swap3A_52, %swap3A_53] : memref<256x2048xf32, #tpu.memory_space<vmem>>, vector<256x128xf32>
    tpu.vector_store %arg2[%swap3A_52, %swap3A_53], %slice3A_51 {strides = array<i32>} : memref<256x2048xf32, #tpu.memory_space<vmem>>, vector<256x128xf32>,
    %slice3A_55 = vector.extract_strided_slice %get3A_1 {offsets = [0, 1216], sizes = [256, 16], strides = [1, 1]} : vector<256x4352xf32> to vector<256x16xf32>
    %swap3A_56 = arith.constant 0 : index
    %swap3A_57 = arith.constant 64 : index
    %swap3A_58 = vector.load %arg3[%swap3A_56, %swap3A_57] : memref<256x256xf32, #tpu.memory_space<vmem>>, vector<256x16xf32>
    tpu.vector_store %arg3[%swap3A_56, %swap3A_57], %slice3A_55 {strides = array<i32>} : memref<256x256xf32, #tpu.memory_space<vmem>>, vector<256x16xf32>,
    %slice3A_59 = vector.extract_strided_slice %get3A_1 {offsets = [0, 1232], sizes = [256, 128], strides = [1, 1]} : vector<256x4352xf32> to vector<256x128xf32>
    %swap3A_60 = arith.constant 0 : index
    %swap3A_61 = arith.constant 512 : index
    %swap3A_62 = vector.load %arg4[%swap3A_60, %swap3A_61] : memref<256x2048xf32, #tpu.memory_space<vmem>>, vector<256x128xf32>
    tpu.vector_store %arg4[%swap3A_60, %swap3A_61], %slice3A_59 {strides = array<i32>} : memref<256x2048xf32, #tpu.memory_space<vmem>>, vector<256x128xf32>,
    %slice3A_63 = vector.extract_strided_slice %get3A_1 {offsets = [0, 1360], sizes = [256, 128], strides = [1, 1]} : vector<256x4352xf32> to vector<256x128xf32>
    %swap3A_64 = arith.constant 0 : index
    %swap3A_65 = arith.constant 640 : index
    %swap3A_66 = vector.load %arg2[%swap3A_64, %swap3A_65] : memref<256x2048xf32, #tpu.memory_space<vmem>>, vector<256x128xf32>
    tpu.vector_store %arg2[%swap3A_64, %swap3A_65], %slice3A_63 {strides = array<i32>} : memref<256x2048xf32, #tpu.memory_space<vmem>>, vector<256x128xf32>,
    %slice3A_67 = vector.extract_strided_slice %get3A_1 {offsets = [0, 1488], sizes = [256, 16], strides = [1, 1]} : vector<256x4352xf32> to vector<256x16xf32>
    %swap3A_68 = arith.constant 0 : index
    %swap3A_69 = arith.constant 80 : index
    %swap3A_70 = vector.load %arg3[%swap3A_68, %swap3A_69] : memref<256x256xf32, #tpu.memory_space<vmem>>, vector<256x16xf32>
    tpu.vector_store %arg3[%swap3A_68, %swap3A_69], %slice3A_67 {strides = array<i32>} : memref<256x256xf32, #tpu.memory_space<vmem>>, vector<256x16xf32>,
    %slice3A_71 = vector.extract_strided_slice %get3A_1 {offsets = [0, 1504], sizes = [256, 128], strides = [1, 1]} : vector<256x4352xf32> to vector<256x128xf32>
    %swap3A_72 = arith.constant 0 : index
    %swap3A_73 = arith.constant 640 : index
    %swap3A_74 = vector.load %arg4[%swap3A_72, %swap3A_73] : memref<256x2048xf32, #tpu.memory_space<vmem>>, vector<256x128xf32>
    tpu.vector_store %arg4[%swap3A_72, %swap3A_73], %slice3A_71 {strides = array<i32>} : memref<256x2048xf32, #tpu.memory_space<vmem>>, vector<256x128xf32>,
    %slice3A_75 = vector.extract_strided_slice %get3A_1 {offsets = [0, 1632], sizes = [256, 128], strides = [1, 1]} : vector<256x4352xf32> to vector<256x128xf32>
    %swap3A_76 = arith.constant 0 : index
    %swap3A_77 = arith.constant 768 : index
    %swap3A_78 = vector.load %arg2[%swap3A_76, %swap3A_77] : memref<256x2048xf32, #tpu.memory_space<vmem>>, vector<256x128xf32>
    tpu.vector_store %arg2[%swap3A_76, %swap3A_77], %slice3A_75 {strides = array<i32>} : memref<256x2048xf32, #tpu.memory_space<vmem>>, vector<256x128xf32>,
    %slice3A_79 = vector.extract_strided_slice %get3A_1 {offsets = [0, 1760], sizes = [256, 16], strides = [1, 1]} : vector<256x4352xf32> to vector<256x16xf32>
    %swap3A_80 = arith.constant 0 : index
    %swap3A_81 = arith.constant 96 : index
    %swap3A_82 = vector.load %arg3[%swap3A_80, %swap3A_81] : memref<256x256xf32, #tpu.memory_space<vmem>>, vector<256x16xf32>
    tpu.vector_store %arg3[%swap3A_80, %swap3A_81], %slice3A_79 {strides = array<i32>} : memref<256x256xf32, #tpu.memory_space<vmem>>, vector<256x16xf32>,
    %slice3A_83 = vector.extract_strided_slice %get3A_1 {offsets = [0, 1776], sizes = [256, 128], strides = [1, 1]} : vector<256x4352xf32> to vector<256x128xf32>
    %swap3A_84 = arith.constant 0 : index
    %swap3A_85 = arith.constant 768 : index
    %swap3A_86 = vector.load %arg4[%swap3A_84, %swap3A_85] : memref<256x2048xf32, #tpu.memory_space<vmem>>, vector<256x128xf32>
    tpu.vector_store %arg4[%swap3A_84, %swap3A_85], %slice3A_83 {strides = array<i32>} : memref<256x2048xf32, #tpu.memory_space<vmem>>, vector<256x128xf32>,
    %slice3A_87 = vector.extract_strided_slice %get3A_1 {offsets = [0, 1904], sizes = [256, 128], strides = [1, 1]} : vector<256x4352xf32> to vector<256x128xf32>
    %swap3A_88 = arith.constant 0 : index
    %swap3A_89 = arith.constant 896 : index
    %swap3A_90 = vector.load %arg2[%swap3A_88, %swap3A_89] : memref<256x2048xf32, #tpu.memory_space<vmem>>, vector<256x128xf32>
    tpu.vector_store %arg2[%swap3A_88, %swap3A_89], %slice3A_87 {strides = array<i32>} : memref<256x2048xf32, #tpu.memory_space<vmem>>, vector<256x128xf32>,
    %slice3A_91 = vector.extract_strided_slice %get3A_1 {offsets = [0, 2032], sizes = [256, 16], strides = [1, 1]} : vector<256x4352xf32> to vector<256x16xf32>
    %swap3A_92 = arith.constant 0 : index
    %swap3A_93 = arith.constant 112 : index
    %swap3A_94 = vector.load %arg3[%swap3A_92, %swap3A_93] : memref<256x256xf32, #tpu.memory_space<vmem>>, vector<256x16xf32>
    tpu.vector_store %arg3[%swap3A_92, %swap3A_93], %slice3A_91 {strides = array<i32>} : memref<256x256xf32, #tpu.memory_space<vmem>>, vector<256x16xf32>,
    %slice3A_95 = vector.extract_strided_slice %get3A_1 {offsets = [0, 2048], sizes = [256, 128], strides = [1, 1]} : vector<256x4352xf32> to vector<256x128xf32>
    %swap3A_96 = arith.constant 0 : index
    %swap3A_97 = arith.constant 896 : index
    %swap3A_98 = vector.load %arg4[%swap3A_96, %swap3A_97] : memref<256x2048xf32, #tpu.memory_space<vmem>>, vector<256x128xf32>
    tpu.vector_store %arg4[%swap3A_96, %swap3A_97], %slice3A_95 {strides = array<i32>} : memref<256x2048xf32, #tpu.memory_space<vmem>>, vector<256x128xf32>,
    %slice3A_99 = vector.extract_strided_slice %get3A_1 {offsets = [0, 2176], sizes = [256, 128], strides = [1, 1]} : vector<256x4352xf32> to vector<256x128xf32>
    %swap3A_100 = arith.constant 0 : index
    %swap3A_101 = arith.constant 1024 : index
    %swap3A_102 = vector.load %arg2[%swap3A_100, %swap3A_101] : memref<256x2048xf32, #tpu.memory_space<vmem>>, vector<256x128xf32>
    tpu.vector_store %arg2[%swap3A_100, %swap3A_101], %slice3A_99 {strides = array<i32>} : memref<256x2048xf32, #tpu.memory_space<vmem>>, vector<256x128xf32>,
    %slice3A_103 = vector.extract_strided_slice %get3A_1 {offsets = [0, 2304], sizes = [256, 16], strides = [1, 1]} : vector<256x4352xf32> to vector<256x16xf32>
    %swap3A_104 = arith.constant 0 : index
    %swap3A_105 = arith.constant 128 : index
    %swap3A_106 = vector.load %arg3[%swap3A_104, %swap3A_105] : memref<256x256xf32, #tpu.memory_space<vmem>>, vector<256x16xf32>
    tpu.vector_store %arg3[%swap3A_104, %swap3A_105], %slice3A_103 {strides = array<i32>} : memref<256x256xf32, #tpu.memory_space<vmem>>, vector<256x16xf32>,
    %slice3A_107 = vector.extract_strided_slice %get3A_1 {offsets = [0, 2320], sizes = [256, 128], strides = [1, 1]} : vector<256x4352xf32> to vector<256x128xf32>
    %swap3A_108 = arith.constant 0 : index
    %swap3A_109 = arith.constant 1024 : index
    %swap3A_110 = vector.load %arg4[%swap3A_108, %swap3A_109] : memref<256x2048xf32, #tpu.memory_space<vmem>>, vector<256x128xf32>
    tpu.vector_store %arg4[%swap3A_108, %swap3A_109], %slice3A_107 {strides = array<i32>} : memref<256x2048xf32, #tpu.memory_space<vmem>>, vector<256x128xf32>,
    %slice3A_111 = vector.extract_strided_slice %get3A_1 {offsets = [0, 2448], sizes = [256, 128], strides = [1, 1]} : vector<256x4352xf32> to vector<256x128xf32>
    %swap3A_112 = arith.constant 0 : index
    %swap3A_113 = arith.constant 1152 : index
    %swap3A_114 = vector.load %arg2[%swap3A_112, %swap3A_113] : memref<256x2048xf32, #tpu.memory_space<vmem>>, vector<256x128xf32>
    tpu.vector_store %arg2[%swap3A_112, %swap3A_113], %slice3A_111 {strides = array<i32>} : memref<256x2048xf32, #tpu.memory_space<vmem>>, vector<256x128xf32>,
    %slice3A_115 = vector.extract_strided_slice %get3A_1 {offsets = [0, 2576], sizes = [256, 16], strides = [1, 1]} : vector<256x4352xf32> to vector<256x16xf32>
    %swap3A_116 = arith.constant 0 : index
    %swap3A_117 = arith.constant 144 : index
    %swap3A_118 = vector.load %arg3[%swap3A_116, %swap3A_117] : memref<256x256xf32, #tpu.memory_space<vmem>>, vector<256x16xf32>
    tpu.vector_store %arg3[%swap3A_116, %swap3A_117], %slice3A_115 {strides = array<i32>} : memref<256x256xf32, #tpu.memory_space<vmem>>, vector<256x16xf32>,
    %slice3A_119 = vector.extract_strided_slice %get3A_1 {offsets = [0, 2592], sizes = [256, 128], strides = [1, 1]} : vector<256x4352xf32> to vector<256x128xf32>
    %swap3A_120 = arith.constant 0 : index
    %swap3A_121 = arith.constant 1152 : index
    %swap3A_122 = vector.load %arg4[%swap3A_120, %swap3A_121] : memref<256x2048xf32, #tpu.memory_space<vmem>>, vector<256x128xf32>
    tpu.vector_store %arg4[%swap3A_120, %swap3A_121], %slice3A_119 {strides = array<i32>} : memref<256x2048xf32, #tpu.memory_space<vmem>>, vector<256x128xf32>,
    %slice3A_123 = vector.extract_strided_slice %get3A_1 {offsets = [0, 2720], sizes = [256, 128], strides = [1, 1]} : vector<256x4352xf32> to vector<256x128xf32>
    %swap3A_124 = arith.constant 0 : index
    %swap3A_125 = arith.constant 1280 : index
    %swap3A_126 = vector.load %arg2[%swap3A_124, %swap3A_125] : memref<256x2048xf32, #tpu.memory_space<vmem>>, vector<256x128xf32>
    tpu.vector_store %arg2[%swap3A_124, %swap3A_125], %slice3A_123 {strides = array<i32>} : memref<256x2048xf32, #tpu.memory_space<vmem>>, vector<256x128xf32>,
    %slice3A_127 = vector.extract_strided_slice %get3A_1 {offsets = [0, 2848], sizes = [256, 16], strides = [1, 1]} : vector<256x4352xf32> to vector<256x16xf32>
    %swap3A_128 = arith.constant 0 : index
    %swap3A_129 = arith.constant 160 : index
    %swap3A_130 = vector.load %arg3[%swap3A_128, %swap3A_129] : memref<256x256xf32, #tpu.memory_space<vmem>>, vector<256x16xf32>
    tpu.vector_store %arg3[%swap3A_128, %swap3A_129], %slice3A_127 {strides = array<i32>} : memref<256x256xf32, #tpu.memory_space<vmem>>, vector<256x16xf32>,
    %slice3A_131 = vector.extract_strided_slice %get3A_1 {offsets = [0, 2864], sizes = [256, 128], strides = [1, 1]} : vector<256x4352xf32> to vector<256x128xf32>
    %swap3A_132 = arith.constant 0 : index
    %swap3A_133 = arith.constant 1280 : index
    %swap3A_134 = vector.load %arg4[%swap3A_132, %swap3A_133] : memref<256x2048xf32, #tpu.memory_space<vmem>>, vector<256x128xf32>
    tpu.vector_store %arg4[%swap3A_132, %swap3A_133], %slice3A_131 {strides = array<i32>} : memref<256x2048xf32, #tpu.memory_space<vmem>>, vector<256x128xf32>,
    %slice3A_135 = vector.extract_strided_slice %get3A_1 {offsets = [0, 2992], sizes = [256, 128], strides = [1, 1]} : vector<256x4352xf32> to vector<256x128xf32>
    %swap3A_136 = arith.constant 0 : index
    %swap3A_137 = arith.constant 1408 : index
    %swap3A_138 = vector.load %arg2[%swap3A_136, %swap3A_137] : memref<256x2048xf32, #tpu.memory_space<vmem>>, vector<256x128xf32>
    tpu.vector_store %arg2[%swap3A_136, %swap3A_137], %slice3A_135 {strides = array<i32>} : memref<256x2048xf32, #tpu.memory_space<vmem>>, vector<256x128xf32>,
    %slice3A_139 = vector.extract_strided_slice %get3A_1 {offsets = [0, 3120], sizes = [256, 16], strides = [1, 1]} : vector<256x4352xf32> to vector<256x16xf32>
    %swap3A_140 = arith.constant 0 : index
    %swap3A_141 = arith.constant 176 : index
    %swap3A_142 = vector.load %arg3[%swap3A_140, %swap3A_141] : memref<256x256xf32, #tpu.memory_space<vmem>>, vector<256x16xf32>
    tpu.vector_store %arg3[%swap3A_140, %swap3A_141], %slice3A_139 {strides = array<i32>} : memref<256x256xf32, #tpu.memory_space<vmem>>, vector<256x16xf32>,
    %slice3A_143 = vector.extract_strided_slice %get3A_1 {offsets = [0, 3136], sizes = [256, 128], strides = [1, 1]} : vector<256x4352xf32> to vector<256x128xf32>
    %swap3A_144 = arith.constant 0 : index
    %swap3A_145 = arith.constant 1408 : index
    %swap3A_146 = vector.load %arg4[%swap3A_144, %swap3A_145] : memref<256x2048xf32, #tpu.memory_space<vmem>>, vector<256x128xf32>
    tpu.vector_store %arg4[%swap3A_144, %swap3A_145], %slice3A_143 {strides = array<i32>} : memref<256x2048xf32, #tpu.memory_space<vmem>>, vector<256x128xf32>,
    %slice3A_147 = vector.extract_strided_slice %get3A_1 {offsets = [0, 3264], sizes = [256, 128], strides = [1, 1]} : vector<256x4352xf32> to vector<256x128xf32>
    %swap3A_148 = arith.constant 0 : index
    %swap3A_149 = arith.constant 1536 : index
    %swap3A_150 = vector.load %arg2[%swap3A_148, %swap3A_149] : memref<256x2048xf32, #tpu.memory_space<vmem>>, vector<256x128xf32>
    tpu.vector_store %arg2[%swap3A_148, %swap3A_149], %slice3A_147 {strides = array<i32>} : memref<256x2048xf32, #tpu.memory_space<vmem>>, vector<256x128xf32>,
    %slice3A_151 = vector.extract_strided_slice %get3A_1 {offsets = [0, 3392], sizes = [256, 16], strides = [1, 1]} : vector<256x4352xf32> to vector<256x16xf32>
    %swap3A_152 = arith.constant 0 : index
    %swap3A_153 = arith.constant 192 : index
    %swap3A_154 = vector.load %arg3[%swap3A_152, %swap3A_153] : memref<256x256xf32, #tpu.memory_space<vmem>>, vector<256x16xf32>
    tpu.vector_store %arg3[%swap3A_152, %swap3A_153], %slice3A_151 {strides = array<i32>} : memref<256x256xf32, #tpu.memory_space<vmem>>, vector<256x16xf32>,
    %slice3A_155 = vector.extract_strided_slice %get3A_1 {offsets = [0, 3408], sizes = [256, 128], strides = [1, 1]} : vector<256x4352xf32> to vector<256x128xf32>
    %swap3A_156 = arith.constant 0 : index
    %swap3A_157 = arith.constant 1536 : index
    %swap3A_158 = vector.load %arg4[%swap3A_156, %swap3A_157] : memref<256x2048xf32, #tpu.memory_space<vmem>>, vector<256x128xf32>
    tpu.vector_store %arg4[%swap3A_156, %swap3A_157], %slice3A_155 {strides = array<i32>} : memref<256x2048xf32, #tpu.memory_space<vmem>>, vector<256x128xf32>,
    %slice3A_159 = vector.extract_strided_slice %get3A_1 {offsets = [0, 3536], sizes = [256, 128], strides = [1, 1]} : vector<256x4352xf32> to vector<256x128xf32>
    %swap3A_160 = arith.constant 0 : index
    %swap3A_161 = arith.constant 1664 : index
    %swap3A_162 = vector.load %arg2[%swap3A_160, %swap3A_161] : memref<256x2048xf32, #tpu.memory_space<vmem>>, vector<256x128xf32>
    tpu.vector_store %arg2[%swap3A_160, %swap3A_161], %slice3A_159 {strides = array<i32>} : memref<256x2048xf32, #tpu.memory_space<vmem>>, vector<256x128xf32>,
    %slice3A_163 = vector.extract_strided_slice %get3A_1 {offsets = [0, 3664], sizes = [256, 16], strides = [1, 1]} : vector<256x4352xf32> to vector<256x16xf32>
    %swap3A_164 = arith.constant 0 : index
    %swap3A_165 = arith.constant 208 : index
    %swap3A_166 = vector.load %arg3[%swap3A_164, %swap3A_165] : memref<256x256xf32, #tpu.memory_space<vmem>>, vector<256x16xf32>
    tpu.vector_store %arg3[%swap3A_164, %swap3A_165], %slice3A_163 {strides = array<i32>} : memref<256x256xf32, #tpu.memory_space<vmem>>, vector<256x16xf32>,
    %slice3A_167 = vector.extract_strided_slice %get3A_1 {offsets = [0, 3680], sizes = [256, 128], strides = [1, 1]} : vector<256x4352xf32> to vector<256x128xf32>
    %swap3A_168 = arith.constant 0 : index
    %swap3A_169 = arith.constant 1664 : index
    %swap3A_170 = vector.load %arg4[%swap3A_168, %swap3A_169] : memref<256x2048xf32, #tpu.memory_space<vmem>>, vector<256x128xf32>
    tpu.vector_store %arg4[%swap3A_168, %swap3A_169], %slice3A_167 {strides = array<i32>} : memref<256x2048xf32, #tpu.memory_space<vmem>>, vector<256x128xf32>,
    %slice3A_171 = vector.extract_strided_slice %get3A_1 {offsets = [0, 3808], sizes = [256, 128], strides = [1, 1]} : vector<256x4352xf32> to vector<256x128xf32>
    %swap3A_172 = arith.constant 0 : index
    %swap3A_173 = arith.constant 1792 : index
    %swap3A_174 = vector.load %arg2[%swap3A_172, %swap3A_173] : memref<256x2048xf32, #tpu.memory_space<vmem>>, vector<256x128xf32>
    tpu.vector_store %arg2[%swap3A_172, %swap3A_173], %slice3A_171 {strides = array<i32>} : memref<256x2048xf32, #tpu.memory_space<vmem>>, vector<256x128xf32>,
    %slice3A_175 = vector.extract_strided_slice %get3A_1 {offsets = [0, 3936], sizes = [256, 16], strides = [1, 1]} : vector<256x4352xf32> to vector<256x16xf32>
    %swap3A_176 = arith.constant 0 : index
    %swap3A_177 = arith.constant 224 : index
    %swap3A_178 = vector.load %arg3[%swap3A_176, %swap3A_177] : memref<256x256xf32, #tpu.memory_space<vmem>>, vector<256x16xf32>
    tpu.vector_store %arg3[%swap3A_176, %swap3A_177], %slice3A_175 {strides = array<i32>} : memref<256x256xf32, #tpu.memory_space<vmem>>, vector<256x16xf32>,
    %slice3A_179 = vector.extract_strided_slice %get3A_1 {offsets = [0, 3952], sizes = [256, 128], strides = [1, 1]} : vector<256x4352xf32> to vector<256x128xf32>
    %swap3A_180 = arith.constant 0 : index
    %swap3A_181 = arith.constant 1792 : index
    %swap3A_182 = vector.load %arg4[%swap3A_180, %swap3A_181] : memref<256x2048xf32, #tpu.memory_space<vmem>>, vector<256x128xf32>
    tpu.vector_store %arg4[%swap3A_180, %swap3A_181], %slice3A_179 {strides = array<i32>} : memref<256x2048xf32, #tpu.memory_space<vmem>>, vector<256x128xf32>,
    %slice3A_183 = vector.extract_strided_slice %get3A_1 {offsets = [0, 4080], sizes = [256, 128], strides = [1, 1]} : vector<256x4352xf32> to vector<256x128xf32>
    %swap3A_184 = arith.constant 0 : index
    %swap3A_185 = arith.constant 1920 : index
    %swap3A_186 = vector.load %arg2[%swap3A_184, %swap3A_185] : memref<256x2048xf32, #tpu.memory_space<vmem>>, vector<256x128xf32>
    tpu.vector_store %arg2[%swap3A_184, %swap3A_185], %slice3A_183 {strides = array<i32>} : memref<256x2048xf32, #tpu.memory_space<vmem>>, vector<256x128xf32>,
    %slice3A_187 = vector.extract_strided_slice %get3A_1 {offsets = [0, 4208], sizes = [256, 16], strides = [1, 1]} : vector<256x4352xf32> to vector<256x16xf32>
    %swap3A_188 = arith.constant 0 : index
    %swap3A_189 = arith.constant 240 : index
    %swap3A_190 = vector.load %arg3[%swap3A_188, %swap3A_189] : memref<256x256xf32, #tpu.memory_space<vmem>>, vector<256x16xf32>
    tpu.vector_store %arg3[%swap3A_188, %swap3A_189], %slice3A_187 {strides = array<i32>} : memref<256x256xf32, #tpu.memory_space<vmem>>, vector<256x16xf32>,
    %slice3A_191 = vector.extract_strided_slice %get3A_1 {offsets = [0, 4224], sizes = [256, 128], strides = [1, 1]} : vector<256x4352xf32> to vector<256x128xf32>
    %swap3A_192 = arith.constant 0 : index
    %swap3A_193 = arith.constant 1920 : index
    %swap3A_194 = vector.load %arg4[%swap3A_192, %swap3A_193] : memref<256x2048xf32, #tpu.memory_space<vmem>>, vector<256x128xf32>
    tpu.vector_store %arg4[%swap3A_192, %swap3A_193], %slice3A_191 {strides = array<i32>} : memref<256x2048xf32, #tpu.memory_space<vmem>>, vector<256x128xf32>,
    %slice3A_195 = vector.extract_strided_slice %get3A_4 {offsets = [0, 0], sizes = [256, 128], strides = [1, 1]} : vector<256x4352xf32> to vector<256x128xf32>
    %swap3A_196 = arith.constant 0 : index
    %swap3A_197 = arith.constant 0 : index
    %swap3A_198 = vector.load %arg5[%swap3A_196, %swap3A_197] : memref<256x2048xf32, #tpu.memory_space<vmem>>, vector<256x128xf32>
    tpu.vector_store %arg5[%swap3A_196, %swap3A_197], %slice3A_195 {strides = array<i32>} : memref<256x2048xf32, #tpu.memory_space<vmem>>, vector<256x128xf32>,
    %slice3A_199 = vector.extract_strided_slice %get3A_4 {offsets = [0, 128], sizes = [256, 16], strides = [1, 1]} : vector<256x4352xf32> to vector<256x16xf32>
    %swap3A_200 = arith.constant 0 : index
    %swap3A_201 = arith.constant 0 : index
    %swap3A_202 = vector.load %arg6[%swap3A_200, %swap3A_201] : memref<256x256xf32, #tpu.memory_space<vmem>>, vector<256x16xf32>
    tpu.vector_store %arg6[%swap3A_200, %swap3A_201], %slice3A_199 {strides = array<i32>} : memref<256x256xf32, #tpu.memory_space<vmem>>, vector<256x16xf32>,
    %slice3A_203 = vector.extract_strided_slice %get3A_4 {offsets = [0, 144], sizes = [256, 128], strides = [1, 1]} : vector<256x4352xf32> to vector<256x128xf32>
    %swap3A_204 = arith.constant 0 : index
    %swap3A_205 = arith.constant 0 : index
    %swap3A_206 = vector.load %arg7[%swap3A_204, %swap3A_205] : memref<256x2048xf32, #tpu.memory_space<vmem>>, vector<256x128xf32>
    tpu.vector_store %arg7[%swap3A_204, %swap3A_205], %slice3A_203 {strides = array<i32>} : memref<256x2048xf32, #tpu.memory_space<vmem>>, vector<256x128xf32>,
    %slice3A_207 = vector.extract_strided_slice %get3A_4 {offsets = [0, 272], sizes = [256, 128], strides = [1, 1]} : vector<256x4352xf32> to vector<256x128xf32>
    %swap3A_208 = arith.constant 0 : index
    %swap3A_209 = arith.constant 128 : index
    %swap3A_210 = vector.load %arg5[%swap3A_208, %swap3A_209] : memref<256x2048xf32, #tpu.memory_space<vmem>>, vector<256x128xf32>
    tpu.vector_store %arg5[%swap3A_208, %swap3A_209], %slice3A_207 {strides = array<i32>} : memref<256x2048xf32, #tpu.memory_space<vmem>>, vector<256x128xf32>,
    %slice3A_211 = vector.extract_strided_slice %get3A_4 {offsets = [0, 400], sizes = [256, 16], strides = [1, 1]} : vector<256x4352xf32> to vector<256x16xf32>
    %swap3A_212 = arith.constant 0 : index
    %swap3A_213 = arith.constant 16 : index
    %swap3A_214 = vector.load %arg6[%swap3A_212, %swap3A_213] : memref<256x256xf32, #tpu.memory_space<vmem>>, vector<256x16xf32>
    tpu.vector_store %arg6[%swap3A_212, %swap3A_213], %slice3A_211 {strides = array<i32>} : memref<256x256xf32, #tpu.memory_space<vmem>>, vector<256x16xf32>,
    %slice3A_215 = vector.extract_strided_slice %get3A_4 {offsets = [0, 416], sizes = [256, 128], strides = [1, 1]} : vector<256x4352xf32> to vector<256x128xf32>
    %swap3A_216 = arith.constant 0 : index
    %swap3A_217 = arith.constant 128 : index
    %swap3A_218 = vector.load %arg7[%swap3A_216, %swap3A_217] : memref<256x2048xf32, #tpu.memory_space<vmem>>, vector<256x128xf32>
    tpu.vector_store %arg7[%swap3A_216, %swap3A_217], %slice3A_215 {strides = array<i32>} : memref<256x2048xf32, #tpu.memory_space<vmem>>, vector<256x128xf32>,
    %slice3A_219 = vector.extract_strided_slice %get3A_4 {offsets = [0, 544], sizes = [256, 128], strides = [1, 1]} : vector<256x4352xf32> to vector<256x128xf32>
    %swap3A_220 = arith.constant 0 : index
    %swap3A_221 = arith.constant 256 : index
    %swap3A_222 = vector.load %arg5[%swap3A_220, %swap3A_221] : memref<256x2048xf32, #tpu.memory_space<vmem>>, vector<256x128xf32>
    tpu.vector_store %arg5[%swap3A_220, %swap3A_221], %slice3A_219 {strides = array<i32>} : memref<256x2048xf32, #tpu.memory_space<vmem>>, vector<256x128xf32>,
    %slice3A_223 = vector.extract_strided_slice %get3A_4 {offsets = [0, 672], sizes = [256, 16], strides = [1, 1]} : vector<256x4352xf32> to vector<256x16xf32>
    %swap3A_224 = arith.constant 0 : index
    %swap3A_225 = arith.constant 32 : index
    %swap3A_226 = vector.load %arg6[%swap3A_224, %swap3A_225] : memref<256x256xf32, #tpu.memory_space<vmem>>, vector<256x16xf32>
    tpu.vector_store %arg6[%swap3A_224, %swap3A_225], %slice3A_223 {strides = array<i32>} : memref<256x256xf32, #tpu.memory_space<vmem>>, vector<256x16xf32>,
    %slice3A_227 = vector.extract_strided_slice %get3A_4 {offsets = [0, 688], sizes = [256, 128], strides = [1, 1]} : vector<256x4352xf32> to vector<256x128xf32>
    %swap3A_228 = arith.constant 0 : index
    %swap3A_229 = arith.constant 256 : index
    %swap3A_230 = vector.load %arg7[%swap3A_228, %swap3A_229] : memref<256x2048xf32, #tpu.memory_space<vmem>>, vector<256x128xf32>
    tpu.vector_store %arg7[%swap3A_228, %swap3A_229], %slice3A_227 {strides = array<i32>} : memref<256x2048xf32, #tpu.memory_space<vmem>>, vector<256x128xf32>,
    %slice3A_231 = vector.extract_strided_slice %get3A_4 {offsets = [0, 816], sizes = [256, 128], strides = [1, 1]} : vector<256x4352xf32> to vector<256x128xf32>
    %swap3A_232 = arith.constant 0 : index
    %swap3A_233 = arith.constant 384 : index
    %swap3A_234 = vector.load %arg5[%swap3A_232, %swap3A_233] : memref<256x2048xf32, #tpu.memory_space<vmem>>, vector<256x128xf32>
    tpu.vector_store %arg5[%swap3A_232, %swap3A_233], %slice3A_231 {strides = array<i32>} : memref<256x2048xf32, #tpu.memory_space<vmem>>, vector<256x128xf32>,
    %slice3A_235 = vector.extract_strided_slice %get3A_4 {offsets = [0, 944], sizes = [256, 16], strides = [1, 1]} : vector<256x4352xf32> to vector<256x16xf32>
    %swap3A_236 = arith.constant 0 : index
    %swap3A_237 = arith.constant 48 : index
    %swap3A_238 = vector.load %arg6[%swap3A_236, %swap3A_237] : memref<256x256xf32, #tpu.memory_space<vmem>>, vector<256x16xf32>
    tpu.vector_store %arg6[%swap3A_236, %swap3A_237], %slice3A_235 {strides = array<i32>} : memref<256x256xf32, #tpu.memory_space<vmem>>, vector<256x16xf32>,
    %slice3A_239 = vector.extract_strided_slice %get3A_4 {offsets = [0, 960], sizes = [256, 128], strides = [1, 1]} : vector<256x4352xf32> to vector<256x128xf32>
    %swap3A_240 = arith.constant 0 : index
    %swap3A_241 = arith.constant 384 : index
    %swap3A_242 = vector.load %arg7[%swap3A_240, %swap3A_241] : memref<256x2048xf32, #tpu.memory_space<vmem>>, vector<256x128xf32>
    tpu.vector_store %arg7[%swap3A_240, %swap3A_241], %slice3A_239 {strides = array<i32>} : memref<256x2048xf32, #tpu.memory_space<vmem>>, vector<256x128xf32>,
    %slice3A_243 = vector.extract_strided_slice %get3A_4 {offsets = [0, 1088], sizes = [256, 128], strides = [1, 1]} : vector<256x4352xf32> to vector<256x128xf32>
    %swap3A_244 = arith.constant 0 : index
    %swap3A_245 = arith.constant 512 : index
    %swap3A_246 = vector.load %arg5[%swap3A_244, %swap3A_245] : memref<256x2048xf32, #tpu.memory_space<vmem>>, vector<256x128xf32>
    tpu.vector_store %arg5[%swap3A_244, %swap3A_245], %slice3A_243 {strides = array<i32>} : memref<256x2048xf32, #tpu.memory_space<vmem>>, vector<256x128xf32>,
    %slice3A_247 = vector.extract_strided_slice %get3A_4 {offsets = [0, 1216], sizes = [256, 16], strides = [1, 1]} : vector<256x4352xf32> to vector<256x16xf32>
    %swap3A_248 = arith.constant 0 : index
    %swap3A_249 = arith.constant 64 : index
    %swap3A_250 = vector.load %arg6[%swap3A_248, %swap3A_249] : memref<256x256xf32, #tpu.memory_space<vmem>>, vector<256x16xf32>
    tpu.vector_store %arg6[%swap3A_248, %swap3A_249], %slice3A_247 {strides = array<i32>} : memref<256x256xf32, #tpu.memory_space<vmem>>, vector<256x16xf32>,
    %slice3A_251 = vector.extract_strided_slice %get3A_4 {offsets = [0, 1232], sizes = [256, 128], strides = [1, 1]} : vector<256x4352xf32> to vector<256x128xf32>
    %swap3A_252 = arith.constant 0 : index
    %swap3A_253 = arith.constant 512 : index
    %swap3A_254 = vector.load %arg7[%swap3A_252, %swap3A_253] : memref<256x2048xf32, #tpu.memory_space<vmem>>, vector<256x128xf32>
    tpu.vector_store %arg7[%swap3A_252, %swap3A_253], %slice3A_251 {strides = array<i32>} : memref<256x2048xf32, #tpu.memory_space<vmem>>, vector<256x128xf32>,
    %slice3A_255 = vector.extract_strided_slice %get3A_4 {offsets = [0, 1360], sizes = [256, 128], strides = [1, 1]} : vector<256x4352xf32> to vector<256x128xf32>
    %swap3A_256 = arith.constant 0 : index
    %swap3A_257 = arith.constant 640 : index
    %swap3A_258 = vector.load %arg5[%swap3A_256, %swap3A_257] : memref<256x2048xf32, #tpu.memory_space<vmem>>, vector<256x128xf32>
    tpu.vector_store %arg5[%swap3A_256, %swap3A_257], %slice3A_255 {strides = array<i32>} : memref<256x2048xf32, #tpu.memory_space<vmem>>, vector<256x128xf32>,
    %slice3A_259 = vector.extract_strided_slice %get3A_4 {offsets = [0, 1488], sizes = [256, 16], strides = [1, 1]} : vector<256x4352xf32> to vector<256x16xf32>
    %swap3A_260 = arith.constant 0 : index
    %swap3A_261 = arith.constant 80 : index
    %swap3A_262 = vector.load %arg6[%swap3A_260, %swap3A_261] : memref<256x256xf32, #tpu.memory_space<vmem>>, vector<256x16xf32>
    tpu.vector_store %arg6[%swap3A_260, %swap3A_261], %slice3A_259 {strides = array<i32>} : memref<256x256xf32, #tpu.memory_space<vmem>>, vector<256x16xf32>,
    %slice3A_263 = vector.extract_strided_slice %get3A_4 {offsets = [0, 1504], sizes = [256, 128], strides = [1, 1]} : vector<256x4352xf32> to vector<256x128xf32>
    %swap3A_264 = arith.constant 0 : index
    %swap3A_265 = arith.constant 640 : index
    %swap3A_266 = vector.load %arg7[%swap3A_264, %swap3A_265] : memref<256x2048xf32, #tpu.memory_space<vmem>>, vector<256x128xf32>
    tpu.vector_store %arg7[%swap3A_264, %swap3A_265], %slice3A_263 {strides = array<i32>} : memref<256x2048xf32, #tpu.memory_space<vmem>>, vector<256x128xf32>,
    %slice3A_267 = vector.extract_strided_slice %get3A_4 {offsets = [0, 1632], sizes = [256, 128], strides = [1, 1]} : vector<256x4352xf32> to vector<256x128xf32>
    %swap3A_268 = arith.constant 0 : index
    %swap3A_269 = arith.constant 768 : index
    %swap3A_270 = vector.load %arg5[%swap3A_268, %swap3A_269] : memref<256x2048xf32, #tpu.memory_space<vmem>>, vector<256x128xf32>
    tpu.vector_store %arg5[%swap3A_268, %swap3A_269], %slice3A_267 {strides = array<i32>} : memref<256x2048xf32, #tpu.memory_space<vmem>>, vector<256x128xf32>,
    %slice3A_271 = vector.extract_strided_slice %get3A_4 {offsets = [0, 1760], sizes = [256, 16], strides = [1, 1]} : vector<256x4352xf32> to vector<256x16xf32>
    %swap3A_272 = arith.constant 0 : index
    %swap3A_273 = arith.constant 96 : index
    %swap3A_274 = vector.load %arg6[%swap3A_272, %swap3A_273] : memref<256x256xf32, #tpu.memory_space<vmem>>, vector<256x16xf32>
    tpu.vector_store %arg6[%swap3A_272, %swap3A_273], %slice3A_271 {strides = array<i32>} : memref<256x256xf32, #tpu.memory_space<vmem>>, vector<256x16xf32>,
    %slice3A_275 = vector.extract_strided_slice %get3A_4 {offsets = [0, 1776], sizes = [256, 128], strides = [1, 1]} : vector<256x4352xf32> to vector<256x128xf32>
    %swap3A_276 = arith.constant 0 : index
    %swap3A_277 = arith.constant 768 : index
    %swap3A_278 = vector.load %arg7[%swap3A_276, %swap3A_277] : memref<256x2048xf32, #tpu.memory_space<vmem>>, vector<256x128xf32>
    tpu.vector_store %arg7[%swap3A_276, %swap3A_277], %slice3A_275 {strides = array<i32>} : memref<256x2048xf32, #tpu.memory_space<vmem>>, vector<256x128xf32>,
    %slice3A_279 = vector.extract_strided_slice %get3A_4 {offsets = [0, 1904], sizes = [256, 128], strides = [1, 1]} : vector<256x4352xf32> to vector<256x128xf32>
    %swap3A_280 = arith.constant 0 : index
    %swap3A_281 = arith.constant 896 : index
    %swap3A_282 = vector.load %arg5[%swap3A_280, %swap3A_281] : memref<256x2048xf32, #tpu.memory_space<vmem>>, vector<256x128xf32>
    tpu.vector_store %arg5[%swap3A_280, %swap3A_281], %slice3A_279 {strides = array<i32>} : memref<256x2048xf32, #tpu.memory_space<vmem>>, vector<256x128xf32>,
    %slice3A_283 = vector.extract_strided_slice %get3A_4 {offsets = [0, 2032], sizes = [256, 16], strides = [1, 1]} : vector<256x4352xf32> to vector<256x16xf32>
    %swap3A_284 = arith.constant 0 : index
    %swap3A_285 = arith.constant 112 : index
    %swap3A_286 = vector.load %arg6[%swap3A_284, %swap3A_285] : memref<256x256xf32, #tpu.memory_space<vmem>>, vector<256x16xf32>
    tpu.vector_store %arg6[%swap3A_284, %swap3A_285], %slice3A_283 {strides = array<i32>} : memref<256x256xf32, #tpu.memory_space<vmem>>, vector<256x16xf32>,
    %slice3A_287 = vector.extract_strided_slice %get3A_4 {offsets = [0, 2048], sizes = [256, 128], strides = [1, 1]} : vector<256x4352xf32> to vector<256x128xf32>
    %swap3A_288 = arith.constant 0 : index
    %swap3A_289 = arith.constant 896 : index
    %swap3A_290 = vector.load %arg7[%swap3A_288, %swap3A_289] : memref<256x2048xf32, #tpu.memory_space<vmem>>, vector<256x128xf32>
    tpu.vector_store %arg7[%swap3A_288, %swap3A_289], %slice3A_287 {strides = array<i32>} : memref<256x2048xf32, #tpu.memory_space<vmem>>, vector<256x128xf32>,
    %slice3A_291 = vector.extract_strided_slice %get3A_4 {offsets = [0, 2176], sizes = [256, 128], strides = [1, 1]} : vector<256x4352xf32> to vector<256x128xf32>
    %swap3A_292 = arith.constant 0 : index
    %swap3A_293 = arith.constant 1024 : index
    %swap3A_294 = vector.load %arg5[%swap3A_292, %swap3A_293] : memref<256x2048xf32, #tpu.memory_space<vmem>>, vector<256x128xf32>
    tpu.vector_store %arg5[%swap3A_292, %swap3A_293], %slice3A_291 {strides = array<i32>} : memref<256x2048xf32, #tpu.memory_space<vmem>>, vector<256x128xf32>,
    %slice3A_295 = vector.extract_strided_slice %get3A_4 {offsets = [0, 2304], sizes = [256, 16], strides = [1, 1]} : vector<256x4352xf32> to vector<256x16xf32>
    %swap3A_296 = arith.constant 0 : index
    %swap3A_297 = arith.constant 128 : index
    %swap3A_298 = vector.load %arg6[%swap3A_296, %swap3A_297] : memref<256x256xf32, #tpu.memory_space<vmem>>, vector<256x16xf32>
    tpu.vector_store %arg6[%swap3A_296, %swap3A_297], %slice3A_295 {strides = array<i32>} : memref<256x256xf32, #tpu.memory_space<vmem>>, vector<256x16xf32>,
    %slice3A_299 = vector.extract_strided_slice %get3A_4 {offsets = [0, 2320], sizes = [256, 128], strides = [1, 1]} : vector<256x4352xf32> to vector<256x128xf32>
    %swap3A_300 = arith.constant 0 : index
    %swap3A_301 = arith.constant 1024 : index
    %swap3A_302 = vector.load %arg7[%swap3A_300, %swap3A_301] : memref<256x2048xf32, #tpu.memory_space<vmem>>, vector<256x128xf32>
    tpu.vector_store %arg7[%swap3A_300, %swap3A_301], %slice3A_299 {strides = array<i32>} : memref<256x2048xf32, #tpu.memory_space<vmem>>, vector<256x128xf32>,
    %slice3A_303 = vector.extract_strided_slice %get3A_4 {offsets = [0, 2448], sizes = [256, 128], strides = [1, 1]} : vector<256x4352xf32> to vector<256x128xf32>
    %swap3A_304 = arith.constant 0 : index
    %swap3A_305 = arith.constant 1152 : index
    %swap3A_306 = vector.load %arg5[%swap3A_304, %swap3A_305] : memref<256x2048xf32, #tpu.memory_space<vmem>>, vector<256x128xf32>
    tpu.vector_store %arg5[%swap3A_304, %swap3A_305], %slice3A_303 {strides = array<i32>} : memref<256x2048xf32, #tpu.memory_space<vmem>>, vector<256x128xf32>,
    %slice3A_307 = vector.extract_strided_slice %get3A_4 {offsets = [0, 2576], sizes = [256, 16], strides = [1, 1]} : vector<256x4352xf32> to vector<256x16xf32>
    %swap3A_308 = arith.constant 0 : index
    %swap3A_309 = arith.constant 144 : index
    %swap3A_310 = vector.load %arg6[%swap3A_308, %swap3A_309] : memref<256x256xf32, #tpu.memory_space<vmem>>, vector<256x16xf32>
    tpu.vector_store %arg6[%swap3A_308, %swap3A_309], %slice3A_307 {strides = array<i32>} : memref<256x256xf32, #tpu.memory_space<vmem>>, vector<256x16xf32>,
    %slice3A_311 = vector.extract_strided_slice %get3A_4 {offsets = [0, 2592], sizes = [256, 128], strides = [1, 1]} : vector<256x4352xf32> to vector<256x128xf32>
    %swap3A_312 = arith.constant 0 : index
    %swap3A_313 = arith.constant 1152 : index
    %swap3A_314 = vector.load %arg7[%swap3A_312, %swap3A_313] : memref<256x2048xf32, #tpu.memory_space<vmem>>, vector<256x128xf32>
    tpu.vector_store %arg7[%swap3A_312, %swap3A_313], %slice3A_311 {strides = array<i32>} : memref<256x2048xf32, #tpu.memory_space<vmem>>, vector<256x128xf32>,
    %slice3A_315 = vector.extract_strided_slice %get3A_4 {offsets = [0, 2720], sizes = [256, 128], strides = [1, 1]} : vector<256x4352xf32> to vector<256x128xf32>
    %swap3A_316 = arith.constant 0 : index
    %swap3A_317 = arith.constant 1280 : index
    %swap3A_318 = vector.load %arg5[%swap3A_316, %swap3A_317] : memref<256x2048xf32, #tpu.memory_space<vmem>>, vector<256x128xf32>
    tpu.vector_store %arg5[%swap3A_316, %swap3A_317], %slice3A_315 {strides = array<i32>} : memref<256x2048xf32, #tpu.memory_space<vmem>>, vector<256x128xf32>,
    %slice3A_319 = vector.extract_strided_slice %get3A_4 {offsets = [0, 2848], sizes = [256, 16], strides = [1, 1]} : vector<256x4352xf32> to vector<256x16xf32>
    %swap3A_320 = arith.constant 0 : index
    %swap3A_321 = arith.constant 160 : index
    %swap3A_322 = vector.load %arg6[%swap3A_320, %swap3A_321] : memref<256x256xf32, #tpu.memory_space<vmem>>, vector<256x16xf32>
    tpu.vector_store %arg6[%swap3A_320, %swap3A_321], %slice3A_319 {strides = array<i32>} : memref<256x256xf32, #tpu.memory_space<vmem>>, vector<256x16xf32>,
    %slice3A_323 = vector.extract_strided_slice %get3A_4 {offsets = [0, 2864], sizes = [256, 128], strides = [1, 1]} : vector<256x4352xf32> to vector<256x128xf32>
    %swap3A_324 = arith.constant 0 : index
    %swap3A_325 = arith.constant 1280 : index
    %swap3A_326 = vector.load %arg7[%swap3A_324, %swap3A_325] : memref<256x2048xf32, #tpu.memory_space<vmem>>, vector<256x128xf32>
    tpu.vector_store %arg7[%swap3A_324, %swap3A_325], %slice3A_323 {strides = array<i32>} : memref<256x2048xf32, #tpu.memory_space<vmem>>, vector<256x128xf32>,
    %slice3A_327 = vector.extract_strided_slice %get3A_4 {offsets = [0, 2992], sizes = [256, 128], strides = [1, 1]} : vector<256x4352xf32> to vector<256x128xf32>
    %swap3A_328 = arith.constant 0 : index
    %swap3A_329 = arith.constant 1408 : index
    %swap3A_330 = vector.load %arg5[%swap3A_328, %swap3A_329] : memref<256x2048xf32, #tpu.memory_space<vmem>>, vector<256x128xf32>
    tpu.vector_store %arg5[%swap3A_328, %swap3A_329], %slice3A_327 {strides = array<i32>} : memref<256x2048xf32, #tpu.memory_space<vmem>>, vector<256x128xf32>,
    %slice3A_331 = vector.extract_strided_slice %get3A_4 {offsets = [0, 3120], sizes = [256, 16], strides = [1, 1]} : vector<256x4352xf32> to vector<256x16xf32>
    %swap3A_332 = arith.constant 0 : index
    %swap3A_333 = arith.constant 176 : index
    %swap3A_334 = vector.load %arg6[%swap3A_332, %swap3A_333] : memref<256x256xf32, #tpu.memory_space<vmem>>, vector<256x16xf32>
    tpu.vector_store %arg6[%swap3A_332, %swap3A_333], %slice3A_331 {strides = array<i32>} : memref<256x256xf32, #tpu.memory_space<vmem>>, vector<256x16xf32>,
    %slice3A_335 = vector.extract_strided_slice %get3A_4 {offsets = [0, 3136], sizes = [256, 128], strides = [1, 1]} : vector<256x4352xf32> to vector<256x128xf32>
    %swap3A_336 = arith.constant 0 : index
    %swap3A_337 = arith.constant 1408 : index
    %swap3A_338 = vector.load %arg7[%swap3A_336, %swap3A_337] : memref<256x2048xf32, #tpu.memory_space<vmem>>, vector<256x128xf32>
    tpu.vector_store %arg7[%swap3A_336, %swap3A_337], %slice3A_335 {strides = array<i32>} : memref<256x2048xf32, #tpu.memory_space<vmem>>, vector<256x128xf32>,
    %slice3A_339 = vector.extract_strided_slice %get3A_4 {offsets = [0, 3264], sizes = [256, 128], strides = [1, 1]} : vector<256x4352xf32> to vector<256x128xf32>
    %swap3A_340 = arith.constant 0 : index
    %swap3A_341 = arith.constant 1536 : index
    %swap3A_342 = vector.load %arg5[%swap3A_340, %swap3A_341] : memref<256x2048xf32, #tpu.memory_space<vmem>>, vector<256x128xf32>
    tpu.vector_store %arg5[%swap3A_340, %swap3A_341], %slice3A_339 {strides = array<i32>} : memref<256x2048xf32, #tpu.memory_space<vmem>>, vector<256x128xf32>,
    %slice3A_343 = vector.extract_strided_slice %get3A_4 {offsets = [0, 3392], sizes = [256, 16], strides = [1, 1]} : vector<256x4352xf32> to vector<256x16xf32>
    %swap3A_344 = arith.constant 0 : index
    %swap3A_345 = arith.constant 192 : index
    %swap3A_346 = vector.load %arg6[%swap3A_344, %swap3A_345] : memref<256x256xf32, #tpu.memory_space<vmem>>, vector<256x16xf32>
    tpu.vector_store %arg6[%swap3A_344, %swap3A_345], %slice3A_343 {strides = array<i32>} : memref<256x256xf32, #tpu.memory_space<vmem>>, vector<256x16xf32>,
    %slice3A_347 = vector.extract_strided_slice %get3A_4 {offsets = [0, 3408], sizes = [256, 128], strides = [1, 1]} : vector<256x4352xf32> to vector<256x128xf32>
    %swap3A_348 = arith.constant 0 : index
    %swap3A_349 = arith.constant 1536 : index
    %swap3A_350 = vector.load %arg7[%swap3A_348, %swap3A_349] : memref<256x2048xf32, #tpu.memory_space<vmem>>, vector<256x128xf32>
    tpu.vector_store %arg7[%swap3A_348, %swap3A_349], %slice3A_347 {strides = array<i32>} : memref<256x2048xf32, #tpu.memory_space<vmem>>, vector<256x128xf32>,
    %slice3A_351 = vector.extract_strided_slice %get3A_4 {offsets = [0, 3536], sizes = [256, 128], strides = [1, 1]} : vector<256x4352xf32> to vector<256x128xf32>
    %swap3A_352 = arith.constant 0 : index
    %swap3A_353 = arith.constant 1664 : index
    %swap3A_354 = vector.load %arg5[%swap3A_352, %swap3A_353] : memref<256x2048xf32, #tpu.memory_space<vmem>>, vector<256x128xf32>
    tpu.vector_store %arg5[%swap3A_352, %swap3A_353], %slice3A_351 {strides = array<i32>} : memref<256x2048xf32, #tpu.memory_space<vmem>>, vector<256x128xf32>,
    %slice3A_355 = vector.extract_strided_slice %get3A_4 {offsets = [0, 3664], sizes = [256, 16], strides = [1, 1]} : vector<256x4352xf32> to vector<256x16xf32>
    %swap3A_356 = arith.constant 0 : index
    %swap3A_357 = arith.constant 208 : index
    %swap3A_358 = vector.load %arg6[%swap3A_356, %swap3A_357] : memref<256x256xf32, #tpu.memory_space<vmem>>, vector<256x16xf32>
    tpu.vector_store %arg6[%swap3A_356, %swap3A_357], %slice3A_355 {strides = array<i32>} : memref<256x256xf32, #tpu.memory_space<vmem>>, vector<256x16xf32>,
    %slice3A_359 = vector.extract_strided_slice %get3A_4 {offsets = [0, 3680], sizes = [256, 128], strides = [1, 1]} : vector<256x4352xf32> to vector<256x128xf32>
    %swap3A_360 = arith.constant 0 : index
    %swap3A_361 = arith.constant 1664 : index
    %swap3A_362 = vector.load %arg7[%swap3A_360, %swap3A_361] : memref<256x2048xf32, #tpu.memory_space<vmem>>, vector<256x128xf32>
    tpu.vector_store %arg7[%swap3A_360, %swap3A_361], %slice3A_359 {strides = array<i32>} : memref<256x2048xf32, #tpu.memory_space<vmem>>, vector<256x128xf32>,
    %slice3A_363 = vector.extract_strided_slice %get3A_4 {offsets = [0, 3808], sizes = [256, 128], strides = [1, 1]} : vector<256x4352xf32> to vector<256x128xf32>
    %swap3A_364 = arith.constant 0 : index
    %swap3A_365 = arith.constant 1792 : index
    %swap3A_366 = vector.load %arg5[%swap3A_364, %swap3A_365] : memref<256x2048xf32, #tpu.memory_space<vmem>>, vector<256x128xf32>
    tpu.vector_store %arg5[%swap3A_364, %swap3A_365], %slice3A_363 {strides = array<i32>} : memref<256x2048xf32, #tpu.memory_space<vmem>>, vector<256x128xf32>,
    %slice3A_367 = vector.extract_strided_slice %get3A_4 {offsets = [0, 3936], sizes = [256, 16], strides = [1, 1]} : vector<256x4352xf32> to vector<256x16xf32>
    %swap3A_368 = arith.constant 0 : index
    %swap3A_369 = arith.constant 224 : index
    %swap3A_370 = vector.load %arg6[%swap3A_368, %swap3A_369] : memref<256x256xf32, #tpu.memory_space<vmem>>, vector<256x16xf32>
    tpu.vector_store %arg6[%swap3A_368, %swap3A_369], %slice3A_367 {strides = array<i32>} : memref<256x256xf32, #tpu.memory_space<vmem>>, vector<256x16xf32>,
    %slice3A_371 = vector.extract_strided_slice %get3A_4 {offsets = [0, 3952], sizes = [256, 128], strides = [1, 1]} : vector<256x4352xf32> to vector<256x128xf32>
    %swap3A_372 = arith.constant 0 : index
    %swap3A_373 = arith.constant 1792 : index
    %swap3A_374 = vector.load %arg7[%swap3A_372, %swap3A_373] : memref<256x2048xf32, #tpu.memory_space<vmem>>, vector<256x128xf32>
    tpu.vector_store %arg7[%swap3A_372, %swap3A_373], %slice3A_371 {strides = array<i32>} : memref<256x2048xf32, #tpu.memory_space<vmem>>, vector<256x128xf32>,
    %slice3A_375 = vector.extract_strided_slice %get3A_4 {offsets = [0, 4080], sizes = [256, 128], strides = [1, 1]} : vector<256x4352xf32> to vector<256x128xf32>
    %swap3A_376 = arith.constant 0 : index
    %swap3A_377 = arith.constant 1920 : index
    %swap3A_378 = vector.load %arg5[%swap3A_376, %swap3A_377] : memref<256x2048xf32, #tpu.memory_space<vmem>>, vector<256x128xf32>
    tpu.vector_store %arg5[%swap3A_376, %swap3A_377], %slice3A_375 {strides = array<i32>} : memref<256x2048xf32, #tpu.memory_space<vmem>>, vector<256x128xf32>,
    %slice3A_379 = vector.extract_strided_slice %get3A_4 {offsets = [0, 4208], sizes = [256, 16], strides = [1, 1]} : vector<256x4352xf32> to vector<256x16xf32>
    %swap3A_380 = arith.constant 0 : index
    %swap3A_381 = arith.constant 240 : index
    %swap3A_382 = vector.load %arg6[%swap3A_380, %swap3A_381] : memref<256x256xf32, #tpu.memory_space<vmem>>, vector<256x16xf32>
    tpu.vector_store %arg6[%swap3A_380, %swap3A_381], %slice3A_379 {strides = array<i32>} : memref<256x256xf32, #tpu.memory_space<vmem>>, vector<256x16xf32>,
    %slice3A_383 = vector.extract_strided_slice %get3A_4 {offsets = [0, 4224], sizes = [256, 128], strides = [1, 1]} : vector<256x4352xf32> to vector<256x128xf32>
    %swap3A_384 = arith.constant 0 : index
    %swap3A_385 = arith.constant 1920 : index
    %swap3A_386 = vector.load %arg7[%swap3A_384, %swap3A_385] : memref<256x2048xf32, #tpu.memory_space<vmem>>, vector<256x128xf32>
    tpu.vector_store %arg7[%swap3A_384, %swap3A_385], %slice3A_383 {strides = array<i32>} : memref<256x2048xf32, #tpu.memory_space<vmem>>, vector<256x128xf32>,
    return
  }
}

module attributes {stable_mosaic.version = 14 : i64} {
  func.func @_attn_body(%arg0: i32, %arg1: memref<1024x256xf32, #tpu.memory_space<vmem>>, %arg2: memref<2048x256xf32, #tpu.memory_space<vmem>>, %arg3: memref<2048x256xf32, #tpu.memory_space<vmem>>, %arg4: memref<1024x128xf32, #tpu.memory_space<vmem>>, %arg5: memref<256x256xf32, #tpu.memory_space<vmem>>, %arg6: memref<1x256xf32, #tpu.memory_space<vmem>>, %arg7: memref<128x128xf32, #tpu.memory_space<vmem>>, %arg8: memref<128x256xf32, #tpu.memory_space<vmem>>, %arg9: memref<1x128xf32, #tpu.memory_space<vmem>>, %arg10: memref<128x128xf32, #tpu.memory_space<vmem>>, %arg11: memref<1x128xf32, #tpu.memory_space<vmem>>, %arg12: memref<1024x128xf32, #tpu.memory_space<vmem>>, %arg13: memref<1024x256xf32, #tpu.memory_space<vmem>>) attributes {dimension_semantics = [#tpu.dimension_semantics<arbitrary>], iteration_bounds = array<i64: 2>, scalar_prefetch = 0 : i64, scratch_operands = 1 : i64, tpu.core_type = #tpu.core_type<tc>, window_params = [{transform_indices = @transform_0, window_bounds = array<i64: 1024, 256>}, {pipeline_mode = #tpu.pipeline_mode<synchronous>, transform_indices = @transform_1, window_bounds = array<i64: 2048, 256>}, {pipeline_mode = #tpu.pipeline_mode<synchronous>, transform_indices = @transform_2, window_bounds = array<i64: 2048, 256>}, {transform_indices = @transform_3, window_bounds = array<i64: 1024, 128>}, {pipeline_mode = #tpu.pipeline_mode<synchronous>, transform_indices = @transform_4, window_bounds = array<i64: 256, 256>}, {pipeline_mode = #tpu.pipeline_mode<synchronous>, transform_indices = @transform_5, window_bounds = array<i64: 1, 256>}, {pipeline_mode = #tpu.pipeline_mode<synchronous>, transform_indices = @transform_6, window_bounds = array<i64: 128, 128>}, {pipeline_mode = #tpu.pipeline_mode<synchronous>, transform_indices = @transform_7, window_bounds = array<i64: 128, 256>}, {pipeline_mode = #tpu.pipeline_mode<synchronous>, transform_indices = @transform_8, window_bounds = array<i64: 1, 128>}, {pipeline_mode = #tpu.pipeline_mode<synchronous>, transform_indices = @transform_9, window_bounds = array<i64: 128, 128>}, {pipeline_mode = #tpu.pipeline_mode<synchronous>, transform_indices = @transform_10, window_bounds = array<i64: 1, 128>}, {transform_indices = @transform_11, window_bounds = array<i64: 1024, 128>}]} {
    %get3A = arith.constant 0 : index
    %get3A_0 = arith.constant 0 : index
    %get3A_1 = vector.load %arg1[%get3A, %get3A_0] : memref<1024x256xf32, #tpu.memory_space<vmem>>, vector<1024x256xf32>
    %mul3A = arith.constant 0.255034864 : f32
    %mul3A_2 = vector.broadcast %mul3A : f32 to vector<1024x256xf32>
    %mul3A_3 = arith.mulf %get3A_1, %mul3A_2 : vector<1024x256xf32>
    %get3A_4 = arith.constant 0 : index
    %get3A_5 = arith.constant 0 : index
    %get3A_6 = vector.load %arg2[%get3A_4, %get3A_5] : memref<2048x256xf32, #tpu.memory_space<vmem>>, vector<2048x256xf32>
    %get3A_7 = arith.constant 0 : index
    %get3A_8 = arith.constant 0 : index
    %get3A_9 = vector.load %arg3[%get3A_7, %get3A_8] : memref<2048x256xf32, #tpu.memory_space<vmem>>, vector<2048x256xf32>
    %broadcast_in_dim3A = arith.constant 1.000000e+00 : f32
    %broadcast_in_dim3A_10 = vector.broadcast %broadcast_in_dim3A : f32 to vector<2048x1xf32>
    %slice3A = vector.extract_strided_slice %mul3A_3 {offsets = [0, 0], sizes = [1024, 32], strides = [1, 1]} : vector<1024x256xf32> to vector<1024x32xf32>
    %slice3A_11 = vector.extract_strided_slice %get3A_6 {offsets = [0, 0], sizes = [2048, 32], strides = [1, 1]} : vector<2048x256xf32> to vector<2048x32xf32>
    %dot_general3A = arith.constant dense<0.000000e+00> : vector<1024x2048xf32>
    %dot_general3A_12 = tpu.matmul %slice3A, %slice3A_11, %dot_general3A {dimension_numbers = #tpu.dot_dimension_numbers<[1], [1], [0], [0], [0, 0, 1, 0], [], []>, transpose_lhs_hint = false} : vector<1024x32xf32>, vector<2048x32xf32>, vector<1024x2048xf32> -> vector<1024x2048xf32>
    %exp23A = math.exp2 %dot_general3A_12 : vector<1024x2048xf32>
    %slice3A_13 = vector.extract_strided_slice %get3A_9 {offsets = [0, 0], sizes = [2048, 32], strides = [1, 1]} : vector<2048x256xf32> to vector<2048x32xf32>
    %concatenate3A = tpu.concatenate %slice3A_13, %broadcast_in_dim3A_10 in 1 : vector<2048x32xf32>, vector<2048x1xf32> -> vector<2048x33xf32>
    %dot_general3A_14 = arith.constant dense<0.000000e+00> : vector<1024x33xf32>
    %dot_general3A_15 = tpu.matmul %exp23A, %concatenate3A, %dot_general3A_14 {dimension_numbers = #tpu.dot_dimension_numbers<[1], [0], [0], [1], [0, 0, 1, 1], [], []>, transpose_lhs_hint = false} : vector<1024x2048xf32>, vector<2048x33xf32>, vector<1024x33xf32> -> vector<1024x33xf32>
    %slice3A_16 = vector.extract_strided_slice %dot_general3A_15 {offsets = [0, 0], sizes = [1024, 32], strides = [1, 1]} : vector<1024x33xf32> to vector<1024x32xf32>
    %slice3A_17 = vector.extract_strided_slice %dot_general3A_15 {offsets = [0, 32], sizes = [1024, 1], strides = [1, 1]} : vector<1024x33xf32> to vector<1024x1xf32>
    %div3A = arith.constant 1.000000e+00 : f32
    %div3A_18 = vector.broadcast %div3A : f32 to vector<1024x1xf32>
    %div3A_19 = arith.divf %div3A_18, %slice3A_17 : vector<1024x1xf32>
    %mul3A_20 = vector.broadcast %div3A_19 : vector<1024x1xf32> to vector<1024x32xf32>
    %mul3A_21 = arith.mulf %slice3A_16, %mul3A_20 : vector<1024x32xf32>
    %swap3A = arith.constant 0 : index
    %swap3A_22 = arith.constant 0 : index
    %swap3A_23 = vector.load %arg13[%swap3A, %swap3A_22] : memref<1024x256xf32, #tpu.memory_space<vmem>>, vector<1024x32xf32>
    tpu.vector_store %arg13[%swap3A, %swap3A_22], %mul3A_21 {strides = array<i32>} : memref<1024x256xf32, #tpu.memory_space<vmem>>, vector<1024x32xf32>,
    %slice3A_24 = vector.extract_strided_slice %mul3A_3 {offsets = [0, 32], sizes = [1024, 32], strides = [1, 1]} : vector<1024x256xf32> to vector<1024x32xf32>
    %slice3A_25 = vector.extract_strided_slice %get3A_6 {offsets = [0, 32], sizes = [2048, 32], strides = [1, 1]} : vector<2048x256xf32> to vector<2048x32xf32>
    %dot_general3A_26 = arith.constant dense<0.000000e+00> : vector<1024x2048xf32>
    %dot_general3A_27 = tpu.matmul %slice3A_24, %slice3A_25, %dot_general3A_26 {dimension_numbers = #tpu.dot_dimension_numbers<[1], [1], [0], [0], [0, 0, 1, 0], [], []>, transpose_lhs_hint = false} : vector<1024x32xf32>, vector<2048x32xf32>, vector<1024x2048xf32> -> vector<1024x2048xf32>
    %exp23A_28 = math.exp2 %dot_general3A_27 : vector<1024x2048xf32>
    %slice3A_29 = vector.extract_strided_slice %get3A_9 {offsets = [0, 32], sizes = [2048, 32], strides = [1, 1]} : vector<2048x256xf32> to vector<2048x32xf32>
    %concatenate3A_30 = tpu.concatenate %slice3A_29, %broadcast_in_dim3A_10 in 1 : vector<2048x32xf32>, vector<2048x1xf32> -> vector<2048x33xf32>
    %dot_general3A_31 = arith.constant dense<0.000000e+00> : vector<1024x33xf32>
    %dot_general3A_32 = tpu.matmul %exp23A_28, %concatenate3A_30, %dot_general3A_31 {dimension_numbers = #tpu.dot_dimension_numbers<[1], [0], [0], [1], [0, 0, 1, 1], [], []>, transpose_lhs_hint = false} : vector<1024x2048xf32>, vector<2048x33xf32>, vector<1024x33xf32> -> vector<1024x33xf32>
    %slice3A_33 = vector.extract_strided_slice %dot_general3A_32 {offsets = [0, 0], sizes = [1024, 32], strides = [1, 1]} : vector<1024x33xf32> to vector<1024x32xf32>
    %slice3A_34 = vector.extract_strided_slice %dot_general3A_32 {offsets = [0, 32], sizes = [1024, 1], strides = [1, 1]} : vector<1024x33xf32> to vector<1024x1xf32>
    %div3A_35 = arith.constant 1.000000e+00 : f32
    %div3A_36 = vector.broadcast %div3A_35 : f32 to vector<1024x1xf32>
    %div3A_37 = arith.divf %div3A_36, %slice3A_34 : vector<1024x1xf32>
    %mul3A_38 = vector.broadcast %div3A_37 : vector<1024x1xf32> to vector<1024x32xf32>
    %mul3A_39 = arith.mulf %slice3A_33, %mul3A_38 : vector<1024x32xf32>
    %swap3A_40 = arith.constant 0 : index
    %swap3A_41 = arith.constant 32 : index
    %swap3A_42 = vector.load %arg13[%swap3A_40, %swap3A_41] : memref<1024x256xf32, #tpu.memory_space<vmem>>, vector<1024x32xf32>
    tpu.vector_store %arg13[%swap3A_40, %swap3A_41], %mul3A_39 {strides = array<i32>} : memref<1024x256xf32, #tpu.memory_space<vmem>>, vector<1024x32xf32>,
    %slice3A_43 = vector.extract_strided_slice %mul3A_3 {offsets = [0, 64], sizes = [1024, 32], strides = [1, 1]} : vector<1024x256xf32> to vector<1024x32xf32>
    %slice3A_44 = vector.extract_strided_slice %get3A_6 {offsets = [0, 64], sizes = [2048, 32], strides = [1, 1]} : vector<2048x256xf32> to vector<2048x32xf32>
    %dot_general3A_45 = arith.constant dense<0.000000e+00> : vector<1024x2048xf32>
    %dot_general3A_46 = tpu.matmul %slice3A_43, %slice3A_44, %dot_general3A_45 {dimension_numbers = #tpu.dot_dimension_numbers<[1], [1], [0], [0], [0, 0, 1, 0], [], []>, transpose_lhs_hint = false} : vector<1024x32xf32>, vector<2048x32xf32>, vector<1024x2048xf32> -> vector<1024x2048xf32>
    %exp23A_47 = math.exp2 %dot_general3A_46 : vector<1024x2048xf32>
    %slice3A_48 = vector.extract_strided_slice %get3A_9 {offsets = [0, 64], sizes = [2048, 32], strides = [1, 1]} : vector<2048x256xf32> to vector<2048x32xf32>
    %concatenate3A_49 = tpu.concatenate %slice3A_48, %broadcast_in_dim3A_10 in 1 : vector<2048x32xf32>, vector<2048x1xf32> -> vector<2048x33xf32>
    %dot_general3A_50 = arith.constant dense<0.000000e+00> : vector<1024x33xf32>
    %dot_general3A_51 = tpu.matmul %exp23A_47, %concatenate3A_49, %dot_general3A_50 {dimension_numbers = #tpu.dot_dimension_numbers<[1], [0], [0], [1], [0, 0, 1, 1], [], []>, transpose_lhs_hint = false} : vector<1024x2048xf32>, vector<2048x33xf32>, vector<1024x33xf32> -> vector<1024x33xf32>
    %slice3A_52 = vector.extract_strided_slice %dot_general3A_51 {offsets = [0, 0], sizes = [1024, 32], strides = [1, 1]} : vector<1024x33xf32> to vector<1024x32xf32>
    %slice3A_53 = vector.extract_strided_slice %dot_general3A_51 {offsets = [0, 32], sizes = [1024, 1], strides = [1, 1]} : vector<1024x33xf32> to vector<1024x1xf32>
    %div3A_54 = arith.constant 1.000000e+00 : f32
    %div3A_55 = vector.broadcast %div3A_54 : f32 to vector<1024x1xf32>
    %div3A_56 = arith.divf %div3A_55, %slice3A_53 : vector<1024x1xf32>
    %mul3A_57 = vector.broadcast %div3A_56 : vector<1024x1xf32> to vector<1024x32xf32>
    %mul3A_58 = arith.mulf %slice3A_52, %mul3A_57 : vector<1024x32xf32>
    %swap3A_59 = arith.constant 0 : index
    %swap3A_60 = arith.constant 64 : index
    %swap3A_61 = vector.load %arg13[%swap3A_59, %swap3A_60] : memref<1024x256xf32, #tpu.memory_space<vmem>>, vector<1024x32xf32>
    tpu.vector_store %arg13[%swap3A_59, %swap3A_60], %mul3A_58 {strides = array<i32>} : memref<1024x256xf32, #tpu.memory_space<vmem>>, vector<1024x32xf32>,
    %slice3A_62 = vector.extract_strided_slice %mul3A_3 {offsets = [0, 96], sizes = [1024, 32], strides = [1, 1]} : vector<1024x256xf32> to vector<1024x32xf32>
    %slice3A_63 = vector.extract_strided_slice %get3A_6 {offsets = [0, 96], sizes = [2048, 32], strides = [1, 1]} : vector<2048x256xf32> to vector<2048x32xf32>
    %dot_general3A_64 = arith.constant dense<0.000000e+00> : vector<1024x2048xf32>
    %dot_general3A_65 = tpu.matmul %slice3A_62, %slice3A_63, %dot_general3A_64 {dimension_numbers = #tpu.dot_dimension_numbers<[1], [1], [0], [0], [0, 0, 1, 0], [], []>, transpose_lhs_hint = false} : vector<1024x32xf32>, vector<2048x32xf32>, vector<1024x2048xf32> -> vector<1024x2048xf32>
    %exp23A_66 = math.exp2 %dot_general3A_65 : vector<1024x2048xf32>
    %slice3A_67 = vector.extract_strided_slice %get3A_9 {offsets = [0, 96], sizes = [2048, 32], strides = [1, 1]} : vector<2048x256xf32> to vector<2048x32xf32>
    %concatenate3A_68 = tpu.concatenate %slice3A_67, %broadcast_in_dim3A_10 in 1 : vector<2048x32xf32>, vector<2048x1xf32> -> vector<2048x33xf32>
    %dot_general3A_69 = arith.constant dense<0.000000e+00> : vector<1024x33xf32>
    %dot_general3A_70 = tpu.matmul %exp23A_66, %concatenate3A_68, %dot_general3A_69 {dimension_numbers = #tpu.dot_dimension_numbers<[1], [0], [0], [1], [0, 0, 1, 1], [], []>, transpose_lhs_hint = false} : vector<1024x2048xf32>, vector<2048x33xf32>, vector<1024x33xf32> -> vector<1024x33xf32>
    %slice3A_71 = vector.extract_strided_slice %dot_general3A_70 {offsets = [0, 0], sizes = [1024, 32], strides = [1, 1]} : vector<1024x33xf32> to vector<1024x32xf32>
    %slice3A_72 = vector.extract_strided_slice %dot_general3A_70 {offsets = [0, 32], sizes = [1024, 1], strides = [1, 1]} : vector<1024x33xf32> to vector<1024x1xf32>
    %div3A_73 = arith.constant 1.000000e+00 : f32
    %div3A_74 = vector.broadcast %div3A_73 : f32 to vector<1024x1xf32>
    %div3A_75 = arith.divf %div3A_74, %slice3A_72 : vector<1024x1xf32>
    %mul3A_76 = vector.broadcast %div3A_75 : vector<1024x1xf32> to vector<1024x32xf32>
    %mul3A_77 = arith.mulf %slice3A_71, %mul3A_76 : vector<1024x32xf32>
    %swap3A_78 = arith.constant 0 : index
    %swap3A_79 = arith.constant 96 : index
    %swap3A_80 = vector.load %arg13[%swap3A_78, %swap3A_79] : memref<1024x256xf32, #tpu.memory_space<vmem>>, vector<1024x32xf32>
    tpu.vector_store %arg13[%swap3A_78, %swap3A_79], %mul3A_77 {strides = array<i32>} : memref<1024x256xf32, #tpu.memory_space<vmem>>, vector<1024x32xf32>,
    %slice3A_81 = vector.extract_strided_slice %mul3A_3 {offsets = [0, 128], sizes = [1024, 32], strides = [1, 1]} : vector<1024x256xf32> to vector<1024x32xf32>
    %slice3A_82 = vector.extract_strided_slice %get3A_6 {offsets = [0, 128], sizes = [2048, 32], strides = [1, 1]} : vector<2048x256xf32> to vector<2048x32xf32>
    %dot_general3A_83 = arith.constant dense<0.000000e+00> : vector<1024x2048xf32>
    %dot_general3A_84 = tpu.matmul %slice3A_81, %slice3A_82, %dot_general3A_83 {dimension_numbers = #tpu.dot_dimension_numbers<[1], [1], [0], [0], [0, 0, 1, 0], [], []>, transpose_lhs_hint = false} : vector<1024x32xf32>, vector<2048x32xf32>, vector<1024x2048xf32> -> vector<1024x2048xf32>
    %exp23A_85 = math.exp2 %dot_general3A_84 : vector<1024x2048xf32>
    %slice3A_86 = vector.extract_strided_slice %get3A_9 {offsets = [0, 128], sizes = [2048, 32], strides = [1, 1]} : vector<2048x256xf32> to vector<2048x32xf32>
    %concatenate3A_87 = tpu.concatenate %slice3A_86, %broadcast_in_dim3A_10 in 1 : vector<2048x32xf32>, vector<2048x1xf32> -> vector<2048x33xf32>
    %dot_general3A_88 = arith.constant dense<0.000000e+00> : vector<1024x33xf32>
    %dot_general3A_89 = tpu.matmul %exp23A_85, %concatenate3A_87, %dot_general3A_88 {dimension_numbers = #tpu.dot_dimension_numbers<[1], [0], [0], [1], [0, 0, 1, 1], [], []>, transpose_lhs_hint = false} : vector<1024x2048xf32>, vector<2048x33xf32>, vector<1024x33xf32> -> vector<1024x33xf32>
    %slice3A_90 = vector.extract_strided_slice %dot_general3A_89 {offsets = [0, 0], sizes = [1024, 32], strides = [1, 1]} : vector<1024x33xf32> to vector<1024x32xf32>
    %slice3A_91 = vector.extract_strided_slice %dot_general3A_89 {offsets = [0, 32], sizes = [1024, 1], strides = [1, 1]} : vector<1024x33xf32> to vector<1024x1xf32>
    %div3A_92 = arith.constant 1.000000e+00 : f32
    %div3A_93 = vector.broadcast %div3A_92 : f32 to vector<1024x1xf32>
    %div3A_94 = arith.divf %div3A_93, %slice3A_91 : vector<1024x1xf32>
    %mul3A_95 = vector.broadcast %div3A_94 : vector<1024x1xf32> to vector<1024x32xf32>
    %mul3A_96 = arith.mulf %slice3A_90, %mul3A_95 : vector<1024x32xf32>
    %swap3A_97 = arith.constant 0 : index
    %swap3A_98 = arith.constant 128 : index
    %swap3A_99 = vector.load %arg13[%swap3A_97, %swap3A_98] : memref<1024x256xf32, #tpu.memory_space<vmem>>, vector<1024x32xf32>
    tpu.vector_store %arg13[%swap3A_97, %swap3A_98], %mul3A_96 {strides = array<i32>} : memref<1024x256xf32, #tpu.memory_space<vmem>>, vector<1024x32xf32>,
    %slice3A_100 = vector.extract_strided_slice %mul3A_3 {offsets = [0, 160], sizes = [1024, 32], strides = [1, 1]} : vector<1024x256xf32> to vector<1024x32xf32>
    %slice3A_101 = vector.extract_strided_slice %get3A_6 {offsets = [0, 160], sizes = [2048, 32], strides = [1, 1]} : vector<2048x256xf32> to vector<2048x32xf32>
    %dot_general3A_102 = arith.constant dense<0.000000e+00> : vector<1024x2048xf32>
    %dot_general3A_103 = tpu.matmul %slice3A_100, %slice3A_101, %dot_general3A_102 {dimension_numbers = #tpu.dot_dimension_numbers<[1], [1], [0], [0], [0, 0, 1, 0], [], []>, transpose_lhs_hint = false} : vector<1024x32xf32>, vector<2048x32xf32>, vector<1024x2048xf32> -> vector<1024x2048xf32>
    %exp23A_104 = math.exp2 %dot_general3A_103 : vector<1024x2048xf32>
    %slice3A_105 = vector.extract_strided_slice %get3A_9 {offsets = [0, 160], sizes = [2048, 32], strides = [1, 1]} : vector<2048x256xf32> to vector<2048x32xf32>
    %concatenate3A_106 = tpu.concatenate %slice3A_105, %broadcast_in_dim3A_10 in 1 : vector<2048x32xf32>, vector<2048x1xf32> -> vector<2048x33xf32>
    %dot_general3A_107 = arith.constant dense<0.000000e+00> : vector<1024x33xf32>
    %dot_general3A_108 = tpu.matmul %exp23A_104, %concatenate3A_106, %dot_general3A_107 {dimension_numbers = #tpu.dot_dimension_numbers<[1], [0], [0], [1], [0, 0, 1, 1], [], []>, transpose_lhs_hint = false} : vector<1024x2048xf32>, vector<2048x33xf32>, vector<1024x33xf32> -> vector<1024x33xf32>
    %slice3A_109 = vector.extract_strided_slice %dot_general3A_108 {offsets = [0, 0], sizes = [1024, 32], strides = [1, 1]} : vector<1024x33xf32> to vector<1024x32xf32>
    %slice3A_110 = vector.extract_strided_slice %dot_general3A_108 {offsets = [0, 32], sizes = [1024, 1], strides = [1, 1]} : vector<1024x33xf32> to vector<1024x1xf32>
    %div3A_111 = arith.constant 1.000000e+00 : f32
    %div3A_112 = vector.broadcast %div3A_111 : f32 to vector<1024x1xf32>
    %div3A_113 = arith.divf %div3A_112, %slice3A_110 : vector<1024x1xf32>
    %mul3A_114 = vector.broadcast %div3A_113 : vector<1024x1xf32> to vector<1024x32xf32>
    %mul3A_115 = arith.mulf %slice3A_109, %mul3A_114 : vector<1024x32xf32>
    %swap3A_116 = arith.constant 0 : index
    %swap3A_117 = arith.constant 160 : index
    %swap3A_118 = vector.load %arg13[%swap3A_116, %swap3A_117] : memref<1024x256xf32, #tpu.memory_space<vmem>>, vector<1024x32xf32>
    tpu.vector_store %arg13[%swap3A_116, %swap3A_117], %mul3A_115 {strides = array<i32>} : memref<1024x256xf32, #tpu.memory_space<vmem>>, vector<1024x32xf32>,
    %slice3A_119 = vector.extract_strided_slice %mul3A_3 {offsets = [0, 192], sizes = [1024, 32], strides = [1, 1]} : vector<1024x256xf32> to vector<1024x32xf32>
    %slice3A_120 = vector.extract_strided_slice %get3A_6 {offsets = [0, 192], sizes = [2048, 32], strides = [1, 1]} : vector<2048x256xf32> to vector<2048x32xf32>
    %dot_general3A_121 = arith.constant dense<0.000000e+00> : vector<1024x2048xf32>
    %dot_general3A_122 = tpu.matmul %slice3A_119, %slice3A_120, %dot_general3A_121 {dimension_numbers = #tpu.dot_dimension_numbers<[1], [1], [0], [0], [0, 0, 1, 0], [], []>, transpose_lhs_hint = false} : vector<1024x32xf32>, vector<2048x32xf32>, vector<1024x2048xf32> -> vector<1024x2048xf32>
    %exp23A_123 = math.exp2 %dot_general3A_122 : vector<1024x2048xf32>
    %slice3A_124 = vector.extract_strided_slice %get3A_9 {offsets = [0, 192], sizes = [2048, 32], strides = [1, 1]} : vector<2048x256xf32> to vector<2048x32xf32>
    %concatenate3A_125 = tpu.concatenate %slice3A_124, %broadcast_in_dim3A_10 in 1 : vector<2048x32xf32>, vector<2048x1xf32> -> vector<2048x33xf32>
    %dot_general3A_126 = arith.constant dense<0.000000e+00> : vector<1024x33xf32>
    %dot_general3A_127 = tpu.matmul %exp23A_123, %concatenate3A_125, %dot_general3A_126 {dimension_numbers = #tpu.dot_dimension_numbers<[1], [0], [0], [1], [0, 0, 1, 1], [], []>, transpose_lhs_hint = false} : vector<1024x2048xf32>, vector<2048x33xf32>, vector<1024x33xf32> -> vector<1024x33xf32>
    %slice3A_128 = vector.extract_strided_slice %dot_general3A_127 {offsets = [0, 0], sizes = [1024, 32], strides = [1, 1]} : vector<1024x33xf32> to vector<1024x32xf32>
    %slice3A_129 = vector.extract_strided_slice %dot_general3A_127 {offsets = [0, 32], sizes = [1024, 1], strides = [1, 1]} : vector<1024x33xf32> to vector<1024x1xf32>
    %div3A_130 = arith.constant 1.000000e+00 : f32
    %div3A_131 = vector.broadcast %div3A_130 : f32 to vector<1024x1xf32>
    %div3A_132 = arith.divf %div3A_131, %slice3A_129 : vector<1024x1xf32>
    %mul3A_133 = vector.broadcast %div3A_132 : vector<1024x1xf32> to vector<1024x32xf32>
    %mul3A_134 = arith.mulf %slice3A_128, %mul3A_133 : vector<1024x32xf32>
    %swap3A_135 = arith.constant 0 : index
    %swap3A_136 = arith.constant 192 : index
    %swap3A_137 = vector.load %arg13[%swap3A_135, %swap3A_136] : memref<1024x256xf32, #tpu.memory_space<vmem>>, vector<1024x32xf32>
    tpu.vector_store %arg13[%swap3A_135, %swap3A_136], %mul3A_134 {strides = array<i32>} : memref<1024x256xf32, #tpu.memory_space<vmem>>, vector<1024x32xf32>,
    %slice3A_138 = vector.extract_strided_slice %mul3A_3 {offsets = [0, 224], sizes = [1024, 32], strides = [1, 1]} : vector<1024x256xf32> to vector<1024x32xf32>
    %slice3A_139 = vector.extract_strided_slice %get3A_6 {offsets = [0, 224], sizes = [2048, 32], strides = [1, 1]} : vector<2048x256xf32> to vector<2048x32xf32>
    %dot_general3A_140 = arith.constant dense<0.000000e+00> : vector<1024x2048xf32>
    %dot_general3A_141 = tpu.matmul %slice3A_138, %slice3A_139, %dot_general3A_140 {dimension_numbers = #tpu.dot_dimension_numbers<[1], [1], [0], [0], [0, 0, 1, 0], [], []>, transpose_lhs_hint = false} : vector<1024x32xf32>, vector<2048x32xf32>, vector<1024x2048xf32> -> vector<1024x2048xf32>
    %exp23A_142 = math.exp2 %dot_general3A_141 : vector<1024x2048xf32>
    %slice3A_143 = vector.extract_strided_slice %get3A_9 {offsets = [0, 224], sizes = [2048, 32], strides = [1, 1]} : vector<2048x256xf32> to vector<2048x32xf32>
    %concatenate3A_144 = tpu.concatenate %slice3A_143, %broadcast_in_dim3A_10 in 1 : vector<2048x32xf32>, vector<2048x1xf32> -> vector<2048x33xf32>
    %dot_general3A_145 = arith.constant dense<0.000000e+00> : vector<1024x33xf32>
    %dot_general3A_146 = tpu.matmul %exp23A_142, %concatenate3A_144, %dot_general3A_145 {dimension_numbers = #tpu.dot_dimension_numbers<[1], [0], [0], [1], [0, 0, 1, 1], [], []>, transpose_lhs_hint = false} : vector<1024x2048xf32>, vector<2048x33xf32>, vector<1024x33xf32> -> vector<1024x33xf32>
    %slice3A_147 = vector.extract_strided_slice %dot_general3A_146 {offsets = [0, 0], sizes = [1024, 32], strides = [1, 1]} : vector<1024x33xf32> to vector<1024x32xf32>
    %slice3A_148 = vector.extract_strided_slice %dot_general3A_146 {offsets = [0, 32], sizes = [1024, 1], strides = [1, 1]} : vector<1024x33xf32> to vector<1024x1xf32>
    %div3A_149 = arith.constant 1.000000e+00 : f32
    %div3A_150 = vector.broadcast %div3A_149 : f32 to vector<1024x1xf32>
    %div3A_151 = arith.divf %div3A_150, %slice3A_148 : vector<1024x1xf32>
    %mul3A_152 = vector.broadcast %div3A_151 : vector<1024x1xf32> to vector<1024x32xf32>
    %mul3A_153 = arith.mulf %slice3A_147, %mul3A_152 : vector<1024x32xf32>
    %swap3A_154 = arith.constant 0 : index
    %swap3A_155 = arith.constant 224 : index
    %swap3A_156 = vector.load %arg13[%swap3A_154, %swap3A_155] : memref<1024x256xf32, #tpu.memory_space<vmem>>, vector<1024x32xf32>
    tpu.vector_store %arg13[%swap3A_154, %swap3A_155], %mul3A_153 {strides = array<i32>} : memref<1024x256xf32, #tpu.memory_space<vmem>>, vector<1024x32xf32>,
    %get3A_157 = arith.constant 0 : index
    %get3A_158 = arith.constant 0 : index
    %get3A_159 = vector.load %arg13[%get3A_157, %get3A_158] : memref<1024x256xf32, #tpu.memory_space<vmem>>, vector<1024x256xf32>
    %get3A_160 = arith.constant 0 : index
    %get3A_161 = arith.constant 0 : index
    %get3A_162 = vector.load %arg5[%get3A_160, %get3A_161] : memref<256x256xf32, #tpu.memory_space<vmem>>, vector<256x256xf32>
    %dot_general3A_163 = arith.constant dense<0.000000e+00> : vector<1024x256xf32>
    %dot_general3A_164 = tpu.matmul %get3A_159, %get3A_162, %dot_general3A_163 {dimension_numbers = #tpu.dot_dimension_numbers<[1], [1], [0], [0], [0, 0, 1, 0], [], []>, transpose_lhs_hint = false} : vector<1024x256xf32>, vector<256x256xf32>, vector<1024x256xf32> -> vector<1024x256xf32>
    %get3A_165 = arith.constant 0 : index
    %get3A_166 = arith.constant 0 : index
    %get3A_167 = vector.load %arg6[%get3A_165, %get3A_166] : memref<1x256xf32, #tpu.memory_space<vmem>>, vector<1x256xf32>
    %add3A = vector.broadcast %get3A_167 : vector<1x256xf32> to vector<1024x256xf32>
    %add3A_168 = arith.addf %dot_general3A_164, %add3A : vector<1024x256xf32>
    %get3A_169 = arith.constant 0 : index
    %get3A_170 = arith.constant 0 : index
    %get3A_171 = vector.load %arg4[%get3A_169, %get3A_170] : memref<1024x128xf32, #tpu.memory_space<vmem>>, vector<1024x128xf32>
    %get3A_172 = arith.constant 0 : index
    %get3A_173 = arith.constant 0 : index
    %get3A_174 = vector.load %arg7[%get3A_172, %get3A_173] : memref<128x128xf32, #tpu.memory_space<vmem>>, vector<128x128xf32>
    %dot_general3A_175 = arith.constant dense<0.000000e+00> : vector<1024x128xf32>
    %dot_general3A_176 = tpu.matmul %get3A_171, %get3A_174, %dot_general3A_175 {dimension_numbers = #tpu.dot_dimension_numbers<[1], [1], [0], [0], [0, 0, 1, 0], [], []>, transpose_lhs_hint = false} : vector<1024x128xf32>, vector<128x128xf32>, vector<1024x128xf32> -> vector<1024x128xf32>
    %get3A_177 = arith.constant 0 : index
    %get3A_178 = arith.constant 0 : index
    %get3A_179 = vector.load %arg8[%get3A_177, %get3A_178] : memref<128x256xf32, #tpu.memory_space<vmem>>, vector<128x256xf32>
    %dot_general3A_180 = arith.constant dense<0.000000e+00> : vector<1024x128xf32>
    %dot_general3A_181 = tpu.matmul %add3A_168, %get3A_179, %dot_general3A_180 {dimension_numbers = #tpu.dot_dimension_numbers<[1], [1], [0], [0], [0, 0, 1, 0], [], []>, transpose_lhs_hint = false} : vector<1024x256xf32>, vector<128x256xf32>, vector<1024x128xf32> -> vector<1024x128xf32>
    %add3A_182 = arith.addf %dot_general3A_176, %dot_general3A_181 : vector<1024x128xf32>
    %get3A_183 = arith.constant 0 : index
    %get3A_184 = arith.constant 0 : index
    %get3A_185 = vector.load %arg9[%get3A_183, %get3A_184] : memref<1x128xf32, #tpu.memory_space<vmem>>, vector<1x128xf32>
    %add3A_186 = vector.broadcast %get3A_185 : vector<1x128xf32> to vector<1024x128xf32>
    %add3A_187 = arith.addf %add3A_182, %add3A_186 : vector<1024x128xf32>
    %max3A = arith.constant 0.000000e+00 : f32
    %max3A_188 = vector.broadcast %max3A : f32 to vector<1024x128xf32>
    %max3A_189 = arith.maximumf %add3A_187, %max3A_188 : vector<1024x128xf32>
    %get3A_190 = arith.constant 0 : index
    %get3A_191 = arith.constant 0 : index
    %get3A_192 = vector.load %arg10[%get3A_190, %get3A_191] : memref<128x128xf32, #tpu.memory_space<vmem>>, vector<128x128xf32>
    %dot_general3A_193 = arith.constant dense<0.000000e+00> : vector<1024x128xf32>
    %dot_general3A_194 = tpu.matmul %max3A_189, %get3A_192, %dot_general3A_193 {dimension_numbers = #tpu.dot_dimension_numbers<[1], [1], [0], [0], [0, 0, 1, 0], [], []>, transpose_lhs_hint = false} : vector<1024x128xf32>, vector<128x128xf32>, vector<1024x128xf32> -> vector<1024x128xf32>
    %get3A_195 = arith.constant 0 : index
    %get3A_196 = arith.constant 0 : index
    %get3A_197 = vector.load %arg11[%get3A_195, %get3A_196] : memref<1x128xf32, #tpu.memory_space<vmem>>, vector<1x128xf32>
    %add3A_198 = vector.broadcast %get3A_197 : vector<1x128xf32> to vector<1024x128xf32>
    %add3A_199 = arith.addf %dot_general3A_194, %add3A_198 : vector<1024x128xf32>
    %swap3A_200 = arith.constant 0 : index
    %swap3A_201 = arith.constant 0 : index
    %swap3A_202 = vector.load %arg12[%swap3A_200, %swap3A_201] : memref<1024x128xf32, #tpu.memory_space<vmem>>, vector<1024x128xf32>
    tpu.vector_store %arg12[%swap3A_200, %swap3A_201], %add3A_199 {strides = array<i32>} : memref<1024x128xf32, #tpu.memory_space<vmem>>, vector<1024x128xf32>,
    return
  }
  func.func @transform_0(%arg0: i32) -> (i32, i32) {
    %c0_i32 = arith.constant 0 : i32
    %c0_i32_0 = arith.constant 0 : i32
    return %arg0, %c0_i32 : i32, i32
  }
  func.func @transform_1(%arg0: i32) -> (i32, i32) {
    %c0_i32 = arith.constant 0 : i32
    %c0_i32_0 = arith.constant 0 : i32
    %c0_i32_1 = arith.constant 0 : i32
    return %c0_i32, %c0_i32_0 : i32, i32
  }
  func.func @transform_2(%arg0: i32) -> (i32, i32) {
    %c0_i32 = arith.constant 0 : i32
    %c0_i32_0 = arith.constant 0 : i32
    %c0_i32_1 = arith.constant 0 : i32
    return %c0_i32, %c0_i32_0 : i32, i32
  }
  func.func @transform_3(%arg0: i32) -> (i32, i32) {
    %c0_i32 = arith.constant 0 : i32
    %c0_i32_0 = arith.constant 0 : i32
    return %arg0, %c0_i32 : i32, i32
  }
  func.func @transform_4(%arg0: i32) -> (i32, i32) {
    %c0_i32 = arith.constant 0 : i32
    %c0_i32_0 = arith.constant 0 : i32
    %c0_i32_1 = arith.constant 0 : i32
    return %c0_i32, %c0_i32_0 : i32, i32
  }
  func.func @transform_5(%arg0: i32) -> (i32, i32) {
    %c0_i32 = arith.constant 0 : i32
    %c0_i32_0 = arith.constant 0 : i32
    %c0_i32_1 = arith.constant 0 : i32
    return %c0_i32, %c0_i32_0 : i32, i32
  }
  func.func @transform_6(%arg0: i32) -> (i32, i32) {
    %c0_i32 = arith.constant 0 : i32
    %c0_i32_0 = arith.constant 0 : i32
    %c0_i32_1 = arith.constant 0 : i32
    return %c0_i32, %c0_i32_0 : i32, i32
  }
  func.func @transform_7(%arg0: i32) -> (i32, i32) {
    %c0_i32 = arith.constant 0 : i32
    %c0_i32_0 = arith.constant 0 : i32
    %c0_i32_1 = arith.constant 0 : i32
    return %c0_i32, %c0_i32_0 : i32, i32
  }
  func.func @transform_8(%arg0: i32) -> (i32, i32) {
    %c0_i32 = arith.constant 0 : i32
    %c0_i32_0 = arith.constant 0 : i32
    %c0_i32_1 = arith.constant 0 : i32
    return %c0_i32, %c0_i32_0 : i32, i32
  }
  func.func @transform_9(%arg0: i32) -> (i32, i32) {
    %c0_i32 = arith.constant 0 : i32
    %c0_i32_0 = arith.constant 0 : i32
    %c0_i32_1 = arith.constant 0 : i32
    return %c0_i32, %c0_i32_0 : i32, i32
  }
  func.func @transform_10(%arg0: i32) -> (i32, i32) {
    %c0_i32 = arith.constant 0 : i32
    %c0_i32_0 = arith.constant 0 : i32
    %c0_i32_1 = arith.constant 0 : i32
    return %c0_i32, %c0_i32_0 : i32, i32
  }
  func.func @transform_11(%arg0: i32) -> (i32, i32) {
    %c0_i32 = arith.constant 0 : i32
    %c0_i32_0 = arith.constant 0 : i32
    return %arg0, %c0_i32 : i32, i32
  }
}

</mosaic_0001>

<sc_bundles>
// kernel: kernel.7.cloned.1.call-start
scs
__scs_entry_jumppad:
0x0: {  	(pc) =	sbr.rel $0x88, $3  }
0x1: {  	(tag) =	ssettag $0x0;
	lr =	simm.s32 $0x1  }
0x2: {  	[smem:$0x3F92] =	sst lr;
	_ =	strace $0xD0000000  }
0x3: {  	_ = 	snop  }
0x4: {  	_ = 	snop  }
0x5: {  	_ = 	snop  }
0x6: {  	_ = 	snop  }
0x7: {  	_ = 	snop  }
__scs_overlays_trampoline_lowered:
0x8: {  	[smem:$0x3FA1] =	sst s0  }
0x9: {  	[smem:$0x3FA2] =	sst s1  }
0xa: {  	[smem:$0x3FA3] =	sst s2  }
0xb: {  	[smem:$0x3FA4] =	sst s3  }
0xc: {  	[smem:$0x3FA5] =	sst s4  }
0xd: {  	[smem:$0x3FA6] =	sst s5  }
0xe: {  	[smem:$0x3FA7] =	sst s6  }
0xf: {  	[smem:$0x3FA8] =	sst s7  }
0x10: {  	[smem:$0x3FA9] =	sst s8  }
0x11: {  	[smem:$0x3FAA] =	sst s9;
	s0 =	simm.s32 @!p0 $0x0  }
0x12: {  	s1 =	sld [smem:$0x3F90];
	s0 =	simm.s32 @p0 $0x1  }
0x13: {  	[smem:$0x3FAB] =	sst s0;
	s0 =	simm.s32 @!p1 $0x0  }
0x14: {  	s2 =	sld [smem:$0x3F8F];
	s0 =	simm.s32 @p1 $0x1  }
0x15: {  	[smem:$0x3FAC] =	sst s0;
	s0 =	simm.s32 @!p2 $0x0  }
0x16: {  	s3 =	sld [smem:$0x3FDB];
	s0 =	simm.s32 @p2 $0x1  }
0x17: {  	s4 =	simm.s32 $0x1BF5;
	[smem:$0x3FAE] =	sst s0  }
0x18: {  	s0 =	sld [smem:$0x3F91];
	_ =	swait.ge [sflag:s4], $0x0  }
0x19: {  	s7 =	sld [smem:$0x3F92]  }
0x1a: {  	s8 =	sadd.s32 $0xFFFFE003, lr  }
0x1b: {  	s9 =	sadd.s32 $0xFFFFFEF7, lr;
	s5 =	simm.s32 $0xFFFFFFFF;
	p2 =	slt.u32 s8, $0xFFFFF086  }
0x1c: {  	p1 =	slt.u32 s9, $0xF7A;
	s5 =	simm.s32 @!p2 $0x0  }
0x1d: {  	s5 =	simm.s32 @p1 $0x1;
	p0 =	seq.s32 s7, s2  }
0x1e: {  	s7 =	smul.u32 @!p0 $0xF7A, s2;
	p2 =	seq.s32 @!p0 s5, $0x0  }
0x1f: {  	s9 =	smul.u32 $0xF7A, s1;
	s8 =	simm.s32 @!p0 $0x1BF5;
	p2 =	por !p2, p0  }
0x20: {  	[sflag:s8] =	ssyncset.s32 @!p0 $0xFFFFF086;
	s6 =	sadd.s32 @!p0 s3, s7;
	s7 =	simm.s32 @!p0 $0x108  }
0x21: {  	s3 =	sadd.s32 s3, s9;
	s6 =	sadd.s32 @!p0 $0x88, s6;
	s7 =	simm.s32 @p2 $0x1082  }
0x22: {  	[simem:s7], [sflag:s8] =	dma.local @!p0 [hbm:s6], $0xF7A  }
0x23: {  	s9 =	sor.u32 $0xD0000000, s2;
	s6 =	simm.s32 $0x108;
	_ =	swait.ge @!p0 [sflag:s8], $0x0  }
0x24: {  	s3 =	sadd.s32 $0x88, s3;
	s6 =	simm.s32 @!p1 $0x1082;
	[sflag:s4] =	ssyncset.s32 $0xFFFFF086  }
0x25: {  	[simem:s6], [sflag:s4] =	dma.local [hbm:s3], $0xF7A  }
0x26: {  	[smem:$0x3F92] =	sst s1;
	(tag) =	ssettag s2;
	_ =	strace s9  }
0x27: {  	s1 =	sld [smem:$0x3FA2]  }
0x28: {  	s2 =	sld [smem:$0x3FA3]  }
0x29: {  	s4 =	sld [smem:$0x3FA5]  }
0x2a: {  	p0 =	seq.s32 s5, $0x0;
	s5 =	sld [smem:$0x3FA6]  }
0x2b: {  	s6 =	sld [smem:$0x3FA7]  }
0x2c: {  	s7 =	sld [smem:$0x3FA8]  }
0x2d: {  	s3 =	simm.s32 $0x108;
	s8 =	sld [smem:$0x3FA9]  }
0x2e: {  	s3 =	simm.s32 @!p0 $0x1082;
	s9 =	sld [smem:$0x3FAA]  }
0x2f: {  	lr =	sadd.s32 s0, s3;
	s0 =	sld [smem:$0x3FA1]  }
0x30: {  	s3 =	sld [smem:$0x3FA4]  }
0x31: {  	[smem:$0x3FAD] =	sst s10  }
0x32: {  	s10 =	sld [smem:$0x3FAB];
	_ =	sdelay $0x3  }
0x33: {  	p0 =	seq.s32 s10, $0x1;
	s10 =	sld [smem:$0x3FAD];
	_ =	sdelay $0x3  }
0x34: {  	[smem:$0x3FAD] =	sst s10  }
0x35: {  	s10 =	sld [smem:$0x3FAC];
	_ =	sdelay $0x3  }
0x36: {  	p1 =	seq.s32 s10, $0x1;
	s10 =	sld [smem:$0x3FAD];
	_ =	sdelay $0x3  }
0x37: {  	[smem:$0x3FAD] =	sst s10  }
0x38: {  	s10 =	sld [smem:$0x3FAE]  }
0x39: {  	_ = 	snop;
	(pc) =	sbr.ind lr, $3  }
0x3a: {  	_ = 	snop  }
0x3b: {  	_ = 	snop  }
0x3c: {  	p2 =	seq.s32 s10, $0x1;
	s10 =	sld [smem:$0x3FAD]  }
0x3d: {  	_ =	shalt  }
0x3e: {  	_ =	shalt  }
0x3f: {  	_ =	shalt  }
0x40: {  	_ =	shalt  }
0x41: {  	_ =	shalt  }
0x42: {  	_ =	shalt  }
0x43: {  	_ =	shalt  }
0x44: {  	_ =	shalt  }
0x45: {  	_ =	shalt  }
0x46: {  	_ =	shalt  }
0x47: {  	_ =	shalt  }
0x48: {  	_ =	shalt  }
0x49: {  	_ =	shalt  }
0x4a: {  	_ =	shalt  }
0x4b: {  	_ =	shalt  }
0x4c: {  	_ =	shalt  }
0x4d: {  	_ =	shalt  }
0x4e: {  	_ =	shalt  }
0x4f: {  	_ =	shalt  }
0x50: {  	_ =	shalt  }
0x51: {  	_ =	shalt  }
0x52: {  	_ =	shalt  }
0x53: {  	_ =	shalt  }
0x54: {  	_ =	shalt  }
0x55: {  	_ =	shalt  }
0x56: {  	_ =	shalt  }
0x57: {  	_ =	shalt  }
0x58: {  	_ =	shalt  }
0x59: {  	_ =	shalt  }
0x5a: {  	_ =	shalt  }
0x5b: {  	_ =	shalt  }
0x5c: {  	_ =	shalt  }
0x5d: {  	_ =	shalt  }
0x5e: {  	_ =	shalt  }
0x5f: {  	_ =	shalt  }
0x60: {  	_ =	shalt  }
0x61: {  	_ =	shalt  }
0x62: {  	_ =	shalt  }
0x63: {  	_ =	shalt  }
0x64: {  	_ =	shalt  }
0x65: {  	_ =	shalt  }
0x66: {  	_ =	shalt  }
0x67: {  	_ =	shalt  }
0x68: {  	_ =	shalt  }
0x69: {  	_ =	shalt  }
0x6a: {  	_ =	shalt  }
0x6b: {  	_ =	shalt  }
0x6c: {  	_ =	shalt  }
0x6d: {  	_ =	shalt  }
0x6e: {  	_ =	shalt  }
0x6f: {  	_ =	shalt  }
0x70: {  	_ =	shalt  }
0x71: {  	_ =	shalt  }
0x72: {  	_ =	shalt  }
0x73: {  	_ =	shalt  }
0x74: {  	_ =	shalt  }
0x75: {  	_ =	shalt  }
0x76: {  	_ =	shalt  }
0x77: {  	_ =	shalt  }
0x78: {  	_ =	shalt  }
0x79: {  	_ =	shalt  }
0x7a: {  	_ =	shalt  }
0x7b: {  	_ =	shalt  }
0x7c: {  	_ =	shalt  }
0x7d: {  	_ =	shalt  }
0x7e: {  	_ =	shalt  }
0x7f: {  	_ =	shalt  }
0x80: {  	_ =	shalt  }
0x81: {  	_ =	shalt  }
0x82: {  	_ =	shalt  }
0x83: {  	_ =	shalt  }
0x84: {  	_ =	shalt  }
0x85: {  	_ =	shalt  }
0x86: {  	_ =	shalt  }
0x87: {  	_ =	shalt  }
.Lfunc_end0:
.L_simem_size_0:
called_computation_lowered:
.L_overlay_start_0:
0x88: {  	s2 =	sld [smem:$0x3FD9]  }
0x89: {  	s3 =	sld [smem:$0x3FFE];
	_ =	sdelay $0x1  }
0x8a: {  	s1 =	srdreg.scid  }
0x8b: {  	s0 =	sand.u32 $0x1, s1  }
0x8c: {  	s17 =	sshll.u32 s0, $0xA;
	s2 =	sadd.s32 s3, s2  }
0x8d: {  	s2 =	sadd.s32 s2, s17  }
0x8e: {  	[smem:$0x3FB9] =	sst s2  }
0x8f: {  	_ = 	snop  }
0x90: {  	s2 =	sld [smem:$0x3FC9]  }
0x91: {  	s18 =	sld [smem:$0x3FD0];
	(tm) =	ssettm $0x1  }
0x92: {  	s4 =	sld [smem:$0x3FFB];
	_ =	sdelay $0x3  }
0x93: {  	_ =	strace s4  }
0x94: {  	s4 =	sld [smem:$0x3FFC];
	_ =	sdelay $0x3  }
0x95: {  	_ =	strace s4  }
0x96: {  	s4 =	sld [smem:$0x3FFD];
	_ =	sdelay $0x3  }
0x97: {  	_ =	strace s4  }
0x98: {  	_ =	strace $0x8FFFFFFF  }
0x99: {  	s19 =	sld [smem:$0x3FDB];
	_ =	sdelay $0x1  }
0x9a: {  	s5 =	simm.s32 $_scs_section_size  }
0x9b: {  	s6 =	simm.s32 $_size__tile_overlayer_lowered;
	s7 =	simm.s32 $_tile_overlayer_lowered  }
0x9c: {  	s22 =	simm.s32 $0x1BFF;
	s21 =	sshll.u32 s7, $0x1;
	s4 =	sadd.s32 s5, s19  }
0x9d: {  	s8 =	simm.s32 $0x0;
	s20 =	sshll.u32 s6, $0x1;
	s6 =	sadd.s32 s21, s4  }
0x9e: {  	[timem:s8], [sflag:s22] =	dma.local [hbm:s6], s20  }
0x9f: {  	_ =	swait.ge [sflag:s22], s20  }
0xa0: {  	s5 =	ssub.s32 $0x0, s20;
	[sflag:s22] =	ssyncset.done $0x0  }
0xa1: {  	[sflag:s22] =	ssyncadd.s32 s5;
	_ =	sdelay $0x1  }
0xa2: {  	s23 =	simm.s32 $0x1B8B  }
0xa3: {  	_ =	swait.ge [sflag:s23], $0x1  }
0xa4: {  	[sflag:s23] =	ssyncset.done $0x0  }
0xa5: {  	s25 =	simm.s32 $0x1B8E;
	s24 =	sld [smem:$0x3FFE];
	[sflag:s23] =	ssyncadd.s32 $0xFFFFFFFF  }
0xa6: {  	s26 =	simm.s32 $execute0_lowered;
	[smem:$0x3FD2] =	sst s25  }
0xa7: {  	s6 =	sshll.u32 s26, $0x1;
	_ =	strace $0x80000046;
	[dreg:$0x1] =	wrdreg $0xFFFFFFFF  }
0xa8: {  	s28 =	simm.s32 $_size_execute0_lowered;
	s4 =	sadd.s32 s4, s6;
	[dreg:$0x0] =	wrdreg $0x0  }
0xa9: {  	s6 =	sshll.u32 s28, $0x1;
	[dreg:$0x2] =	wrdreg s4  }
0xaa: {  	[dreg:$0x3] =	wrdreg s6  }
0xab: {  	[dreg:$0x4] =	wrdreg $0xC0  }
0xac: {  	_ =	task [dreg:s8], $0x5FFFF  }
0xad: {  	[dreg:$0x1] =	wrdreg $0xFFFFFFFF  }
0xae: {  	[dreg:$0x0] =	wrdreg $0x60  }
0xaf: {  	[dreg:$0x2] =	wrdreg s2  }
0xb0: {  	[dreg:$0x3] =	wrdreg s24  }
0xb1: {  	[dreg:$0x4] =	wrdreg s18  }
0xb2: {  	[dreg:$0x5] =	wrdreg $0x9  }
0xb3: {  	_ =	task.clear_ibuf [dreg:s8], $0x6FFFF;
	_ =	strace $0x90000046  }
0xb4: {  	s29 =	simm.s32 $0x9;
	_ =	strace $0x80000048  }
0xb5: {  	_ =	swait.ge [sflag:s29], $0x1  }
0xb6: {  	[sflag:s29] =	ssyncadd.s32 $0xFFFFFFFF  }
0xb7: {  	_ =	strace $0x90000048  }
0xb8: {  	_ =	sfence  }
0xb9: {  	s30 =	sld [smem:$0x0];
	_ =	sdelay $0x2  }
0xba: {  	s31 =	sshll.u32 s1, $0xD;
	s1 =	sshrl.u32 s1, $0x2  }
0xbb: {  	s3 =	sand.u32 $0x4000, s31;
	s1 =	sadd.s32 s1, s30  }
0xbc: {  	s0 =	sor.u32 s3, s0;
	s1 =	sshll.u32 s1, $0x11  }
0xbd: {  	s0 =	sor.u32 s1, s0  }
0xbe: {  	s0 =	sadd.s32 $0x8F2B, s0  }
0xbf: {  	[sflag:s0] =	ssyncadd.remote.s32 $0x1  }
0xc0: {  	_ =	sfence.sel $0xFFFF  }
0xc1: {  	[dreg:$0x0] =	wrdreg $0xFFFFFFFF;
	(pc) =	sbr.abs _section_cstart, $3  }
0xc2: {  	[dreg:$0x1] =	wrdreg $0xFFFFFFFF  }
0xc3: {  	_ =	task.clear_ibuf [dreg:s8], $0x2FFFF;
	_ =	strace $0x9FFFFFFF  }
0xc4: {  	(tm) =	ssettm $0x7FFFFFFF  }
0xc5: {  	_ =	shalt  }
tec
execute0_lowered:
.L_overlay_start_1:
0x0: {  	(tag) =	ssettag $0x1  }
0x1: {  	s5 =	rddreg [dreg:$0x0]  }
0x2: {  	s0 =	rddreg [dreg:$0x1]  }
0x3: {  	s1 =	srdreg.scid;
	s22 =	stileid.u32;
	s15 =	simm.s32 $0x0  }
0x4: {  	s1 =	sand.u32 $0x1, s1;
	s4 =	sshll.u32 s22, $0x1;
	[smem:$0x7FF] =	sst s15  }
0x5: {  	s3 =	rddreg [dreg:$0x2];
	s4 =	sor.u32 s1, s4;
	_ =	strace $0x80000047  }
0x6: {  	s1 =	ssub.s32 $0x2, s1;
	s6 =	sshll.u32 s4, $0x8;
	s7 =	sshll.u32 s4, $0x4  }
0x7: {  	s8 =	sshll.u32 s4, $0xE;
	s26 =	sshrl.u32 s1, $0x1;
	s4 =	sshll.u32 s4, $0xA  }
0x8: {  	s6 =	sadd.s32 s6, s0;
	s7 =	sadd.s32 s7, s0;
	s4 =	sadd.s32 s3, s4  }
0x9: {  	s0 =	sadd.s32 s8, s0;
	s8 =	simm.s32 $0x180;
	[dreg:$0x16] =	wrdreg s4  }
0xa: {  	s1 =	ssub.s32 s1, s26;
	s26 =	simm.s32 $0x780;
	[dreg:$0x19] =	wrdreg s8  }
0xb: {  	s6 =	sadd.s32 $0x3600, s6;
	[smem:$0x7FD] =	sst s26  }
0xc: {  	s9 =	sadd.s32 $0x5600, s7;
	[dreg:$0x4] =	wrdreg s6  }
0xd: {  	s10 =	sadd.s32 $0x5800, s0;
	[dreg:$0x5] =	wrdreg s9  }
0xe: {  	s11 =	sadd.s32 $0x5880, s0;
	[dreg:$0x6] =	wrdreg s10  }
0xf: {  	s12 =	sadd.s32 $0x5900, s0;
	[dreg:$0x7] =	wrdreg s11  }
0x10: {  	s13 =	sadd.s32 $0x5980, s0;
	[dreg:$0x8] =	wrdreg s12  }
0x11: {  	s14 =	sadd.s32 $0x5A00, s0;
	[dreg:$0x9] =	wrdreg s13  }
0x12: {  	s16 =	sadd.s32 $0x5A80, s0;
	[dreg:$0xa] =	wrdreg s14  }
0x13: {  	s17 =	sadd.s32 $0x5B00, s0;
	[dreg:$0xb] =	wrdreg s16  }
0x14: {  	s18 =	sadd.s32 $0x5B80, s0;
	[dreg:$0xc] =	wrdreg s17  }
0x15: {  	s19 =	sadd.s32 $0x5C00, s0;
	[dreg:$0xd] =	wrdreg s18  }
0x16: {  	s20 =	sadd.s32 $0x5C80, s0;
	[dreg:$0xe] =	wrdreg s19  }
0x17: {  	s21 =	sadd.s32 $0x5D00, s0;
	[dreg:$0xf] =	wrdreg s20  }
0x18: {  	s28 =	simm.s32 $0x2;
	s23 =	sadd.s32 $0x5D80, s0;
	[dreg:$0x10] =	wrdreg s21  }
0x19: {  	p0 =	por $0x0, $0x0;
	s24 =	sadd.s32 $0x5E00, s0;
	[dreg:$0x11] =	wrdreg s23  }
0x1a: {  	s29 =	simm.s32 $0x3;
	s25 =	sadd.s32 $0x5E80, s0;
	[dreg:$0x12] =	wrdreg s24  }
0x1b: {  	s30 =	simm.s32 $0x5;
	s2 =	sadd.s32 $0x5F00, s0;
	[dreg:$0x13] =	wrdreg s25  }
0x1c: {  	s3 =	simm.s32 $0x1A;
	s0 =	sadd.s32 $0x5F80, s0;
	[dreg:$0x14] =	wrdreg s2  }
0x1d: {  	s7 =	simm.s32 $0x100;
	s26 =	simm.s32 $0x6;
	[dreg:$0x15] =	wrdreg s0  }
0x1e: {  	s2 =	smax.u32 s1, $0x1;
	s6 =	simm.s32 $0x80;
	[dreg:$0x18] =	wrdreg s7  }
0x1f: {  	s1 =	simm.s32 $0x40;
	s9 =	simm.s32 $0x200;
	[dreg:$0x17] =	wrdreg s6  }
0x20: {  	s20 =	simm.s32 $0x880;
	s10 =	simm.s32 $0x280;
	[dreg:$0x1a] =	wrdreg s9  }
0x21: {  	s0 =	simm.s32 $0x2880;
	s14 =	simm.s32 $0x300;
	[dreg:$0x1b] =	wrdreg s10  }
0x22: {  	s13 =	simm.s32 $0x4880;
	s16 =	simm.s32 $0x380;
	[dreg:$0x1c] =	wrdreg s14  }
0x23: {  	s12 =	simm.s32 $0x6880;
	s17 =	simm.s32 $0x480;
	[dreg:$0x1d] =	wrdreg s16  }
0x24: {  	s11 =	simm.s32 $0x8880;
	s18 =	simm.s32 $0x500;
	[dreg:$0x1e] =	wrdreg s17  }
0x25: {  	s19 =	simm.s32 $0x580;
	s21 =	simm.s32 $0x600;
	[dreg:$0x1f] =	wrdreg s18  }
0x26: {  	s23 =	simm.s32 $0x680;
	[smem:$0x7F9] =	sst s19;
	p1 =	sne.s32 s2, $0x1  }
.Ltmp0:
0x27: {  	s24 =	simm.s32 $0x700;
	[smem:$0x7FA] =	sst s21;
	(pc) =	sbr.rel @!p1 .LBB2_5-.Ltmp0, $4  }
0x28: {  	s25 =	simm.s32 $0x1;
	s7 =	simm.s32 $0x10;
	[smem:$0x7FB] =	sst s23  }
0x29: {  	s14 =	simm.s32 $0x400;
	[smem:$0x7FC] =	sst s24;
	s17 =	simm.s32 $0x4000  }
0x2a: {  	s6 =	simm.s32 $0xD;
	s31 =	sadd.s32 $0xFFFFFFFF, s2;
	s10 =	simm.s32 $0xE  }
0x2b: {  	s9 =	simm.s32 $0xF;
	s24 =	simm.s32 $0x4;
	s21 =	rddreg [dreg:$0x4]  }
0x2c: {  	[tilespmem:s15], [sflag:$0x1A] =	stream.linear.gather [hbm4b:s21+s15], $0x800, $0x38;
	[tilespmem:$0x1A880] =	vst v63  }
0x2d: {  	_ =	swait.ge [sflag:s3], $0x800  }
0x2e: {  	[sflag:s3] =	ssyncset.done $0x0  }
0x2f: {  	s22 =	simm.s32 $0x800;
	s16 =	rddreg [dreg:$0x5];
	[sflag:s3] =	ssyncadd.s32 $0xFFFFF800  }
0x30: {  	[tilespmem:s22], [sflag:$0x1A] =	stream.linear.gather [hbm4b:s16+s15], $0x80, $0x38;
	[tilespmem:$0x1A880] =	vst v63  }
0x31: {  	_ =	swait.ge [sflag:s3], $0x80  }
0x32: {  	[sflag:s3] =	ssyncset.done $0x0  }
0x33: {  	[sflag:s3] =	ssyncadd.s32 $0xFFFFFF80  }
0x34: {  	[tilespmem:s20], [sflag:$0x19] =	stream.indirect.gather [hbm4b:s5+s1], $0x80, s22, s1, $0xb8;
	[tilespmem:$0x1A880] =	vst v63  }
0x35: {  	_ = 	snop  }
0x36: {  	[tilespmem:s0], [sflag:$0x1] =	stream.indirect.gather [hbm4b:s5+s1], $0x80, s15, s1, $0xb8;
	[tilespmem:$0x1A880] =	vst v63  }
0x37: {  	s18 =	rddreg [dreg:$0x17]  }
0x38: {  	[tilespmem:s13], [sflag:$0x2] =	stream.indirect.gather [hbm4b:s5+s1], $0x80, s18, s1, $0xb8;
	[tilespmem:$0x1A880] =	vst v63  }
0x39: {  	s19 =	rddreg [dreg:$0x18]  }
0x3a: {  	[tilespmem:s12], [sflag:$0x3] =	stream.indirect.gather [hbm4b:s5+s1], $0x80, s19, s1, $0xb8;
	[tilespmem:$0x1A880] =	vst v63  }
0x3b: {  	s22 =	rddreg [dreg:$0x19]  }
0x3c: {  	[tilespmem:s11], [sflag:$0x4] =	stream.indirect.gather [hbm4b:s5+s1], $0x80, s22, s1, $0xb8;
	[tilespmem:$0x1A880] =	vst v63  }
0x3d: {  	s23 =	rddreg [dreg:$0x1a];
	s22 =	simm.s32 $0xA880  }
0x3e: {  	[tilespmem:s22], [sflag:$0x5] =	stream.indirect.gather [hbm4b:s5+s1], $0x80, s23, s1, $0xb8;
	[tilespmem:$0x1A880] =	vst v63  }
0x3f: {  	s2 =	rddreg [dreg:$0x1b];
	s23 =	simm.s32 $0xC880  }
0x40: {  	[tilespmem:s23], [sflag:$0x6] =	stream.indirect.gather [hbm4b:s5+s1], $0x80, s2, s1, $0xb8;
	[tilespmem:$0x1A880] =	vst v63  }
0x41: {  	s4 =	rddreg [dreg:$0x1c];
	s18 =	simm.s32 $0xE880  }
0x42: {  	[tilespmem:s18], [sflag:$0x7] =	stream.indirect.gather [hbm4b:s5+s1], $0x80, s4, s1, $0xb8;
	[tilespmem:$0x1A880] =	vst v63  }
0x43: {  	s8 =	rddreg [dreg:$0x1d];
	s2 =	simm.s32 $0x10880  }
0x44: {  	[tilespmem:s2], [sflag:$0x8] =	stream.indirect.gather [hbm4b:s5+s1], $0x80, s8, s1, $0xb8;
	[tilespmem:$0x1A880] =	vst v63  }
0x45: {  	s16 =	rddreg [dreg:$0x1f];
	s19 =	simm.s32 $0x12880  }
0x46: {  	[tilespmem:s19], [sflag:$0x9] =	stream.indirect.gather [hbm4b:s5+s1], $0x80, s14, s1, $0xb8;
	[tilespmem:$0x1A880] =	vst v63  }
0x47: {  	s15 =	rddreg [dreg:$0x1e];
	s8 =	simm.s32 $0x14880  }
0x48: {  	[tilespmem:s8], [sflag:$0xA] =	stream.indirect.gather [hbm4b:s5+s1], $0x80, s15, s1, $0xb8;
	[tilespmem:$0x1A880] =	vst v63  }
0x49: {  	s20 =	sld [smem:$0x7F9];
	s4 =	simm.s32 $0x16880  }
0x4a: {  	[tilespmem:s4], [sflag:$0xB] =	stream.indirect.gather [hbm4b:s5+s1], $0x80, s16, s1, $0xb8;
	[tilespmem:$0x1A880] =	vst v63  }
0x4b: {  	s15 =	simm.s32 $0x18880  }
0x4c: {  	[tilespmem:s15], [sflag:$0xC] =	stream.indirect.gather [hbm4b:s5+s1], $0x80, s20, s1, $0xb8;
	[tilespmem:$0x1A880] =	vst v63  }
0x4d: {  	_ =	swait.ge [sflag:s25], $0x2000  }
0x4e: {  	[sflag:s25] =	ssyncset.done $0x0  }
0x4f: {  	s21 =	rddreg [dreg:$0x6];
	[sflag:s25] =	ssyncadd.s32 $0xFFFFE000  }
0x50: {  	[hbm4b:s21+s14] =	stream.strided.scatter [tilespmem:s0], [sflag:$0xD], $0x2000, s17, s14, $0x38;
	[tilespmem:$0x1A880] =	vst v63  }
0x51: {  	_ =	swait.ge [sflag:s6], $0x2000  }
0x52: {  	s21 =	sld [smem:$0x7FA]  }
0x53: {  	[sflag:s6] =	ssyncset.done $0x0  }
0x54: {  	[sflag:s6] =	ssyncadd.s32 $0xFFFFE000  }
0x55: {  	[tilespmem:s0], [sflag:$0x1] =	stream.indirect.gather [hbm4b:s5+s1], $0x80, s21, s1, $0xb8;
	[tilespmem:$0x1A880] =	vst v63  }
0x56: {  	_ =	swait.ge [sflag:s28], $0x2000  }
0x57: {  	[sflag:s28] =	ssyncset.done $0x0  }
0x58: {  	s21 =	rddreg [dreg:$0x7];
	[sflag:s28] =	ssyncadd.s32 $0xFFFFE000  }
0x59: {  	[hbm4b:s21+s14] =	stream.strided.scatter [tilespmem:s13], [sflag:$0xE], $0x2000, s17, s14, $0x38;
	[tilespmem:$0x1A880] =	vst v63  }
0x5a: {  	_ =	swait.ge [sflag:s10], $0x2000  }
0x5b: {  	s21 =	sld [smem:$0x7FB]  }
0x5c: {  	[sflag:s10] =	ssyncset.done $0x0  }
0x5d: {  	[sflag:s10] =	ssyncadd.s32 $0xFFFFE000  }
0x5e: {  	[tilespmem:s13], [sflag:$0x2] =	stream.indirect.gather [hbm4b:s5+s1], $0x80, s21, s1, $0xb8;
	[tilespmem:$0x1A880] =	vst v63  }
0x5f: {  	_ =	swait.ge [sflag:s29], $0x2000  }
0x60: {  	[sflag:s29] =	ssyncset.done $0x0  }
0x61: {  	s21 =	rddreg [dreg:$0x8];
	[sflag:s29] =	ssyncadd.s32 $0xFFFFE000  }
0x62: {  	[hbm4b:s21+s14] =	stream.strided.scatter [tilespmem:s12], [sflag:$0xF], $0x2000, s17, s14, $0x38;
	[tilespmem:$0x1A880] =	vst v63  }
0x63: {  	_ =	swait.ge [sflag:s9], $0x2000  }
0x64: {  	s21 =	sld [smem:$0x7FC]  }
0x65: {  	[sflag:s9] =	ssyncset.done $0x0  }
0x66: {  	[sflag:s9] =	ssyncadd.s32 $0xFFFFE000  }
0x67: {  	[tilespmem:s12], [sflag:$0x3] =	stream.indirect.gather [hbm4b:s5+s1], $0x80, s21, s1, $0xb8;
	[tilespmem:$0x1A880] =	vst v63  }
0x68: {  	_ =	swait.ge [sflag:s24], $0x2000  }
0x69: {  	[sflag:s24] =	ssyncset.done $0x0  }
0x6a: {  	s21 =	rddreg [dreg:$0x9];
	[sflag:s24] =	ssyncadd.s32 $0xFFFFE000  }
0x6b: {  	[hbm4b:s21+s14] =	stream.strided.scatter [tilespmem:s11], [sflag:$0x10], $0x2000, s17, s14, $0x38;
	[tilespmem:$0x1A880] =	vst v63  }
0x6c: {  	_ =	swait.ge [sflag:s7], $0x2000  }
0x6d: {  	s21 =	sld [smem:$0x7FD]  }
0x6e: {  	[sflag:s7] =	ssyncset.done $0x0  }
0x6f: {  	[sflag:s7] =	ssyncadd.s32 $0xFFFFE000  }
0x70: {  	[tilespmem:s11], [sflag:$0x4] =	stream.indirect.gather [hbm4b:s5+s1], $0x80, s21, s1, $0xb8;
	[tilespmem:$0x1A880] =	vst v63  }
0x71: {  	_ =	swait.ge [sflag:s30], $0x2000  }
0x72: {  	[sflag:s30] =	ssyncset.done $0x0  }
0x73: {  	s21 =	rddreg [dreg:$0xa];
	[sflag:s30] =	ssyncadd.s32 $0xFFFFE000  }
0x74: {  	[hbm4b:s21+s14] =	stream.strided.scatter [tilespmem:s22], [sflag:$0x11], $0x2000, s17, s14, $0x38;
	[tilespmem:$0x1A880] =	vst v63  }
0x75: {  	_ =	swait.ge [sflag:s26], $0x2000  }
0x76: {  	[sflag:s26] =	ssyncset.done $0x0  }
0x77: {  	s22 =	simm.s32 $0x7;
	s21 =	rddreg [dreg:$0xb];
	[sflag:s26] =	ssyncadd.s32 $0xFFFFE000  }
0x78: {  	[hbm4b:s21+s14] =	stream.strided.scatter [tilespmem:s23], [sflag:$0x12], $0x2000, s17, s14, $0x38;
	[tilespmem:$0x1A880] =	vst v63  }
0x79: {  	_ =	swait.ge [sflag:s22], $0x2000  }
0x7a: {  	[sflag:s22] =	ssyncset.done $0x0  }
0x7b: {  	s21 =	simm.s32 $0x8;
	s23 =	rddreg [dreg:$0xc];
	[sflag:s22] =	ssyncadd.s32 $0xFFFFE000  }
0x7c: {  	[hbm4b:s23+s14] =	stream.strided.scatter [tilespmem:s18], [sflag:$0x13], $0x2000, s17, s14, $0x38;
	[tilespmem:$0x1A880] =	vst v63  }
0x7d: {  	_ =	swait.ge [sflag:s21], $0x2000  }
0x7e: {  	[sflag:s21] =	ssyncset.done $0x0  }
0x7f: {  	s23 =	simm.s32 $0x9;
	s22 =	rddreg [dreg:$0xd];
	[sflag:s21] =	ssyncadd.s32 $0xFFFFE000  }
0x80: {  	[hbm4b:s22+s14] =	stream.strided.scatter [tilespmem:s2], [sflag:$0x14], $0x2000, s17, s14, $0x38;
	[tilespmem:$0x1A880] =	vst v63  }
0x81: {  	_ =	swait.ge [sflag:s23], $0x2000  }
0x82: {  	[sflag:s23] =	ssyncset.done $0x0  }
0x83: {  	s20 =	simm.s32 $0xA;
	s18 =	rddreg [dreg:$0xe];
	[sflag:s23] =	ssyncadd.s32 $0xFFFFE000  }
0x84: {  	[hbm4b:s18+s14] =	stream.strided.scatter [tilespmem:s19], [sflag:$0x15], $0x2000, s17, s14, $0x38;
	[tilespmem:$0x1A880] =	vst v63  }
0x85: {  	_ =	swait.ge [sflag:s20], $0x2000  }
0x86: {  	[sflag:s20] =	ssyncset.done $0x0  }
0x87: {  	s22 =	simm.s32 $0xB;
	s21 =	rddreg [dreg:$0xf];
	[sflag:s20] =	ssyncadd.s32 $0xFFFFE000  }
0x88: {  	[hbm4b:s21+s14] =	stream.strided.scatter [tilespmem:s8], [sflag:$0x16], $0x2000, s17, s14, $0x38;
	[tilespmem:$0x1A880] =	vst v63  }
0x89: {  	_ =	swait.ge [sflag:s22], $0x2000  }
0x8a: {  	[sflag:s22] =	ssyncset.done $0x0  }
0x8b: {  	s23 =	rddreg [dreg:$0x10];
	[sflag:s22] =	ssyncadd.s32 $0xFFFFE000  }
0x8c: {  	[hbm4b:s23+s14] =	stream.strided.scatter [tilespmem:s4], [sflag:$0x17], $0x2000, s17, s14, $0x38;
	[tilespmem:$0x1A880] =	vst v63  }
0x8d: {  	s4 =	simm.s32 $0xC  }
0x8e: {  	_ =	swait.ge [sflag:s4], $0x2000  }
0x8f: {  	[sflag:s4] =	ssyncset.done $0x0  }
0x90: {  	s8 =	rddreg [dreg:$0x11];
	[sflag:s4] =	ssyncadd.s32 $0xFFFFE000  }
0x91: {  	[hbm4b:s8+s14] =	stream.strided.scatter [tilespmem:s15], [sflag:$0x18], $0x2000, s17, s14, $0x38;
	[tilespmem:$0x1A880] =	vst v63  }
0x92: {  	_ =	swait.ge [sflag:s25], $0x2000  }
0x93: {  	[sflag:s25] =	ssyncset.done $0x0  }
0x94: {  	s18 =	rddreg [dreg:$0x12];
	[sflag:s25] =	ssyncadd.s32 $0xFFFFE000  }
0x95: {  	[hbm4b:s18+s14] =	stream.strided.scatter [tilespmem:s0], [sflag:$0xD], $0x2000, s17, s14, $0x38;
	[tilespmem:$0x1A880] =	vst v63  }
0x96: {  	_ =	swait.ge [sflag:s28], $0x2000  }
0x97: {  	[sflag:s28] =	ssyncset.done $0x0  }
0x98: {  	s19 =	rddreg [dreg:$0x13];
	[sflag:s28] =	ssyncadd.s32 $0xFFFFE000  }
0x99: {  	[hbm4b:s19+s14] =	stream.strided.scatter [tilespmem:s13], [sflag:$0xE], $0x2000, s17, s14, $0x38;
	[tilespmem:$0x1A880] =	vst v63  }
0x9a: {  	_ =	swait.ge [sflag:s29], $0x2000  }
0x9b: {  	[sflag:s29] =	ssyncset.done $0x0  }
0x9c: {  	s21 =	rddreg [dreg:$0x14];
	[sflag:s29] =	ssyncadd.s32 $0xFFFFE000  }
0x9d: {  	[hbm4b:s21+s14] =	stream.strided.scatter [tilespmem:s12], [sflag:$0xF], $0x2000, s17, s14, $0x38;
	[tilespmem:$0x1A880] =	vst v63  }
0x9e: {  	_ =	swait.ge [sflag:s24], $0x2000  }
0x9f: {  	[sflag:s24] =	ssyncset.done $0x0  }
0xa0: {  	s23 =	simm.s32 $0x19;
	s22 =	rddreg [dreg:$0x15];
	[sflag:s24] =	ssyncadd.s32 $0xFFFFE000  }
0xa1: {  	[hbm4b:s22+s14] =	stream.strided.scatter [tilespmem:s11], [sflag:$0x10], $0x2000, s17, s14, $0x38;
	[tilespmem:$0x1A880] =	vst v63  }
0xa2: {  	_ =	swait.ge [sflag:s23], $0x2000  }
0xa3: {  	s16 =	simm.s32 $0x0;
	[sflag:s23] =	ssyncset.done $0x0  }
0xa4: {  	s8 =	simm.s32 $0x880;
	s4 =	rddreg [dreg:$0x16];
	[sflag:s23] =	ssyncadd.s32 $0xFFFFE000  }
0xa5: {  	[hbm4b:s4+s16] =	stream.linear.scatter [tilespmem:s8], [sflag:$0x1A], $0x2000, $0x38;
	[tilespmem:$0x1A880] =	vst v63  }
0xa6: {  	_ =	swait.ge [sflag:s3], $0x2000  }
0xa7: {  	[sflag:s3] =	ssyncset.done $0x0  }
0xa8: {  	s15 =	simm.s32 $0x11;
	[sflag:s3] =	ssyncadd.s32 $0xFFFFE000  }
0xa9: {  	_ =	swait.ge [sflag:s15], $0x2000  }
0xaa: {  	[sflag:s15] =	ssyncset.done $0x0  }
0xab: {  	s16 =	simm.s32 $0x12;
	[sflag:s15] =	ssyncadd.s32 $0xFFFFE000  }
0xac: {  	_ =	swait.ge [sflag:s16], $0x2000  }
0xad: {  	[sflag:s16] =	ssyncset.done $0x0  }
0xae: {  	s18 =	simm.s32 $0x13;
	[sflag:s16] =	ssyncadd.s32 $0xFFFFE000  }
0xaf: {  	_ =	swait.ge [sflag:s18], $0x2000  }
0xb0: {  	[sflag:s18] =	ssyncset.done $0x0  }
0xb1: {  	s19 =	simm.s32 $0x14;
	[sflag:s18] =	ssyncadd.s32 $0xFFFFE000  }
0xb2: {  	_ =	swait.ge [sflag:s19], $0x2000  }
0xb3: {  	[sflag:s19] =	ssyncset.done $0x0  }
0xb4: {  	s20 =	simm.s32 $0x15;
	[sflag:s19] =	ssyncadd.s32 $0xFFFFE000  }
0xb5: {  	_ =	swait.ge [sflag:s20], $0x2000  }
0xb6: {  	[sflag:s20] =	ssyncset.done $0x0  }
0xb7: {  	s21 =	simm.s32 $0x16;
	[sflag:s20] =	ssyncadd.s32 $0xFFFFE000  }
0xb8: {  	_ =	swait.ge [sflag:s21], $0x2000  }
0xb9: {  	[sflag:s21] =	ssyncset.done $0x0  }
0xba: {  	s22 =	simm.s32 $0x17;
	[sflag:s21] =	ssyncadd.s32 $0xFFFFE000  }
0xbb: {  	_ =	swait.ge [sflag:s22], $0x2000  }
0xbc: {  	[sflag:s22] =	ssyncset.done $0x0  }
0xbd: {  	s23 =	simm.s32 $0x18;
	[sflag:s22] =	ssyncadd.s32 $0xFFFFE000  }
0xbe: {  	_ =	swait.ge [sflag:s23], $0x2000  }
0xbf: {  	[sflag:s23] =	ssyncset.done $0x0  }
0xc0: {  	[sflag:s23] =	ssyncadd.s32 $0xFFFFE000  }
0xc1: {  	_ =	swait.ge [sflag:s6], $0x2000  }
0xc2: {  	[sflag:s6] =	ssyncset.done $0x0  }
0xc3: {  	[sflag:s6] =	ssyncadd.s32 $0xFFFFE000  }
0xc4: {  	_ =	swait.ge [sflag:s10], $0x2000  }
0xc5: {  	[sflag:s10] =	ssyncset.done $0x0  }
0xc6: {  	p1 =	sne.s32 s31, $0x1;
	[sflag:s10] =	ssyncadd.s32 $0xFFFFE000  }
.Ltmp1:
0xc7: {  	_ =	swait.ge [sflag:s9], $0x2000;
	(pc) =	sbr.rel @!p1 .LBB2_6-.Ltmp1, $4  }
0xc8: {  	[sflag:s9] =	ssyncset.done $0x0  }
0xc9: {  	[sflag:s9] =	ssyncadd.s32 $0xFFFFE000  }
0xca: {  	p0 =	por $0x1, $0x1;
	s20 =	sadd.s32 $0xFFFFFFFF, s31;
	_ =	swait.ge [sflag:s7], $0x2000  }
0xcb: {  	s22 =	simm.s32 $0x0;
	s21 =	rddreg [dreg:$0x4];
	[sflag:s7] =	ssyncset.done $0x0  }
0xcc: {  	s16 =	simm.s32 $0x880;
	s19 =	simm.s32 $0x12880  }
0xcd: {  	s8 =	simm.s32 $0x14880;
	s4 =	simm.s32 $0x16880;
	s15 =	simm.s32 $0x18880  }
.LBB2_3:
0xce: {  	[sflag:s7] =	ssyncadd.s32 $0xFFFFE000  }
0xcf: {  	[tilespmem:s22], [sflag:$0x1A] =	stream.linear.gather [hbm4b:s21+s22], $0x800, $0x38;
	[tilespmem:$0x1A880] =	vst v63  }
0xd0: {  	_ =	swait.ge [sflag:s3], $0x800  }
0xd1: {  	[sflag:s3] =	ssyncset.done $0x0  }
0xd2: {  	s31 =	simm.s32 $0x800;
	s2 =	rddreg [dreg:$0x5];
	[sflag:s3] =	ssyncadd.s32 $0xFFFFF800  }
0xd3: {  	[tilespmem:s31], [sflag:$0x1A] =	stream.linear.gather [hbm4b:s2+s22], $0x80, $0x38;
	[tilespmem:$0x1A880] =	vst v63  }
0xd4: {  	_ =	swait.ge [sflag:s3], $0x80  }
0xd5: {  	[sflag:s3] =	ssyncset.done $0x0  }
0xd6: {  	[sflag:s3] =	ssyncadd.s32 $0xFFFFFF80  }
0xd7: {  	[tilespmem:s16], [sflag:$0x19] =	stream.indirect.gather [hbm4b:s5+s1], $0x80, s31, s1, $0xb8;
	[tilespmem:$0x1A880] =	vst v63  }
0xd8: {  	_ = 	snop  }
0xd9: {  	[tilespmem:s0], [sflag:$0x1] =	stream.indirect.gather [hbm4b:s5+s1], $0x80, s22, s1, $0xb8;
	[tilespmem:$0x1A880] =	vst v63  }
0xda: {  	s18 =	rddreg [dreg:$0x17]  }
0xdb: {  	[tilespmem:s13], [sflag:$0x2] =	stream.indirect.gather [hbm4b:s5+s1], $0x80, s18, s1, $0xb8;
	[tilespmem:$0x1A880] =	vst v63  }
0xdc: {  	s23 =	rddreg [dreg:$0x18]  }
0xdd: {  	[tilespmem:s12], [sflag:$0x3] =	stream.indirect.gather [hbm4b:s5+s1], $0x80, s23, s1, $0xb8;
	[tilespmem:$0x1A880] =	vst v63  }
0xde: {  	s31 =	rddreg [dreg:$0x19]  }
0xdf: {  	[tilespmem:s11], [sflag:$0x4] =	stream.indirect.gather [hbm4b:s5+s1], $0x80, s31, s1, $0xb8;
	[tilespmem:$0x1A880] =	vst v63  }
0xe0: {  	s2 =	rddreg [dreg:$0x1a];
	s31 =	simm.s32 $0xA880  }
0xe1: {  	[tilespmem:s31], [sflag:$0x5] =	stream.indirect.gather [hbm4b:s5+s1], $0x80, s2, s1, $0xb8;
	[tilespmem:$0x1A880] =	vst v63  }
0xe2: {  	s18 =	rddreg [dreg:$0x1b];
	s23 =	simm.s32 $0xC880  }
0xe3: {  	[tilespmem:s23], [sflag:$0x6] =	stream.indirect.gather [hbm4b:s5+s1], $0x80, s18, s1, $0xb8;
	[tilespmem:$0x1A880] =	vst v63  }
0xe4: {  	s2 =	rddreg [dreg:$0x1c];
	s18 =	simm.s32 $0xE880  }
0xe5: {  	[tilespmem:s18], [sflag:$0x7] =	stream.indirect.gather [hbm4b:s5+s1], $0x80, s2, s1, $0xb8;
	[tilespmem:$0x1A880] =	vst v63  }
0xe6: {  	s21 =	rddreg [dreg:$0x1d];
	s2 =	simm.s32 $0x10880  }
0xe7: {  	[tilespmem:s2], [sflag:$0x8] =	stream.indirect.gather [hbm4b:s5+s1], $0x80, s21, s1, $0xb8;
	[tilespmem:$0x1A880] =	vst v63  }
0xe8: {  	s22 =	rddreg [dreg:$0x1f]  }
0xe9: {  	[tilespmem:s19], [sflag:$0x9] =	stream.indirect.gather [hbm4b:s5+s1], $0x80, s14, s1, $0xb8;
	[tilespmem:$0x1A880] =	vst v63  }
0xea: {  	s21 =	rddreg [dreg:$0x1e]  }
0xeb: {  	[tilespmem:s8], [sflag:$0xA] =	stream.indirect.gather [hbm4b:s5+s1], $0x80, s21, s1, $0xb8;
	[tilespmem:$0x1A880] =	vst v63  }
0xec: {  	s21 =	sld [smem:$0x7F9]  }
0xed: {  	[tilespmem:s4], [sflag:$0xB] =	stream.indirect.gather [hbm4b:s5+s1], $0x80, s22, s1, $0xb8;
	[tilespmem:$0x1A880] =	vst v63  }
0xee: {  	_ = 	snop  }
0xef: {  	[tilespmem:s15], [sflag:$0xC] =	stream.indirect.gather [hbm4b:s5+s1], $0x80, s21, s1, $0xb8;
	[tilespmem:$0x1A880] =	vst v63  }
0xf0: {  	_ =	swait.ge [sflag:s25], $0x2000  }
0xf1: {  	[sflag:s25] =	ssyncset.done $0x0  }
0xf2: {  	s21 =	rddreg [dreg:$0x6];
	[sflag:s25] =	ssyncadd.s32 $0xFFFFE000  }
0xf3: {  	[hbm4b:s21+s14] =	stream.strided.scatter [tilespmem:s0], [sflag:$0xD], $0x2000, s17, s14, $0x38;
	[tilespmem:$0x1A880] =	vst v63  }
0xf4: {  	_ =	swait.ge [sflag:s6], $0x2000  }
0xf5: {  	s21 =	sld [smem:$0x7FA]  }
0xf6: {  	[sflag:s6] =	ssyncset.done $0x0  }
0xf7: {  	[sflag:s6] =	ssyncadd.s32 $0xFFFFE000  }
0xf8: {  	[tilespmem:s0], [sflag:$0x1] =	stream.indirect.gather [hbm4b:s5+s1], $0x80, s21, s1, $0xb8;
	[tilespmem:$0x1A880] =	vst v63  }
0xf9: {  	_ =	swait.ge [sflag:s28], $0x2000  }
0xfa: {  	[sflag:s28] =	ssyncset.done $0x0  }
0xfb: {  	s21 =	rddreg [dreg:$0x7];
	[sflag:s28] =	ssyncadd.s32 $0xFFFFE000  }
0xfc: {  	[hbm4b:s21+s14] =	stream.strided.scatter [tilespmem:s13], [sflag:$0xE], $0x2000, s17, s14, $0x38;
	[tilespmem:$0x1A880] =	vst v63  }
0xfd: {  	_ =	swait.ge [sflag:s10], $0x2000  }
0xfe: {  	s21 =	sld [smem:$0x7FB]  }
0xff: {  	[sflag:s10] =	ssyncset.done $0x0  }
0x100: {  	[sflag:s10] =	ssyncadd.s32 $0xFFFFE000  }
0x101: {  	[tilespmem:s13], [sflag:$0x2] =	stream.indirect.gather [hbm4b:s5+s1], $0x80, s21, s1, $0xb8;
	[tilespmem:$0x1A880] =	vst v63  }
0x102: {  	_ =	swait.ge [sflag:s29], $0x2000  }
0x103: {  	[sflag:s29] =	ssyncset.done $0x0  }
0x104: {  	s21 =	rddreg [dreg:$0x8];
	[sflag:s29] =	ssyncadd.s32 $0xFFFFE000  }
0x105: {  	[hbm4b:s21+s14] =	stream.strided.scatter [tilespmem:s12], [sflag:$0xF], $0x2000, s17, s14, $0x38;
	[tilespmem:$0x1A880] =	vst v63  }
0x106: {  	_ =	swait.ge [sflag:s9], $0x2000  }
0x107: {  	s21 =	sld [smem:$0x7FC]  }
0x108: {  	[sflag:s9] =	ssyncset.done $0x0  }
0x109: {  	[sflag:s9] =	ssyncadd.s32 $0xFFFFE000  }
0x10a: {  	[tilespmem:s12], [sflag:$0x3] =	stream.indirect.gather [hbm4b:s5+s1], $0x80, s21, s1, $0xb8;
	[tilespmem:$0x1A880] =	vst v63  }
0x10b: {  	_ =	swait.ge [sflag:s24], $0x2000  }
0x10c: {  	[sflag:s24] =	ssyncset.done $0x0  }
0x10d: {  	s21 =	rddreg [dreg:$0x9];
	[sflag:s24] =	ssyncadd.s32 $0xFFFFE000  }
0x10e: {  	[hbm4b:s21+s14] =	stream.strided.scatter [tilespmem:s11], [sflag:$0x10], $0x2000, s17, s14, $0x38;
	[tilespmem:$0x1A880] =	vst v63  }
0x10f: {  	_ =	swait.ge [sflag:s7], $0x2000  }
0x110: {  	s21 =	sld [smem:$0x7FD]  }
0x111: {  	[sflag:s7] =	ssyncset.done $0x0  }
0x112: {  	[sflag:s7] =	ssyncadd.s32 $0xFFFFE000  }
0x113: {  	[tilespmem:s11], [sflag:$0x4] =	stream.indirect.gather [hbm4b:s5+s1], $0x80, s21, s1, $0xb8;
	[tilespmem:$0x1A880] =	vst v63  }
0x114: {  	_ =	swait.ge [sflag:s30], $0x2000  }
0x115: {  	[sflag:s30] =	ssyncset.done $0x0  }
0x116: {  	s21 =	rddreg [dreg:$0xa];
	[sflag:s30] =	ssyncadd.s32 $0xFFFFE000  }
0x117: {  	[hbm4b:s21+s14] =	stream.strided.scatter [tilespmem:s31], [sflag:$0x11], $0x2000, s17, s14, $0x38;
	[tilespmem:$0x1A880] =	vst v63  }
0x118: {  	_ =	swait.ge [sflag:s26], $0x2000  }
0x119: {  	[sflag:s26] =	ssyncset.done $0x0  }
0x11a: {  	s21 =	simm.s32 $0x7;
	s31 =	rddreg [dreg:$0xb];
	[sflag:s26] =	ssyncadd.s32 $0xFFFFE000  }
0x11b: {  	[hbm4b:s31+s14] =	stream.strided.scatter [tilespmem:s23], [sflag:$0x12], $0x2000, s17, s14, $0x38;
	[tilespmem:$0x1A880] =	vst v63  }
0x11c: {  	_ =	swait.ge [sflag:s21], $0x2000  }
0x11d: {  	[sflag:s21] =	ssyncset.done $0x0  }
0x11e: {  	s23 =	simm.s32 $0x8;
	s31 =	rddreg [dreg:$0xc];
	[sflag:s21] =	ssyncadd.s32 $0xFFFFE000  }
0x11f: {  	[hbm4b:s31+s14] =	stream.strided.scatter [tilespmem:s18], [sflag:$0x13], $0x2000, s17, s14, $0x38;
	[tilespmem:$0x1A880] =	vst v63  }
0x120: {  	_ =	swait.ge [sflag:s23], $0x2000  }
0x121: {  	[sflag:s23] =	ssyncset.done $0x0  }
0x122: {  	s21 =	simm.s32 $0x9;
	s31 =	rddreg [dreg:$0xd];
	[sflag:s23] =	ssyncadd.s32 $0xFFFFE000  }
0x123: {  	[hbm4b:s31+s14] =	stream.strided.scatter [tilespmem:s2], [sflag:$0x14], $0x2000, s17, s14, $0x38;
	[tilespmem:$0x1A880] =	vst v63  }
0x124: {  	_ =	swait.ge [sflag:s21], $0x2000  }
0x125: {  	[sflag:s21] =	ssyncset.done $0x0  }
0x126: {  	s31 =	simm.s32 $0xA;
	s23 =	rddreg [dreg:$0xe];
	[sflag:s21] =	ssyncadd.s32 $0xFFFFE000  }
0x127: {  	[hbm4b:s23+s14] =	stream.strided.scatter [tilespmem:s19], [sflag:$0x15], $0x2000, s17, s14, $0x38;
	[tilespmem:$0x1A880] =	vst v63  }
0x128: {  	_ =	swait.ge [sflag:s31], $0x2000  }
0x129: {  	[sflag:s31] =	ssyncset.done $0x0  }
0x12a: {  	s21 =	simm.s32 $0xB;
	s18 =	rddreg [dreg:$0xf];
	[sflag:s31] =	ssyncadd.s32 $0xFFFFE000  }
0x12b: {  	[hbm4b:s18+s14] =	stream.strided.scatter [tilespmem:s8], [sflag:$0x16], $0x2000, s17, s14, $0x38;
	[tilespmem:$0x1A880] =	vst v63  }
0x12c: {  	_ =	swait.ge [sflag:s21], $0x2000  }
0x12d: {  	[sflag:s21] =	ssyncset.done $0x0  }
0x12e: {  	s31 =	simm.s32 $0xC;
	s23 =	rddreg [dreg:$0x10];
	[sflag:s21] =	ssyncadd.s32 $0xFFFFE000  }
0x12f: {  	[hbm4b:s23+s14] =	stream.strided.scatter [tilespmem:s4], [sflag:$0x17], $0x2000, s17, s14, $0x38;
	[tilespmem:$0x1A880] =	vst v63  }
0x130: {  	_ =	swait.ge [sflag:s31], $0x2000  }
0x131: {  	[sflag:s31] =	ssyncset.done $0x0  }
0x132: {  	s18 =	rddreg [dreg:$0x11];
	[sflag:s31] =	ssyncadd.s32 $0xFFFFE000  }
0x133: {  	[hbm4b:s18+s14] =	stream.strided.scatter [tilespmem:s15], [sflag:$0x18], $0x2000, s17, s14, $0x38;
	[tilespmem:$0x1A880] =	vst v63  }
0x134: {  	_ =	swait.ge [sflag:s25], $0x2000  }
0x135: {  	[sflag:s25] =	ssyncset.done $0x0  }
0x136: {  	s23 =	rddreg [dreg:$0x12];
	[sflag:s25] =	ssyncadd.s32 $0xFFFFE000  }
0x137: {  	[hbm4b:s23+s14] =	stream.strided.scatter [tilespmem:s0], [sflag:$0xD], $0x2000, s17, s14, $0x38;
	[tilespmem:$0x1A880] =	vst v63  }
0x138: {  	_ =	swait.ge [sflag:s28], $0x2000  }
0x139: {  	[sflag:s28] =	ssyncset.done $0x0  }
0x13a: {  	s31 =	rddreg [dreg:$0x13];
	[sflag:s28] =	ssyncadd.s32 $0xFFFFE000  }
0x13b: {  	[hbm4b:s31+s14] =	stream.strided.scatter [tilespmem:s13], [sflag:$0xE], $0x2000, s17, s14, $0x38;
	[tilespmem:$0x1A880] =	vst v63  }
0x13c: {  	_ =	swait.ge [sflag:s29], $0x2000  }
0x13d: {  	[sflag:s29] =	ssyncset.done $0x0  }
0x13e: {  	s2 =	rddreg [dreg:$0x14];
	[sflag:s29] =	ssyncadd.s32 $0xFFFFE000  }
0x13f: {  	[hbm4b:s2+s14] =	stream.strided.scatter [tilespmem:s12], [sflag:$0xF], $0x2000, s17, s14, $0x38;
	[tilespmem:$0x1A880] =	vst v63  }
0x140: {  	_ =	swait.ge [sflag:s24], $0x2000  }
0x141: {  	[sflag:s24] =	ssyncset.done $0x0  }
0x142: {  	s23 =	simm.s32 $0x19;
	s18 =	rddreg [dreg:$0x15];
	[sflag:s24] =	ssyncadd.s32 $0xFFFFE000  }
0x143: {  	[hbm4b:s18+s14] =	stream.strided.scatter [tilespmem:s11], [sflag:$0x10], $0x2000, s17, s14, $0x38;
	[tilespmem:$0x1A880] =	vst v63  }
0x144: {  	_ =	swait.ge [sflag:s23], $0x2000  }
0x145: {  	[sflag:s23] =	ssyncset.done $0x0  }
0x146: {  	s22 =	simm.s32 $0x0;
	s31 =	rddreg [dreg:$0x16];
	[sflag:s23] =	ssyncadd.s32 $0xFFFFE000  }
0x147: {  	[hbm4b:s31+s22] =	stream.linear.scatter [tilespmem:s16], [sflag:$0x1A], $0x2000, $0x38;
	[tilespmem:$0x1A880] =	vst v63  }
0x148: {  	_ =	swait.ge [sflag:s3], $0x2000  }
0x149: {  	[sflag:s3] =	ssyncset.done $0x0  }
0x14a: {  	s18 =	simm.s32 $0x11;
	[sflag:s3] =	ssyncadd.s32 $0xFFFFE000  }
0x14b: {  	_ =	swait.ge [sflag:s18], $0x2000  }
0x14c: {  	[sflag:s18] =	ssyncset.done $0x0  }
0x14d: {  	s21 =	simm.s32 $0x12;
	[sflag:s18] =	ssyncadd.s32 $0xFFFFE000  }
0x14e: {  	_ =	swait.ge [sflag:s21], $0x2000  }
0x14f: {  	[sflag:s21] =	ssyncset.done $0x0  }
0x150: {  	s23 =	simm.s32 $0x13;
	[sflag:s21] =	ssyncadd.s32 $0xFFFFE000  }
0x151: {  	_ =	swait.ge [sflag:s23], $0x2000  }
0x152: {  	[sflag:s23] =	ssyncset.done $0x0  }
0x153: {  	s31 =	simm.s32 $0x14;
	[sflag:s23] =	ssyncadd.s32 $0xFFFFE000  }
0x154: {  	_ =	swait.ge [sflag:s31], $0x2000  }
0x155: {  	[sflag:s31] =	ssyncset.done $0x0  }
0x156: {  	s18 =	simm.s32 $0x15;
	[sflag:s31] =	ssyncadd.s32 $0xFFFFE000  }
0x157: {  	_ =	swait.ge [sflag:s18], $0x2000  }
0x158: {  	[sflag:s18] =	ssyncset.done $0x0  }
0x159: {  	s21 =	simm.s32 $0x16;
	[sflag:s18] =	ssyncadd.s32 $0xFFFFE000  }
0x15a: {  	_ =	swait.ge [sflag:s21], $0x2000  }
0x15b: {  	[sflag:s21] =	ssyncset.done $0x0  }
0x15c: {  	s23 =	simm.s32 $0x17;
	[sflag:s21] =	ssyncadd.s32 $0xFFFFE000  }
0x15d: {  	_ =	swait.ge [sflag:s23], $0x2000  }
0x15e: {  	[sflag:s23] =	ssyncset.done $0x0  }
0x15f: {  	s31 =	simm.s32 $0x18;
	[sflag:s23] =	ssyncadd.s32 $0xFFFFE000  }
0x160: {  	_ =	swait.ge [sflag:s31], $0x2000  }
0x161: {  	[sflag:s31] =	ssyncset.done $0x0  }
0x162: {  	[sflag:s31] =	ssyncadd.s32 $0xFFFFE000  }
0x163: {  	_ =	swait.ge [sflag:s6], $0x2000  }
0x164: {  	[sflag:s6] =	ssyncset.done $0x0  }
0x165: {  	[sflag:s6] =	ssyncadd.s32 $0xFFFFE000  }
0x166: {  	_ =	swait.ge [sflag:s10], $0x2000  }
0x167: {  	[sflag:s10] =	ssyncset.done $0x0  }
0x168: {  	p1 =	sne.s32 s20, $0x1;
	[sflag:s10] =	ssyncadd.s32 $0xFFFFE000  }
.Ltmp2:
0x169: {  	_ =	swait.ge [sflag:s9], $0x2000;
	(pc) =	sbr.rel @p1 .LBB2_3-.Ltmp2, $4  }
0x16a: {  	[sflag:s9] =	ssyncset.done $0x0  }
0x16b: {  	[sflag:s9] =	ssyncadd.s32 $0xFFFFE000  }
0x16c: {  	_ =	swait.ge [sflag:s7], $0x2000  }
0x16d: {  	s20 =	sadd.s32 $0xFFFFFFFF, s20;
	s21 =	rddreg [dreg:$0x4];
	[sflag:s7] =	ssyncset.done $0x0  }
0x16e: {  	s22 =	stileid.u32  }
.LBB2_5:
0x16f: {  	[sflag:s7] =	ssyncadd.s32 @p0 $0xFFFFE000;
	s2 =	simm.s32 $0x0  }
0x170: {  	[tilespmem:s2], [sflag:$0x1A] =	stream.linear.gather [hbm4b:s21+s2], $0x800, $0x38;
	[tilespmem:$0x1A880] =	vst v63  }
0x171: {  	_ =	swait.ge [sflag:s3], $0x800  }
0x172: {  	[sflag:s3] =	ssyncset.done $0x0  }
0x173: {  	s0 =	simm.s32 $0x800;
	s20 =	rddreg [dreg:$0x5];
	[sflag:s3] =	ssyncadd.s32 $0xFFFFF800  }
0x174: {  	[tilespmem:s0], [sflag:$0x1A] =	stream.linear.gather [hbm4b:s20+s2], $0x80, $0x38;
	[tilespmem:$0x1A880] =	vst v63  }
0x175: {  	_ =	swait.ge [sflag:s3], $0x80  }
0x176: {  	[sflag:s3] =	ssyncset.done $0x0  }
0x177: {  	s19 =	simm.s32 $0x880;
	[sflag:s3] =	ssyncadd.s32 $0xFFFFFF80  }
0x178: {  	[tilespmem:s19], [sflag:$0x19] =	stream.indirect.gather [hbm4b:s5+s1], $0x80, s0, s1, $0xb8;
	[tilespmem:$0x1A880] =	vst v63  }
0x179: {  	s13 =	simm.s32 $0x2880  }
0x17a: {  	[tilespmem:s13], [sflag:$0x1] =	stream.indirect.gather [hbm4b:s5+s1], $0x80, s2, s1, $0xb8;
	[tilespmem:$0x1A880] =	vst v63  }
0x17b: {  	s12 =	simm.s32 $0x4880;
	s30 =	rddreg [dreg:$0x17]  }
0x17c: {  	[tilespmem:s12], [sflag:$0x2] =	stream.indirect.gather [hbm4b:s5+s1], $0x80, s30, s1, $0xb8;
	[tilespmem:$0x1A880] =	vst v63  }
0x17d: {  	s11 =	simm.s32 $0x6880;
	s31 =	rddreg [dreg:$0x18]  }
0x17e: {  	[tilespmem:s11], [sflag:$0x3] =	stream.indirect.gather [hbm4b:s5+s1], $0x80, s31, s1, $0xb8;
	[tilespmem:$0x1A880] =	vst v63  }
0x17f: {  	s8 =	simm.s32 $0x8880;
	s0 =	rddreg [dreg:$0x19]  }
0x180: {  	[tilespmem:s8], [sflag:$0x4] =	stream.indirect.gather [hbm4b:s5+s1], $0x80, s0, s1, $0xb8;
	[tilespmem:$0x1A880] =	vst v63  }
0x181: {  	s4 =	rddreg [dreg:$0x1a];
	s30 =	simm.s32 $0xA880  }
0x182: {  	[tilespmem:s30], [sflag:$0x5] =	stream.indirect.gather [hbm4b:s5+s1], $0x80, s4, s1, $0xb8;
	[tilespmem:$0x1A880] =	vst v63  }
0x183: {  	s26 =	simm.s32 $0xC880;
	s15 =	rddreg [dreg:$0x1b]  }
0x184: {  	[tilespmem:s26], [sflag:$0x6] =	stream.indirect.gather [hbm4b:s5+s1], $0x80, s15, s1, $0xb8;
	[tilespmem:$0x1A880] =	vst v63  }
0x185: {  	s23 =	simm.s32 $0xE880;
	s16 =	rddreg [dreg:$0x1c]  }
0x186: {  	[tilespmem:s23], [sflag:$0x7] =	stream.indirect.gather [hbm4b:s5+s1], $0x80, s16, s1, $0xb8;
	[tilespmem:$0x1A880] =	vst v63  }
0x187: {  	s18 =	rddreg [dreg:$0x1d];
	s16 =	simm.s32 $0x10880  }
0x188: {  	[tilespmem:s16], [sflag:$0x8] =	stream.indirect.gather [hbm4b:s5+s1], $0x80, s18, s1, $0xb8;
	[tilespmem:$0x1A880] =	vst v63  }
0x189: {  	s31 =	rddreg [dreg:$0x1e];
	s18 =	simm.s32 $0x12880  }
0x18a: {  	[tilespmem:s18], [sflag:$0x9] =	stream.indirect.gather [hbm4b:s5+s1], $0x80, s14, s1, $0xb8;
	[tilespmem:$0x1A880] =	vst v63  }
0x18b: {  	s0 =	simm.s32 $0x14880;
	s4 =	rddreg [dreg:$0x1f]  }
0x18c: {  	[tilespmem:s0], [sflag:$0xA] =	stream.indirect.gather [hbm4b:s5+s1], $0x80, s31, s1, $0xb8;
	[tilespmem:$0x1A880] =	vst v63  }
0x18d: {  	s15 =	simm.s32 $0x16880;
	s31 =	sld [smem:$0x7F9]  }
0x18e: {  	[tilespmem:s15], [sflag:$0xB] =	stream.indirect.gather [hbm4b:s5+s1], $0x80, s4, s1, $0xb8;
	[tilespmem:$0x1A880] =	vst v63  }
0x18f: {  	s4 =	simm.s32 $0x18880  }
0x190: {  	[tilespmem:s4], [sflag:$0xC] =	stream.indirect.gather [hbm4b:s5+s1], $0x80, s31, s1, $0xb8;
	[tilespmem:$0x1A880] =	vst v63  }
0x191: {  	_ =	swait.ge [sflag:s25], $0x2000  }
0x192: {  	[sflag:s25] =	ssyncset.done $0x0  }
0x193: {  	s21 =	rddreg [dreg:$0x6];
	[sflag:s25] =	ssyncadd.s32 $0xFFFFE000  }
0x194: {  	[hbm4b:s21+s14] =	stream.strided.scatter [tilespmem:s13], [sflag:$0xD], $0x2000, s17, s14, $0x38;
	[tilespmem:$0x1A880] =	vst v63  }
0x195: {  	_ =	swait.ge [sflag:s6], $0x2000  }
0x196: {  	s31 =	sld [smem:$0x7FA]  }
0x197: {  	[sflag:s6] =	ssyncset.done $0x0  }
0x198: {  	[sflag:s6] =	ssyncadd.s32 $0xFFFFE000  }
0x199: {  	[tilespmem:s13], [sflag:$0x1] =	stream.indirect.gather [hbm4b:s5+s1], $0x80, s31, s1, $0xb8;
	[tilespmem:$0x1A880] =	vst v63  }
0x19a: {  	_ =	swait.ge [sflag:s28], $0x2000  }
0x19b: {  	[sflag:s28] =	ssyncset.done $0x0  }
0x19c: {  	s21 =	rddreg [dreg:$0x7];
	[sflag:s28] =	ssyncadd.s32 $0xFFFFE000  }
0x19d: {  	[hbm4b:s21+s14] =	stream.strided.scatter [tilespmem:s12], [sflag:$0xE], $0x2000, s17, s14, $0x38;
	[tilespmem:$0x1A880] =	vst v63  }
0x19e: {  	_ =	swait.ge [sflag:s10], $0x2000  }
0x19f: {  	s31 =	sld [smem:$0x7FB]  }
0x1a0: {  	[sflag:s10] =	ssyncset.done $0x0  }
0x1a1: {  	[sflag:s10] =	ssyncadd.s32 $0xFFFFE000  }
0x1a2: {  	[tilespmem:s12], [sflag:$0x2] =	stream.indirect.gather [hbm4b:s5+s1], $0x80, s31, s1, $0xb8;
	[tilespmem:$0x1A880] =	vst v63  }
0x1a3: {  	_ =	swait.ge [sflag:s29], $0x2000  }
0x1a4: {  	[sflag:s29] =	ssyncset.done $0x0  }
0x1a5: {  	s21 =	rddreg [dreg:$0x8];
	[sflag:s29] =	ssyncadd.s32 $0xFFFFE000  }
0x1a6: {  	[hbm4b:s21+s14] =	stream.strided.scatter [tilespmem:s11], [sflag:$0xF], $0x2000, s17, s14, $0x38;
	[tilespmem:$0x1A880] =	vst v63  }
0x1a7: {  	_ =	swait.ge [sflag:s9], $0x2000  }
0x1a8: {  	s31 =	sld [smem:$0x7FC]  }
0x1a9: {  	[sflag:s9] =	ssyncset.done $0x0  }
0x1aa: {  	[sflag:s9] =	ssyncadd.s32 $0xFFFFE000  }
0x1ab: {  	[tilespmem:s11], [sflag:$0x3] =	stream.indirect.gather [hbm4b:s5+s1], $0x80, s31, s1, $0xb8;
	[tilespmem:$0x1A880] =	vst v63  }
0x1ac: {  	_ =	swait.ge [sflag:s24], $0x2000  }
0x1ad: {  	[sflag:s24] =	ssyncset.done $0x0  }
0x1ae: {  	s21 =	rddreg [dreg:$0x9];
	[sflag:s24] =	ssyncadd.s32 $0xFFFFE000  }
0x1af: {  	[hbm4b:s21+s14] =	stream.strided.scatter [tilespmem:s8], [sflag:$0x10], $0x2000, s17, s14, $0x38;
	[tilespmem:$0x1A880] =	vst v63  }
0x1b0: {  	_ =	swait.ge [sflag:s7], $0x2000  }
0x1b1: {  	s31 =	sld [smem:$0x7FD]  }
0x1b2: {  	[sflag:s7] =	ssyncset.done $0x0  }
0x1b3: {  	s21 =	simm.s32 $0x5;
	[sflag:s7] =	ssyncadd.s32 $0xFFFFE000  }
0x1b4: {  	[tilespmem:s8], [sflag:$0x4] =	stream.indirect.gather [hbm4b:s5+s1], $0x80, s31, s1, $0xb8;
	[tilespmem:$0x1A880] =	vst v63  }
0x1b5: {  	_ =	swait.ge [sflag:s21], $0x2000  }
0x1b6: {  	[sflag:s21] =	ssyncset.done $0x0  }
0x1b7: {  	s1 =	simm.s32 $0x6;
	s31 =	rddreg [dreg:$0xa];
	[sflag:s21] =	ssyncadd.s32 $0xFFFFE000  }
0x1b8: {  	[hbm4b:s31+s14] =	stream.strided.scatter [tilespmem:s30], [sflag:$0x11], $0x2000, s17, s14, $0x38;
	[tilespmem:$0x1A880] =	vst v63  }
0x1b9: {  	_ =	swait.ge [sflag:s1], $0x2000  }
0x1ba: {  	[sflag:s1] =	ssyncset.done $0x0  }
0x1bb: {  	s21 =	simm.s32 $0x7;
	s20 =	rddreg [dreg:$0xb];
	[sflag:s1] =	ssyncadd.s32 $0xFFFFE000  }
0x1bc: {  	[hbm4b:s20+s14] =	stream.strided.scatter [tilespmem:s26], [sflag:$0x12], $0x2000, s17, s14, $0x38;
	[tilespmem:$0x1A880] =	vst v63  }
0x1bd: {  	_ =	swait.ge [sflag:s21], $0x2000  }
0x1be: {  	[sflag:s21] =	ssyncset.done $0x0  }
0x1bf: {  	s30 =	simm.s32 $0x8;
	s26 =	rddreg [dreg:$0xc];
	[sflag:s21] =	ssyncadd.s32 $0xFFFFE000  }
0x1c0: {  	[hbm4b:s26+s14] =	stream.strided.scatter [tilespmem:s23], [sflag:$0x13], $0x2000, s17, s14, $0x38;
	[tilespmem:$0x1A880] =	vst v63  }
0x1c1: {  	_ =	swait.ge [sflag:s30], $0x2000  }
0x1c2: {  	[sflag:s30] =	ssyncset.done $0x0  }
0x1c3: {  	s1 =	simm.s32 $0x9;
	s31 =	rddreg [dreg:$0xd];
	[sflag:s30] =	ssyncadd.s32 $0xFFFFE000  }
0x1c4: {  	[hbm4b:s31+s14] =	stream.strided.scatter [tilespmem:s16], [sflag:$0x14], $0x2000, s17, s14, $0x38;
	[tilespmem:$0x1A880] =	vst v63  }
0x1c5: {  	_ =	swait.ge [sflag:s1], $0x2000  }
0x1c6: {  	[sflag:s1] =	ssyncset.done $0x0  }
0x1c7: {  	s20 =	simm.s32 $0xA;
	s16 =	rddreg [dreg:$0xe];
	[sflag:s1] =	ssyncadd.s32 $0xFFFFE000  }
0x1c8: {  	[hbm4b:s16+s14] =	stream.strided.scatter [tilespmem:s18], [sflag:$0x15], $0x2000, s17, s14, $0x38;
	[tilespmem:$0x1A880] =	vst v63  }
0x1c9: {  	_ =	swait.ge [sflag:s20], $0x2000  }
0x1ca: {  	[sflag:s20] =	ssyncset.done $0x0  }
0x1cb: {  	s23 =	simm.s32 $0xB;
	s21 =	rddreg [dreg:$0xf];
	[sflag:s20] =	ssyncadd.s32 $0xFFFFE000  }
0x1cc: {  	[hbm4b:s21+s14] =	stream.strided.scatter [tilespmem:s0], [sflag:$0x16], $0x2000, s17, s14, $0x38;
	[tilespmem:$0x1A880] =	vst v63  }
0x1cd: {  	_ =	swait.ge [sflag:s23], $0x2000  }
0x1ce: {  	[sflag:s23] =	ssyncset.done $0x0  }
0x1cf: {  	s30 =	simm.s32 $0xC;
	s26 =	rddreg [dreg:$0x10];
	[sflag:s23] =	ssyncadd.s32 $0xFFFFE000  }
0x1d0: {  	[hbm4b:s26+s14] =	stream.strided.scatter [tilespmem:s15], [sflag:$0x17], $0x2000, s17, s14, $0x38;
	[tilespmem:$0x1A880] =	vst v63  }
0x1d1: {  	_ =	swait.ge [sflag:s30], $0x2000  }
0x1d2: {  	[sflag:s30] =	ssyncset.done $0x0  }
0x1d3: {  	s31 =	rddreg [dreg:$0x11];
	[sflag:s30] =	ssyncadd.s32 $0xFFFFE000  }
0x1d4: {  	[hbm4b:s31+s14] =	stream.strided.scatter [tilespmem:s4], [sflag:$0x18], $0x2000, s17, s14, $0x38;
	[tilespmem:$0x1A880] =	vst v63  }
0x1d5: {  	_ =	swait.ge [sflag:s25], $0x2000  }
0x1d6: {  	[sflag:s25] =	ssyncset.done $0x0  }
0x1d7: {  	s5 =	rddreg [dreg:$0x12];
	[sflag:s25] =	ssyncadd.s32 $0xFFFFE000  }
0x1d8: {  	[hbm4b:s5+s14] =	stream.strided.scatter [tilespmem:s13], [sflag:$0xD], $0x2000, s17, s14, $0x38;
	[tilespmem:$0x1A880] =	vst v63  }
0x1d9: {  	_ =	swait.ge [sflag:s28], $0x2000  }
0x1da: {  	[sflag:s28] =	ssyncset.done $0x0  }
0x1db: {  	s15 =	rddreg [dreg:$0x13];
	[sflag:s28] =	ssyncadd.s32 $0xFFFFE000  }
0x1dc: {  	[hbm4b:s15+s14] =	stream.strided.scatter [tilespmem:s12], [sflag:$0xE], $0x2000, s17, s14, $0x38;
	[tilespmem:$0x1A880] =	vst v63  }
0x1dd: {  	_ =	swait.ge [sflag:s29], $0x2000  }
0x1de: {  	[sflag:s29] =	ssyncset.done $0x0  }
0x1df: {  	s16 =	rddreg [dreg:$0x14];
	[sflag:s29] =	ssyncadd.s32 $0xFFFFE000  }
0x1e0: {  	[hbm4b:s16+s14] =	stream.strided.scatter [tilespmem:s11], [sflag:$0xF], $0x2000, s17, s14, $0x38;
	[tilespmem:$0x1A880] =	vst v63  }
0x1e1: {  	_ =	swait.ge [sflag:s24], $0x2000  }
0x1e2: {  	[sflag:s24] =	ssyncset.done $0x0  }
0x1e3: {  	s20 =	simm.s32 $0x19;
	s18 =	rddreg [dreg:$0x15];
	[sflag:s24] =	ssyncadd.s32 $0xFFFFE000  }
0x1e4: {  	[hbm4b:s18+s14] =	stream.strided.scatter [tilespmem:s8], [sflag:$0x10], $0x2000, s17, s14, $0x38;
	[tilespmem:$0x1A880] =	vst v63  }
0x1e5: {  	_ =	swait.ge [sflag:s20], $0x2000  }
0x1e6: {  	[sflag:s20] =	ssyncset.done $0x0  }
0x1e7: {  	s21 =	rddreg [dreg:$0x16];
	[sflag:s20] =	ssyncadd.s32 $0xFFFFE000  }
0x1e8: {  	[hbm4b:s21+s2] =	stream.linear.scatter [tilespmem:s19], [sflag:$0x1A], $0x2000, $0x38;
	[tilespmem:$0x1A880] =	vst v63  }
0x1e9: {  	_ =	swait.ge [sflag:s3], $0x2000  }
0x1ea: {  	[sflag:s3] =	ssyncset.done $0x0  }
0x1eb: {  	s23 =	simm.s32 $0x11;
	[sflag:s3] =	ssyncadd.s32 $0xFFFFE000  }
0x1ec: {  	_ =	swait.ge [sflag:s23], $0x2000  }
0x1ed: {  	[sflag:s23] =	ssyncset.done $0x0  }
0x1ee: {  	s24 =	simm.s32 $0x12;
	[sflag:s23] =	ssyncadd.s32 $0xFFFFE000  }
0x1ef: {  	_ =	swait.ge [sflag:s24], $0x2000  }
0x1f0: {  	[sflag:s24] =	ssyncset.done $0x0  }
0x1f1: {  	s25 =	simm.s32 $0x13;
	[sflag:s24] =	ssyncadd.s32 $0xFFFFE000  }
0x1f2: {  	_ =	swait.ge [sflag:s25], $0x2000  }
0x1f3: {  	[sflag:s25] =	ssyncset.done $0x0  }
0x1f4: {  	s26 =	simm.s32 $0x14;
	[sflag:s25] =	ssyncadd.s32 $0xFFFFE000  }
0x1f5: {  	_ =	swait.ge [sflag:s26], $0x2000  }
0x1f6: {  	[sflag:s26] =	ssyncset.done $0x0  }
0x1f7: {  	s28 =	simm.s32 $0x15;
	[sflag:s26] =	ssyncadd.s32 $0xFFFFE000  }
0x1f8: {  	_ =	swait.ge [sflag:s28], $0x2000  }
0x1f9: {  	[sflag:s28] =	ssyncset.done $0x0  }
0x1fa: {  	s29 =	simm.s32 $0x16;
	[sflag:s28] =	ssyncadd.s32 $0xFFFFE000  }
0x1fb: {  	_ =	swait.ge [sflag:s29], $0x2000  }
0x1fc: {  	[sflag:s29] =	ssyncset.done $0x0  }
0x1fd: {  	s30 =	simm.s32 $0x17;
	[sflag:s29] =	ssyncadd.s32 $0xFFFFE000  }
0x1fe: {  	_ =	swait.ge [sflag:s30], $0x2000  }
0x1ff: {  	[sflag:s30] =	ssyncset.done $0x0  }
0x200: {  	s31 =	simm.s32 $0x18;
	[sflag:s30] =	ssyncadd.s32 $0xFFFFE000  }
0x201: {  	_ =	swait.ge [sflag:s31], $0x2000  }
0x202: {  	[sflag:s31] =	ssyncset.done $0x0  }
0x203: {  	[sflag:s31] =	ssyncadd.s32 $0xFFFFE000  }
0x204: {  	_ =	swait.ge [sflag:s6], $0x2000  }
0x205: {  	[sflag:s6] =	ssyncset.done $0x0  }
0x206: {  	[sflag:s6] =	ssyncadd.s32 $0xFFFFE000  }
0x207: {  	_ =	swait.ge [sflag:s10], $0x2000  }
0x208: {  	[sflag:s10] =	ssyncset.done $0x0  }
0x209: {  	[sflag:s10] =	ssyncadd.s32 $0xFFFFE000  }
0x20a: {  	_ =	swait.ge [sflag:s9], $0x2000  }
0x20b: {  	[sflag:s9] =	ssyncset.done $0x0  }
0x20c: {  	[sflag:s9] =	ssyncadd.s32 $0xFFFFE000  }
0x20d: {  	_ =	swait.ge [sflag:s7], $0x2000  }
0x20e: {  	[sflag:s7] =	ssyncset.done $0x0  }
0x20f: {  	[sflag:s7] =	ssyncadd.s32 $0xFFFFE000  }
0x210: {  	_ =	sfence.sel $0x180000  }
0x211: {  	[bflag:$0x0] =	sbarrier.arrive $0xFFFF  }
0x212: {  	_ =	strace $0x90000047  }
0x213: {  	[bflag:$0x2] =	sbarrier.arrive $0xFFFF  }
0x214: {  	p0 =	sne.s32 s22, $0x0;
	s0 =	rddreg [dreg:$0x3]  }
0x215: {  	s0 =	sadd.s32 @!p0 $0x100000, s0  }
0x216: {  	[sflag:s0] =	ssyncadd.tile.s32 @!p0 $0x1;
	_ =	shalt  }
.LBB2_6:
.Ltmp3:
0x217: {  	(pc) =	sbr.rel .LBB2_5-.Ltmp3, $2  }
0x218: {  	_ =	sdelay $0x2  }
0x219: {  	s22 =	stileid.u32  }
.Lfunc_end2:
_tile_overlayer_lowered:
.L_overlay_start_2:
0x21a: {  	(tag) =	ssettag $0x2  }
0x21b: {  	s0 =	rddreg [dreg:$0x0];
	s2 =	stileid.u32  }
0x21c: {  	s1 =	rddreg [dreg:$0x1];
	p0 =	sne.s32 s2, $0x0  }
0x21d: {  	s3 =	rddreg [dreg:$0x2];
	[bflag:$0x3] =	sbarrier.arrive $0xFFFF;
	s2 =	simm.s32 @!p0 $0x1C1A  }
0x21e: {  	[timem:s3], [sflag:s2] =	dma.local @!p0 [hbm:s0], s1  }
0x21f: {  	s0 =	simm.s32 @!p0 $0x1A  }
0x220: {  	_ =	swait.ge @!p0 [sflag:s0], s1  }
0x221: {  	s1 =	ssub.s32 @!p0 $0x0, s1;
	[sflag:s0] =	ssyncset.done @!p0 $0x0  }
0x222: {  	[sflag:s0] =	ssyncadd.s32 @!p0 s1  }
0x223: {  	[bflag:$0x3] =	sbarrier.arrive $0xFFFF  }
0x224: {  	_ =	shalt  }

</sc_bundles>
